<compile_context>
chip_gen: v7x
topology: tpu7x:2x2x1
jax: 0.10.2.dev20260603
libtpu: 0.0.44.dev20260713+nightly
codegen_flags: <defaults>
</compile_context>

<pallas_src>
import functools

import jax
import jax.numpy as jnp
from jax import lax
from jax.experimental import pallas as pl
from jax.experimental.pallas import tpu as pltpu
from jax.experimental.pallas import tpu_sc as plsc

N = 10000
E = 320000
H = 128
C = 10
G = 100
NPG = 100
PAD = 128
HSIZE = G * PAD * PAD
NW = 32
RANGE = HSIZE // NW
CHUNK = 6400
NCHUNK = E // CHUNK
L = 16
UNROLL = 8

@functools.cache
def _sc_counts_fn():
    mesh = plsc.VectorSubcoreMesh(core_axis_name="c", subcore_axis_name="s")
    return pl.kernel(
        _sc_counts_body,
        mesh=mesh,
        out_type=jax.ShapeDtypeStruct((HSIZE,), jnp.float32),
        scratch_types=[
            pltpu.VMEM((RANGE,), jnp.float32),
            pltpu.VMEM((CHUNK,), jnp.int32),
            pltpu.VMEM((CHUNK,), jnp.int32),
            pltpu.SemaphoreType.DMA,
            pltpu.SemaphoreType.DMA,
        ],
        compiler_params=pltpu.CompilerParams(
            use_tc_tiling_on_sc=False, needs_layout_passes=False),
    )


def _sc_counts_body(flat_hbm, out_hbm, acc, buf0, buf1, sem0, sem1):
    cid = lax.axis_index("c")
    sid = lax.axis_index("s")
    wid = sid * 2 + cid
    lo = wid * RANGE

    zeros16 = jnp.zeros((L,), jnp.float32)

    def zero_body(i, _):
        acc[pl.ds(i * L, L)] = zeros16
        return 0

    lax.fori_loop(0, RANGE // L, zero_body, 0)

    def process(buf):
        @plsc.parallel_loop(0, CHUNK // L, 1, unroll=UNROLL)
        def vec_body(i):
            v = buf[pl.ds(i * L, L)]
            m = (v >= lo) & (v < lo + RANGE)
            idx = jnp.where(m, v - lo, 0)
            occ, last = plsc.scan_count(idx, mask=m)
            plsc.addupdate_scatter(acc, [idx], occ.astype(jnp.float32),
                                   mask=m & last)

    def fetch(cc, buf, sem):
        c = jnp.minimum(cc, NCHUNK - 2 + (cc % 2))
        return pltpu.async_copy(flat_hbm.at[pl.ds(c * CHUNK, CHUNK)], buf, sem)

    fetch(0, buf0, sem0)
    fetch(1, buf1, sem1)

    def pair_body(p, _):
        c0 = 2 * p
        pltpu.make_async_copy(flat_hbm.at[pl.ds(0, CHUNK)], buf0, sem0).wait()
        process(buf0)
        fetch(c0 + 2, buf0, sem0)
        pltpu.make_async_copy(flat_hbm.at[pl.ds(0, CHUNK)], buf1, sem1).wait()
        process(buf1)
        fetch(c0 + 3, buf1, sem1)
        return 0

    lax.fori_loop(0, NCHUNK // 2, pair_body, 0)
    pltpu.make_async_copy(flat_hbm.at[pl.ds(0, CHUNK)], buf0, sem0).wait()
    pltpu.make_async_copy(flat_hbm.at[pl.ds(0, CHUNK)], buf1, sem1).wait()
    pltpu.sync_copy(acc, out_hbm.at[pl.ds(lo, RANGE)])


_NR = G * PAD
_TR = 512
_NT = _NR // _TR


def _tc_body(xp, cnt,
             W1_0, b1_0, W2_0, b2_0, g_0, bt_0,
             W1_1, b1_1, W2_1, b2_1, g_1, bt_1,
             W1_2, b1_2, W2_2, b2_2, g_2, bt_2,
             c1_W, c1_b, c2_W, c2_b, l1_W, l1_b, l2_W, l2_b,
             out_o, sub_o, ge_o, pen_o,
             h_s, agg_s, tmp_s, a_s):
    f32 = jnp.float32
    inv_n = 1.0 / N

    row_ids = lax.broadcasted_iota(jnp.int32, (PAD, H), 0)
    mask_g = (row_ids < NPG).astype(f32)
    trow_ids = lax.broadcasted_iota(jnp.int32, (_TR, H), 0)
    mask_t = ((trow_ids % PAD) < NPG).astype(f32)

    def mlp_stats_loop(W1, b1, W2, b2):
        w1 = W1[...]
        w2 = W2[...]
        bb1 = b1[...]
        bb2 = b2[...]

        def body(t, carry):
            ssum, ssq = carry
            u = h_s[pl.ds(t * _TR, _TR), :] + agg_s[pl.ds(t * _TR, _TR), :]
            v = jnp.maximum(jnp.dot(u, w1, preferred_element_type=f32) + bb1, 0.0)
            w = jnp.maximum(jnp.dot(v, w2, preferred_element_type=f32) + bb2, 0.0)
            w = w * mask_t
            tmp_s[pl.ds(t * _TR, _TR), :] = w
            ssum = ssum + jnp.sum(w, axis=0, keepdims=True)
            ssq = ssq + jnp.sum(w * w, axis=0, keepdims=True)
            return ssum, ssq

        z = jnp.zeros((1, H), f32)
        ssum, ssq = lax.fori_loop(0, _NT, body, (z, z), unroll=5)
        mu = ssum * inv_n
        var = ssq * inv_n - mu * mu
        return mu, var

    def agg_loop(scale, shift, first):
        def body(g, _):
            r = pl.ds(g * PAD, PAD)
            if first:
                hg = xp[r, :]
            else:
                hg = (tmp_s[r, :] * scale + shift) * mask_g
            h_s[r, :] = hg
            cg = cnt[r, :]
            agg_s[r, :] = jnp.dot(cg, hg, preferred_element_type=f32)
            return 0

        lax.fori_loop(0, G, body, 0, unroll=4)

    agg_loop(None, None, True)
    mu, var = mlp_stats_loop(W1_0, b1_0, W2_0, b2_0)
    sc = g_0[...] * lax.rsqrt(var + 1e-5)
    sh = bt_0[...] - mu * sc
    agg_loop(sc, sh, False)
    mu, var = mlp_stats_loop(W1_1, b1_1, W2_1, b2_1)
    sc = g_1[...] * lax.rsqrt(var + 1e-5)
    sh = bt_1[...] - mu * sc
    agg_loop(sc, sh, False)
    mu, var = mlp_stats_loop(W1_2, b1_2, W2_2, b2_2)
    sc = g_2[...] * lax.rsqrt(var + 1e-5)
    sh = bt_2[...] - mu * sc

    c1w = c1_W[...]
    c1b = c1_b[...]
    c2w = c2_W[...]
    c2b = c2_b[...]

    def assign_body(t, _):
        r = pl.ds(t * _TR, _TR)
        hb = (tmp_s[r, :] * sc + sh) * mask_t
        h_s[r, :] = hb
        th = jnp.tanh(jnp.dot(hb, c1w, preferred_element_type=f32) + c1b)
        lg = jnp.dot(th, c2w, preferred_element_type=f32) + c2b
        mx = jnp.max(lg, axis=1, keepdims=True)
        e = jnp.exp(lg - mx)
        a_s[r, :] = e / jnp.sum(e, axis=1, keepdims=True)
        return 0

    lax.fori_loop(0, _NT, assign_body, 0, unroll=5)

    def pool_body(g, carry):
        r = pl.ds(g * PAD, PAD)
        hg = h_s[r, :]
        ag = a_s[r, :]
        a0 = ag[:, 0:1]
        sub_o[pl.ds(g, 1), :] = jnp.sum(a0 * hg, axis=0, keepdims=True)
        ge_o[pl.ds(g, 1), :] = jnp.sum(hg, axis=0, keepdims=True) * (1.0 / NPG)
        cg = cnt[r, :]
        mg = jnp.dot(cg, ag, preferred_element_type=f32)
        s00 = jnp.sum(mg[:, 0:1] * ag[:, 0:1])
        s01 = jnp.sum(mg[:, 0:1] * ag[:, 1:2])
        s10 = jnp.sum(mg[:, 1:2] * ag[:, 0:1])
        s11 = jnp.sum(mg[:, 1:2] * ag[:, 1:2])
        n0 = jnp.maximum(jnp.abs(s00) + jnp.abs(s01), 1e-12)
        n1 = jnp.maximum(jnp.abs(s10) + jnp.abs(s11), 1e-12)
        d0 = s00 / n0 - 1.0
        d1 = s11 / n1 - 1.0
        return carry + 0.5 * (d0 * d0 + d1 * d1)

    pen = lax.fori_loop(0, G, pool_body, jnp.float32(0.0), unroll=4)
    pen_o[...] = jnp.broadcast_to(pen * (1.0 / G), (1, 1))

    sub = sub_o[...]
    hh = jnp.maximum(jnp.dot(sub, l1_W[...], preferred_element_type=f32) + l1_b[...], 0.0)
    lg = jnp.dot(hh, l2_W[...], preferred_element_type=f32) + l2_b[...]
    mx = jnp.max(lg, axis=1, keepdims=True)
    lse = mx + jnp.log(jnp.sum(jnp.exp(lg - mx), axis=1, keepdims=True))
    out_o[...] = lg - lse


@jax.jit
def _run(x, edge_index,
         W1_0, b1_0, W2_0, b2_0, g_0, bt_0,
         W1_1, b1_1, W2_1, b2_1, g_1, bt_1,
         W1_2, b1_2, W2_2, b2_2, g_2, bt_2,
         c1_W, c1_b, c2_W, c2_b, l1_W, l1_b, l2_W, l2_b):
    src = edge_index[0].astype(jnp.int32)
    dst = edge_index[1].astype(jnp.int32)
    g = src // NPG
    flat = dst * PAD + (src - g * NPG) + g * (PAD * PAD - NPG * PAD)
    counts = _sc_counts_fn()(flat)
    cnt2 = counts.reshape(G * PAD, PAD)
    xp = jnp.pad(x.reshape(G, NPG, H), ((0, 0), (0, PAD - NPG), (0, 0)))
    xp = xp.reshape(G * PAD, H)

    f32 = jnp.float32
    outs = pl.pallas_call(
        _tc_body,
        out_shape=[
            jax.ShapeDtypeStruct((G, C), f32),
            jax.ShapeDtypeStruct((G, H), f32),
            jax.ShapeDtypeStruct((G, H), f32),
            jax.ShapeDtypeStruct((1, 1), f32),
        ],
        scratch_shapes=[
            pltpu.VMEM((_NR, H), f32),
            pltpu.VMEM((_NR, H), f32),
            pltpu.VMEM((_NR, H), f32),
            pltpu.VMEM((_NR, 2), f32),
        ],
    )(xp, cnt2,
      W1_0, b1_0.reshape(1, H), W2_0, b2_0.reshape(1, H), g_0.reshape(1, H), bt_0.reshape(1, H),
      W1_1, b1_1.reshape(1, H), W2_1, b2_1.reshape(1, H), g_1.reshape(1, H), bt_1.reshape(1, H),
      W1_2, b1_2.reshape(1, H), W2_2, b2_2.reshape(1, H), g_2.reshape(1, H), bt_2.reshape(1, H),
      c1_W, c1_b.reshape(1, H), c2_W, c2_b.reshape(1, 2),
      l1_W, l1_b.reshape(1, H), l2_W, l2_b.reshape(1, C))
    out, sub, ge, pen = outs
    return out, sub, ge, pen[0, 0]


def kernel(x, edge_index, batch,
           W1_0, b1_0, W2_0, b2_0, g_0, bt_0,
           W1_1, b1_1, W2_1, b2_1, g_1, bt_1,
           W1_2, b1_2, W2_2, b2_2, g_2, bt_2,
           c1_W, c1_b, c2_W, c2_b, l1_W, l1_b, l2_W, l2_b):
    del batch
    return _run(x, edge_index,
                W1_0, b1_0, W2_0, b2_0, g_0, bt_0,
                W1_1, b1_1, W2_1, b2_1, g_1, bt_1,
                W1_2, b1_2, W2_2, b2_2, g_2, bt_2,
                c1_W, c1_b, c2_W, c2_b, l1_W, l1_b, l2_W, l2_b)

# --- scband reference (transcript-rebuilt; emitter-appended) ---
"""Pipeline reference for scband-gibgin-75960791597152 (READ-ONLY COPY).

The authoritative reference and input builder live on the scoring server;
editing this copy changes nothing except your own understanding.
"""

import jax, jax.numpy as jnp
import numpy as np

N = 10000
E = 320000
F_IN = 128
H = 128
C = 10
G = 100
NPG = N // G


def setup_inputs(seed: int = 0):
    key = jax.random.key(seed)
    ks = jax.random.split(key, 16)
    x = jax.random.normal(ks[0], (N, F_IN), dtype=jnp.float32)
    src = jax.random.randint(ks[1], (E,), 0, N)
    off = jax.random.randint(ks[2], (E,), 0, NPG)
    dst = (src // NPG) * NPG + off  # keep edges within each graph of NPG nodes
    edge_index = jnp.stack([src, dst])
    batch = jnp.repeat(jnp.arange(G), NPG)

    def lin(k, i, o):
        return (jax.random.normal(k, (i, o), dtype=jnp.float32) / np.sqrt(i)).astype(jnp.float32)

    inp = {"x": x, "edge_index": edge_index, "batch": batch}
    ki = 3
    dims = [F_IN, H, H]
    for l in range(3):
        inp["W1_%d" % l] = lin(ks[ki], dims[l], H); ki += 1
        inp["b1_%d" % l] = jnp.zeros((H,), jnp.float32)
        inp["W2_%d" % l] = lin(ks[ki], H, H); ki += 1
        inp["b2_%d" % l] = jnp.zeros((H,), jnp.float32)
        inp["g_%d" % l] = jnp.ones((H,), jnp.float32)
        inp["bt_%d" % l] = jnp.zeros((H,), jnp.float32)
    inp["c1_W"] = lin(ks[ki], H, H); ki += 1
    inp["c1_b"] = jnp.zeros((H,), jnp.float32)
    inp["c2_W"] = lin(ks[ki], H, 2); ki += 1
    inp["c2_b"] = jnp.zeros((2,), jnp.float32)
    inp["l1_W"] = lin(ks[ki], H, H); ki += 1
    inp["l1_b"] = jnp.zeros((H,), jnp.float32)
    inp["l2_W"] = lin(ks[ki], H, C); ki += 1
    inp["l2_b"] = jnp.zeros((C,), jnp.float32)
    return inp


def _bn(h, g, b):
    mu = jnp.mean(h, axis=0, keepdims=True)
    var = jnp.var(h, axis=0, keepdims=True)
    return (h - mu) / jnp.sqrt(var + 1e-5) * g + b


def _gin(x, edge_index, W1, b1, W2, b2, g, bt):
    # GINConv, train_eps=False, eps=0: nn((1+0)*x + sum_{j in N(i)} x_j)
    src, dst = edge_index[0], edge_index[1]
    agg = jax.ops.segment_sum(jnp.take(x, src, axis=0), dst, num_segments=x.shape[0])
    h = x + agg
    h = jax.nn.relu(h @ W1 + b1)
    h = jax.nn.relu(h @ W2 + b2)
    return _bn(h, g, bt)


def _forward(x, edge_index, batch, p):
    h = _gin(x, edge_index, p["W1_0"], p["b1_0"], p["W2_0"], p["b2_0"], p["g_0"], p["bt_0"])
    for l in (1, 2):
        h = _gin(h, edge_index, p["W1_%d" % l], p["b1_%d" % l], p["W2_%d" % l],
                 p["b2_%d" % l], p["g_%d" % l], p["bt_%d" % l])
    # assignment = softmax(cluster2(tanh(cluster1(h))))
    assignment = jax.nn.softmax(jnp.tanh(h @ p["c1_W"] + p["c1_b"]) @ p["c2_W"] + p["c2_b"], axis=1)
    num_graphs = G
    # subgraph_features: row 0 of S^T X per graph == sum_i assignment[i,0]*h[i]
    sub = jax.ops.segment_sum(assignment[:, 0:1] * h, batch, num_segments=num_graphs)
    cnt = jax.ops.segment_sum(jnp.ones((h.shape[0],), jnp.float32), batch, num_segments=num_graphs)
    graph_emb = jax.ops.segment_sum(h, batch, num_segments=num_graphs) / cnt[:, None]
    # connectivity penalty: new_adj = S^T A S per graph (A from intra-graph edges)
    src, dst = edge_index[0], edge_index[1]
    outer = jnp.take(assignment, src, axis=0)[:, :, None] * jnp.take(assignment, dst, axis=0)[:, None, :]
    edge_graph = jnp.take(batch, src, axis=0)
    new_adj = jax.ops.segment_sum(outer, edge_graph, num_segments=num_graphs)  # [G,2,2]
    row_norm = jnp.maximum(jnp.sum(jnp.abs(new_adj), axis=2, keepdims=True), 1e-12)
    norm_adj = new_adj / row_norm
    diag = jnp.diagonal(norm_adj, axis1=1, axis2=2)  # [G,2]
    con_penalty = jnp.sum(jnp.mean((diag - 1.0) ** 2, axis=1)) / num_graphs
    hh = jax.nn.relu(sub @ p["l1_W"] + p["l1_b"])
    # dropout p=0.5 skipped (eval-mode determinism)
    logits = hh @ p["l2_W"] + p["l2_b"]
    out = jax.nn.log_softmax(logits, axis=-1)
    return (out, sub, graph_emb, con_penalty)


def reference(x, edge_index, batch,
              W1_0, b1_0, W2_0, b2_0, g_0, bt_0,
              W1_1, b1_1, W2_1, b2_1, g_1, bt_1,
              W1_2, b1_2, W2_2, b2_2, g_2, bt_2,
              c1_W, c1_b, c2_W, c2_b, l1_W, l1_b, l2_W, l2_b):
    p = {
        "W1_0": W1_0, "b1_0": b1_0, "W2_0": W2_0, "b2_0": b2_0, "g_0": g_0, "bt_0": bt_0,
        "W1_1": W1_1, "b1_1": b1_1, "W2_1": W2_1, "b2_1": b2_1, "g_1": g_1, "bt_1": bt_1,
        "W1_2": W1_2, "b1_2": b1_2, "W2_2": W2_2, "b2_2": b2_2, "g_2": g_2, "bt_2": bt_2,
        "c1_W": c1_W, "c1_b": c1_b, "c2_W": c2_W, "c2_b": c2_b,
        "l1_W": l1_W, "l1_b": l1_b, "l2_W": l2_W, "l2_b": l2_b,
    }
    return _forward(x, edge_index, batch, p)

if __name__ == "__main__":
    import jax
    _d = setup_inputs()
    print(jax.jit(kernel)(*tuple(_d.values())))

</pallas_src>

<mosaic_0001>
#map = affine_map<(d0, d1) -> (0)>
module attributes {stable_mosaic.version = 14 : i64} {
  func.func @_sc_counts_body(%arg0: i32, %arg1: i32, %arg2: memref<320000xi32, #tpu.memory_space<hbm>>, %arg3: memref<1638400xf32, #tpu.memory_space<hbm>>, %arg4: memref<51200xf32, #tpu.memory_space<vmem>>, %arg5: memref<6400xi32, #tpu.memory_space<vmem>>, %arg6: memref<6400xi32, #tpu.memory_space<vmem>>, %arg7: memref<!tpu.dma_semaphore, #tpu.memory_space<semaphore_mem>>, %arg8: memref<!tpu.dma_semaphore, #tpu.memory_space<semaphore_mem>>) attributes {dimension_semantics = [#tpu.dimension_semantics<core_parallel>, #tpu.dimension_semantics<subcore_parallel>], iteration_bounds = array<i64: 2, 16>, scalar_prefetch = 0 : i64, scratch_operands = 5 : i64, tpu.core_type = #tpu.core_type<sc_vector_subcore>, window_params = [{transform_indices = #map}, {transform_indices = #map}]} {
    %mul3A = arith.constant 2 : i32
    %mul3A_0 = arith.muli %arg1, %mul3A : i32
    %add3A = arith.addi %mul3A_0, %arg0 : i32
    %mul3A_1 = arith.constant 51200 : i32
    %mul3A_2 = arith.muli %add3A, %mul3A_1 : i32
    %broadcast_in_dim3A = arith.constant 0.000000e+00 : f32
    %broadcast_in_dim3A_3 = vector.broadcast %broadcast_in_dim3A : f32 to vector<16xf32>
    %scan3A = arith.constant 0 : i32
    %scan3A_4 = arith.constant 0 : i32
    %scan3A_5 = arith.constant 3200 : i32
    %scan3A_6 = arith.addi %scan3A_4, %scan3A_5 : i32
    %scan3A_7 = arith.constant 1 : i32
    %scan3A_8 = scf.for %scan3A_36 = %scan3A_4 to %scan3A_6 step %scan3A_7 iter_args(%scan3A_37 = %scan3A) -> (i32)  : i32 {
      %mul3A_38 = arith.constant 16 : i32
      %mul3A_39 = arith.muli %scan3A_36, %mul3A_38 : i32
      %swap3A = arith.index_cast %mul3A_39 : i32 to index
      %swap3A_40 = tpu.vector_load %arg4[%swap3A] {strides = array<i32>} : memref<51200xf32, #tpu.memory_space<vmem>>, vector<16xf32>,
      tpu.vector_store %arg4[%swap3A], %broadcast_in_dim3A_3 {strides = array<i32>} : memref<51200xf32, #tpu.memory_space<vmem>>, vector<16xf32>,
      %scan3A_41 = arith.constant 0 : i32
      scf.yield %scan3A_41 : i32
    }
    %scan3A_9 = arith.constant 3200 : i32
    %min3A = arith.constant 0 : i32
    %min3A_10 = arith.constant 48 : i32
    %min3A_11 = arith.minsi %min3A, %min3A_10 : i32
    %mul3A_12 = arith.constant 6400 : i32
    %mul3A_13 = arith.muli %min3A_11, %mul3A_12 : i32
    %dma_start3A = tpu.memref_slice %arg2[%mul3A_13] : memref<320000xi32, #tpu.memory_space<hbm>> -> memref<6400xi32, #tpu.memory_space<hbm>>
    %dma_start3A_14 = tpu.memref_slice %arg2[%mul3A_13] : memref<320000xi32, #tpu.memory_space<hbm>> -> memref<6400xi32, #tpu.memory_space<hbm>>
    tpu.enqueue_dma source(%dma_start3A_14 : memref<6400xi32, #tpu.memory_space<hbm>>) target(%arg5 : memref<6400xi32, #tpu.memory_space<vmem>>) target_semaphore(%arg7 : memref<!tpu.dma_semaphore, #tpu.memory_space<semaphore_mem>>)
    %min3A_15 = arith.constant 1 : i32
    %min3A_16 = arith.constant 49 : i32
    %min3A_17 = arith.minsi %min3A_15, %min3A_16 : i32
    %mul3A_18 = arith.constant 6400 : i32
    %mul3A_19 = arith.muli %min3A_17, %mul3A_18 : i32
    %dma_start3A_20 = tpu.memref_slice %arg2[%mul3A_19] : memref<320000xi32, #tpu.memory_space<hbm>> -> memref<6400xi32, #tpu.memory_space<hbm>>
    %dma_start3A_21 = tpu.memref_slice %arg2[%mul3A_19] : memref<320000xi32, #tpu.memory_space<hbm>> -> memref<6400xi32, #tpu.memory_space<hbm>>
    tpu.enqueue_dma source(%dma_start3A_21 : memref<6400xi32, #tpu.memory_space<hbm>>) target(%arg6 : memref<6400xi32, #tpu.memory_space<vmem>>) target_semaphore(%arg8 : memref<!tpu.dma_semaphore, #tpu.memory_space<semaphore_mem>>)
    %scan3A_22 = arith.constant 0 : i32
    %scan3A_23 = arith.constant 0 : i32
    %scan3A_24 = arith.constant 25 : i32
    %scan3A_25 = arith.addi %scan3A_23, %scan3A_24 : i32
    %scan3A_26 = arith.constant 1 : i32
    %scan3A_27 = scf.for %scan3A_36 = %scan3A_23 to %scan3A_25 step %scan3A_26 iter_args(%scan3A_37 = %scan3A_22) -> (i32)  : i32 {
      %mul3A_38 = arith.constant 2 : i32
      %mul3A_39 = arith.muli %mul3A_38, %scan3A_36 : i32
      %dma_wait3A_40 = arith.constant 0 : i32
      %dma_wait3A_41 = tpu.memref_slice %arg2[%dma_wait3A_40] : memref<320000xi32, #tpu.memory_space<hbm>> -> memref<6400xi32, #tpu.memory_space<hbm>>
      %dma_wait3A_42 = arith.constant 0 : i32
      %dma_wait3A_43 = tpu.memref_slice %arg2[%dma_wait3A_42] : memref<320000xi32, #tpu.memory_space<hbm>> -> memref<6400xi32, #tpu.memory_space<hbm>>
      tpu.wait_dma2 semaphore(%arg7 : memref<!tpu.dma_semaphore, #tpu.memory_space<semaphore_mem>>) src(%dma_wait3A_43 : memref<6400xi32, #tpu.memory_space<hbm>>) dst(%arg5 : memref<6400xi32, #tpu.memory_space<vmem>>)
      %parallel_loop3A = arith.constant 0 : i32
      %parallel_loop3A_44 = arith.constant 400 : i32
      %parallel_loop3A_45 = arith.constant 1 : i32
      scf.for %parallel_loop3A_97 = %parallel_loop3A to %parallel_loop3A_44 step %parallel_loop3A_45  : i32 {
        %parallel_loop3A_98 = arith.constant 16 : i32
        %parallel_loop3A_99 = arith.muli %parallel_loop3A_97, %parallel_loop3A_98 : i32
        %parallel_loop3A_100 = arith.index_cast %parallel_loop3A_99 : i32 to index
        %parallel_loop3A_101 = tpu.vector_load %arg5[%parallel_loop3A_100] {strides = array<i32>} : memref<6400xi32, #tpu.memory_space<vmem>>, vector<16xi32>,
        %parallel_loop3A_102 = vector.broadcast %mul3A_2 : i32 to vector<16xi32>
        %parallel_loop3A_103 = arith.cmpi sge, %parallel_loop3A_101, %parallel_loop3A_102 : vector<16xi32>
        %parallel_loop3A_104 = arith.constant 51200 : i32
        %parallel_loop3A_105 = arith.addi %mul3A_2, %parallel_loop3A_104 : i32
        %parallel_loop3A_106 = vector.broadcast %parallel_loop3A_105 : i32 to vector<16xi32>
        %parallel_loop3A_107 = arith.cmpi slt, %parallel_loop3A_101, %parallel_loop3A_106 : vector<16xi32>
        %parallel_loop3A_108 = arith.andi %parallel_loop3A_103, %parallel_loop3A_107 : vector<16xi1>
        %parallel_loop3A_109 = vector.broadcast %mul3A_2 : i32 to vector<16xi32>
        %parallel_loop3A_110 = arith.subi %parallel_loop3A_101, %parallel_loop3A_109 : vector<16xi32>
        %parallel_loop3A_111 = arith.constant 0 : i32
        %parallel_loop3A_112 = vector.broadcast %parallel_loop3A_111 : i32 to vector<16xi32>
        %parallel_loop3A_113 = arith.select %parallel_loop3A_108, %parallel_loop3A_110, %parallel_loop3A_112 : vector<16xi1>, vector<16xi32>
        %parallel_loop3A_114, %parallel_loop3A_115 = tpu.scan_count mask(%parallel_loop3A_108 : vector<16xi1>) value(%parallel_loop3A_113 : vector<16xi32>) : vector<16xi1>, vector<16xi32>
        %parallel_loop3A_116 = arith.sitofp %parallel_loop3A_115 : vector<16xi32> to vector<16xf32>
        %parallel_loop3A_117 = arith.andi %parallel_loop3A_108, %parallel_loop3A_114 : vector<16xi1>
        tpu.vector_store_idx %arg4[%parallel_loop3A_113], %parallel_loop3A_116 masked %parallel_loop3A_117 {add = true} : memref<51200xf32, #tpu.memory_space<vmem>>[vector<16xi32>], vector<16xf32>, vector<16xi1>
      } {sc.loop_unroll_factor = 8 : i64, sc.parallel_access}
      %add3A_46 = arith.constant 2 : i32
      %add3A_47 = arith.addi %mul3A_39, %add3A_46 : i32
      %jit3A = arith.constant 2 : i32
      %eq3A = arith.constant 0 : i32
      %eq3A_48 = arith.cmpi eq, %jit3A, %eq3A : i32
      %jit3A_49 = arith.constant 1 : i32
      %select_n3A = arith.select %eq3A_48, %jit3A_49, %jit3A : i32
      %rem3A = arith.remsi %add3A_47, %select_n3A : i32
      %ne3A = arith.constant 0 : i32
      %ne3A_50 = arith.cmpi ne, %rem3A, %ne3A : i32
      %lt3A = arith.constant 0 : i32
      %lt3A_51 = arith.cmpi slt, %rem3A, %lt3A : i32
      %lt3A_52 = arith.constant 0 : i32
      %lt3A_53 = arith.cmpi slt, %select_n3A, %lt3A_52 : i32
      %ne3A_54 = arith.xori %lt3A_51, %lt3A_53 : i1
      %and3A = arith.andi %ne3A_54, %ne3A_50 : i1
      %add3A_55 = arith.addi %rem3A, %select_n3A : i32
      %select_n3A_56 = arith.select %and3A, %add3A_55, %rem3A : i32
      %add3A_57 = arith.constant 48 : i32
      %add3A_58 = arith.addi %add3A_57, %select_n3A_56 : i32
      %min3A_59 = arith.minsi %add3A_47, %add3A_58 : i32
      %mul3A_60 = arith.constant 6400 : i32
      %mul3A_61 = arith.muli %min3A_59, %mul3A_60 : i32
      %dma_start3A_62 = tpu.memref_slice %arg2[%mul3A_61] : memref<320000xi32, #tpu.memory_space<hbm>> -> memref<6400xi32, #tpu.memory_space<hbm>>
      %dma_start3A_63 = tpu.memref_slice %arg2[%mul3A_61] : memref<320000xi32, #tpu.memory_space<hbm>> -> memref<6400xi32, #tpu.memory_space<hbm>>
      tpu.enqueue_dma source(%dma_start3A_63 : memref<6400xi32, #tpu.memory_space<hbm>>) target(%arg5 : memref<6400xi32, #tpu.memory_space<vmem>>) target_semaphore(%arg7 : memref<!tpu.dma_semaphore, #tpu.memory_space<semaphore_mem>>)
      %dma_wait3A_64 = arith.constant 0 : i32
      %dma_wait3A_65 = tpu.memref_slice %arg2[%dma_wait3A_64] : memref<320000xi32, #tpu.memory_space<hbm>> -> memref<6400xi32, #tpu.memory_space<hbm>>
      %dma_wait3A_66 = arith.constant 0 : i32
      %dma_wait3A_67 = tpu.memref_slice %arg2[%dma_wait3A_66] : memref<320000xi32, #tpu.memory_space<hbm>> -> memref<6400xi32, #tpu.memory_space<hbm>>
      tpu.wait_dma2 semaphore(%arg8 : memref<!tpu.dma_semaphore, #tpu.memory_space<semaphore_mem>>) src(%dma_wait3A_67 : memref<6400xi32, #tpu.memory_space<hbm>>) dst(%arg6 : memref<6400xi32, #tpu.memory_space<vmem>>)
      %parallel_loop3A_68 = arith.constant 0 : i32
      %parallel_loop3A_69 = arith.constant 400 : i32
      %parallel_loop3A_70 = arith.constant 1 : i32
      scf.for %parallel_loop3A_97 = %parallel_loop3A_68 to %parallel_loop3A_69 step %parallel_loop3A_70  : i32 {
        %parallel_loop3A_98 = arith.constant 16 : i32
        %parallel_loop3A_99 = arith.muli %parallel_loop3A_97, %parallel_loop3A_98 : i32
        %parallel_loop3A_100 = arith.index_cast %parallel_loop3A_99 : i32 to index
        %parallel_loop3A_101 = tpu.vector_load %arg6[%parallel_loop3A_100] {strides = array<i32>} : memref<6400xi32, #tpu.memory_space<vmem>>, vector<16xi32>,
        %parallel_loop3A_102 = vector.broadcast %mul3A_2 : i32 to vector<16xi32>
        %parallel_loop3A_103 = arith.cmpi sge, %parallel_loop3A_101, %parallel_loop3A_102 : vector<16xi32>
        %parallel_loop3A_104 = arith.constant 51200 : i32
        %parallel_loop3A_105 = arith.addi %mul3A_2, %parallel_loop3A_104 : i32
        %parallel_loop3A_106 = vector.broadcast %parallel_loop3A_105 : i32 to vector<16xi32>
        %parallel_loop3A_107 = arith.cmpi slt, %parallel_loop3A_101, %parallel_loop3A_106 : vector<16xi32>
        %parallel_loop3A_108 = arith.andi %parallel_loop3A_103, %parallel_loop3A_107 : vector<16xi1>
        %parallel_loop3A_109 = vector.broadcast %mul3A_2 : i32 to vector<16xi32>
        %parallel_loop3A_110 = arith.subi %parallel_loop3A_101, %parallel_loop3A_109 : vector<16xi32>
        %parallel_loop3A_111 = arith.constant 0 : i32
        %parallel_loop3A_112 = vector.broadcast %parallel_loop3A_111 : i32 to vector<16xi32>
        %parallel_loop3A_113 = arith.select %parallel_loop3A_108, %parallel_loop3A_110, %parallel_loop3A_112 : vector<16xi1>, vector<16xi32>
        %parallel_loop3A_114, %parallel_loop3A_115 = tpu.scan_count mask(%parallel_loop3A_108 : vector<16xi1>) value(%parallel_loop3A_113 : vector<16xi32>) : vector<16xi1>, vector<16xi32>
        %parallel_loop3A_116 = arith.sitofp %parallel_loop3A_115 : vector<16xi32> to vector<16xf32>
        %parallel_loop3A_117 = arith.andi %parallel_loop3A_108, %parallel_loop3A_114 : vector<16xi1>
        tpu.vector_store_idx %arg4[%parallel_loop3A_113], %parallel_loop3A_116 masked %parallel_loop3A_117 {add = true} : memref<51200xf32, #tpu.memory_space<vmem>>[vector<16xi32>], vector<16xf32>, vector<16xi1>
      } {sc.loop_unroll_factor = 8 : i64, sc.parallel_access}
      %add3A_71 = arith.constant 3 : i32
      %add3A_72 = arith.addi %mul3A_39, %add3A_71 : i32
      %jit3A_73 = arith.constant 2 : i32
      %eq3A_74 = arith.constant 0 : i32
      %eq3A_75 = arith.cmpi eq, %jit3A_73, %eq3A_74 : i32
      %jit3A_76 = arith.constant 1 : i32
      %select_n3A_77 = arith.select %eq3A_75, %jit3A_76, %jit3A_73 : i32
      %rem3A_78 = arith.remsi %add3A_72, %select_n3A_77 : i32
      %ne3A_79 = arith.constant 0 : i32
      %ne3A_80 = arith.cmpi ne, %rem3A_78, %ne3A_79 : i32
      %lt3A_81 = arith.constant 0 : i32
      %lt3A_82 = arith.cmpi slt, %rem3A_78, %lt3A_81 : i32
      %lt3A_83 = arith.constant 0 : i32
      %lt3A_84 = arith.cmpi slt, %select_n3A_77, %lt3A_83 : i32
      %ne3A_85 = arith.xori %lt3A_82, %lt3A_84 : i1
      %and3A_86 = arith.andi %ne3A_85, %ne3A_80 : i1
      %add3A_87 = arith.addi %rem3A_78, %select_n3A_77 : i32
      %select_n3A_88 = arith.select %and3A_86, %add3A_87, %rem3A_78 : i32
      %add3A_89 = arith.constant 48 : i32
      %add3A_90 = arith.addi %add3A_89, %select_n3A_88 : i32
      %min3A_91 = arith.minsi %add3A_72, %add3A_90 : i32
      %mul3A_92 = arith.constant 6400 : i32
      %mul3A_93 = arith.muli %min3A_91, %mul3A_92 : i32
      %dma_start3A_94 = tpu.memref_slice %arg2[%mul3A_93] : memref<320000xi32, #tpu.memory_space<hbm>> -> memref<6400xi32, #tpu.memory_space<hbm>>
      %dma_start3A_95 = tpu.memref_slice %arg2[%mul3A_93] : memref<320000xi32, #tpu.memory_space<hbm>> -> memref<6400xi32, #tpu.memory_space<hbm>>
      tpu.enqueue_dma source(%dma_start3A_95 : memref<6400xi32, #tpu.memory_space<hbm>>) target(%arg6 : memref<6400xi32, #tpu.memory_space<vmem>>) target_semaphore(%arg8 : memref<!tpu.dma_semaphore, #tpu.memory_space<semaphore_mem>>)
      %scan3A_96 = arith.constant 0 : i32
      scf.yield %scan3A_96 : i32
    }
    %scan3A_28 = arith.constant 25 : i32
    %dma_wait3A = arith.constant 0 : i32
    %dma_wait3A_29 = tpu.memref_slice %arg2[%dma_wait3A] : memref<320000xi32, #tpu.memory_space<hbm>> -> memref<6400xi32, #tpu.memory_space<hbm>>
    %dma_wait3A_30 = arith.constant 0 : i32
    %dma_wait3A_31 = tpu.memref_slice %arg2[%dma_wait3A_30] : memref<320000xi32, #tpu.memory_space<hbm>> -> memref<6400xi32, #tpu.memory_space<hbm>>
    tpu.wait_dma2 semaphore(%arg7 : memref<!tpu.dma_semaphore, #tpu.memory_space<semaphore_mem>>) src(%dma_wait3A_31 : memref<6400xi32, #tpu.memory_space<hbm>>) dst(%arg5 : memref<6400xi32, #tpu.memory_space<vmem>>)
    %dma_wait3A_32 = arith.constant 0 : i32
    %dma_wait3A_33 = tpu.memref_slice %arg2[%dma_wait3A_32] : memref<320000xi32, #tpu.memory_space<hbm>> -> memref<6400xi32, #tpu.memory_space<hbm>>
    %dma_wait3A_34 = arith.constant 0 : i32
    %dma_wait3A_35 = tpu.memref_slice %arg2[%dma_wait3A_34] : memref<320000xi32, #tpu.memory_space<hbm>> -> memref<6400xi32, #tpu.memory_space<hbm>>
    tpu.wait_dma2 semaphore(%arg8 : memref<!tpu.dma_semaphore, #tpu.memory_space<semaphore_mem>>) src(%dma_wait3A_35 : memref<6400xi32, #tpu.memory_space<hbm>>) dst(%arg6 : memref<6400xi32, #tpu.memory_space<vmem>>)
    "tpu.region"() ({
      %run_scoped3A = tpu.sem_alloc : memref<!tpu.dma_semaphore, #tpu.memory_space<semaphore_mem>>
      %dma_start3A_36 = tpu.memref_slice %arg3[%mul3A_2] : memref<1638400xf32, #tpu.memory_space<hbm>> -> memref<51200xf32, #tpu.memory_space<hbm>>
      %dma_start3A_37 = tpu.memref_slice %arg3[%mul3A_2] : memref<1638400xf32, #tpu.memory_space<hbm>> -> memref<51200xf32, #tpu.memory_space<hbm>>
      tpu.enqueue_dma source(%arg4 : memref<51200xf32, #tpu.memory_space<vmem>>) target(%dma_start3A_37 : memref<51200xf32, #tpu.memory_space<hbm>>) target_semaphore(%run_scoped3A : memref<!tpu.dma_semaphore, #tpu.memory_space<semaphore_mem>>)
      %dma_wait3A_38 = tpu.memref_slice %arg3[%mul3A_2] : memref<1638400xf32, #tpu.memory_space<hbm>> -> memref<51200xf32, #tpu.memory_space<hbm>>
      %dma_wait3A_39 = tpu.memref_slice %arg3[%mul3A_2] : memref<1638400xf32, #tpu.memory_space<hbm>> -> memref<51200xf32, #tpu.memory_space<hbm>>
      tpu.wait_dma2 semaphore(%run_scoped3A : memref<!tpu.dma_semaphore, #tpu.memory_space<semaphore_mem>>) src(%arg4 : memref<51200xf32, #tpu.memory_space<vmem>>) dst(%dma_wait3A_39 : memref<51200xf32, #tpu.memory_space<hbm>>)
      tpu.yield
    }) : () -> ()
    return
  }
}

module attributes {stable_mosaic.version = 14 : i64} {
  func.func @_tc_body(%arg0: memref<12800x128xf32, #tpu.memory_space<vmem>>, %arg1: memref<12800x128xf32, #tpu.memory_space<vmem>>, %arg2: memref<128x128xf32, #tpu.memory_space<vmem>>, %arg3: memref<1x128xf32, #tpu.memory_space<vmem>>, %arg4: memref<128x128xf32, #tpu.memory_space<vmem>>, %arg5: memref<1x128xf32, #tpu.memory_space<vmem>>, %arg6: memref<1x128xf32, #tpu.memory_space<vmem>>, %arg7: memref<1x128xf32, #tpu.memory_space<vmem>>, %arg8: memref<128x128xf32, #tpu.memory_space<vmem>>, %arg9: memref<1x128xf32, #tpu.memory_space<vmem>>, %arg10: memref<128x128xf32, #tpu.memory_space<vmem>>, %arg11: memref<1x128xf32, #tpu.memory_space<vmem>>, %arg12: memref<1x128xf32, #tpu.memory_space<vmem>>, %arg13: memref<1x128xf32, #tpu.memory_space<vmem>>, %arg14: memref<128x128xf32, #tpu.memory_space<vmem>>, %arg15: memref<1x128xf32, #tpu.memory_space<vmem>>, %arg16: memref<128x128xf32, #tpu.memory_space<vmem>>, %arg17: memref<1x128xf32, #tpu.memory_space<vmem>>, %arg18: memref<1x128xf32, #tpu.memory_space<vmem>>, %arg19: memref<1x128xf32, #tpu.memory_space<vmem>>, %arg20: memref<128x128xf32, #tpu.memory_space<vmem>>, %arg21: memref<1x128xf32, #tpu.memory_space<vmem>>, %arg22: memref<128x2xf32, #tpu.memory_space<vmem>>, %arg23: memref<1x2xf32, #tpu.memory_space<vmem>>, %arg24: memref<128x128xf32, #tpu.memory_space<vmem>>, %arg25: memref<1x128xf32, #tpu.memory_space<vmem>>, %arg26: memref<128x10xf32, #tpu.memory_space<vmem>>, %arg27: memref<1x10xf32, #tpu.memory_space<vmem>>, %arg28: memref<100x10xf32, #tpu.memory_space<vmem>>, %arg29: memref<100x128xf32, #tpu.memory_space<vmem>>, %arg30: memref<100x128xf32, #tpu.memory_space<vmem>>, %arg31: memref<1x1xf32, #tpu.memory_space<vmem>>, %arg32: memref<12800x128xf32, #tpu.memory_space<vmem>>, %arg33: memref<12800x128xf32, #tpu.memory_space<vmem>>, %arg34: memref<12800x128xf32, #tpu.memory_space<vmem>>, %arg35: memref<12800x2xf32, #tpu.memory_space<vmem>>) attributes {dimension_semantics = [], scalar_prefetch = 0 : i64, scratch_operands = 4 : i64, tpu.core_type = #tpu.core_type<tc>} {
    %iota3A = tpu.iota {dimensions = array<i32: 0>} : vector<128x128xi32>
    %lt3A = arith.constant 100 : i32
    %lt3A_0 = vector.broadcast %lt3A : i32 to vector<128x128xi32>
    %lt3A_1 = arith.cmpi slt, %iota3A, %lt3A_0 : vector<128x128xi32>
    %convert_element_type3A = arith.extui %lt3A_1 : vector<128x128xi1> to vector<128x128xi32>
    %convert_element_type3A_2 = arith.sitofp %convert_element_type3A : vector<128x128xi32> to vector<128x128xf32>
    %iota3A_3 = tpu.iota {dimensions = array<i32: 0>} : vector<512x128xi32>
    %jit3A = arith.constant 128 : i32
    %eq3A = arith.constant 0 : i32
    %eq3A_4 = arith.cmpi eq, %jit3A, %eq3A : i32
    %jit3A_5 = arith.constant 1 : i32
    %select_n3A = arith.select %eq3A_4, %jit3A_5, %jit3A : i32
    %rem3A = vector.broadcast %select_n3A : i32 to vector<512x128xi32>
    %rem3A_6 = arith.remsi %iota3A_3, %rem3A : vector<512x128xi32>
    %ne3A = arith.constant 0 : i32
    %ne3A_7 = vector.broadcast %ne3A : i32 to vector<512x128xi32>
    %ne3A_8 = arith.cmpi ne, %rem3A_6, %ne3A_7 : vector<512x128xi32>
    %lt3A_9 = arith.constant 0 : i32
    %lt3A_10 = vector.broadcast %lt3A_9 : i32 to vector<512x128xi32>
    %lt3A_11 = arith.cmpi slt, %rem3A_6, %lt3A_10 : vector<512x128xi32>
    %lt3A_12 = arith.constant 0 : i32
    %lt3A_13 = arith.cmpi slt, %select_n3A, %lt3A_12 : i32
    %ne3A_14 = vector.broadcast %lt3A_13 : i1 to vector<512x128xi1>
    %ne3A_15 = vector.broadcast %ne3A_14 : vector<512x128xi1> to vector<512x128xi1>
    %ne3A_16 = arith.xori %lt3A_11, %ne3A_15 : vector<512x128xi1>
    %and3A = arith.andi %ne3A_16, %ne3A_8 : vector<512x128xi1>
    %add3A = vector.broadcast %select_n3A : i32 to vector<512x128xi32>
    %add3A_17 = arith.addi %rem3A_6, %add3A : vector<512x128xi32>
    %select_n3A_18 = arith.select %and3A, %add3A_17, %rem3A_6 : vector<512x128xi1>, vector<512x128xi32>
    %lt3A_19 = arith.constant 100 : i32
    %lt3A_20 = vector.broadcast %lt3A_19 : i32 to vector<512x128xi32>
    %lt3A_21 = arith.cmpi slt, %select_n3A_18, %lt3A_20 : vector<512x128xi32>
    %convert_element_type3A_22 = arith.extui %lt3A_21 : vector<512x128xi1> to vector<512x128xi32>
    %convert_element_type3A_23 = arith.sitofp %convert_element_type3A_22 : vector<512x128xi32> to vector<512x128xf32>
    %scan3A = arith.constant 0 : i32
    %scan3A_24 = arith.constant 100 : i32
    %scan3A_25 = arith.addi %scan3A, %scan3A_24 : i32
    %scan3A_26 = arith.constant 4 : i32
    scf.for %scan3A_221 = %scan3A to %scan3A_25 step %scan3A_26  : i32 {
      %mul3A_222 = arith.constant 128 : i32
      %mul3A_223 = arith.muli %scan3A_221, %mul3A_222 : i32
      %get3A_224 = arith.index_cast %mul3A_223 : i32 to index
      %get3A_225 = arith.constant 0 : index
      %get3A_226 = vector.load %arg0[%get3A_224, %get3A_225] : memref<12800x128xf32, #tpu.memory_space<vmem>>, vector<128x128xf32>
      %swap3A_227 = arith.index_cast %mul3A_223 : i32 to index
      %swap3A_228 = arith.constant 0 : index
      %swap3A_229 = vector.load %arg32[%swap3A_227, %swap3A_228] : memref<12800x128xf32, #tpu.memory_space<vmem>>, vector<128x128xf32>
      tpu.vector_store %arg32[%swap3A_227, %swap3A_228], %get3A_226 {strides = array<i32>} : memref<12800x128xf32, #tpu.memory_space<vmem>>, vector<128x128xf32>,
      %get3A_230 = arith.index_cast %mul3A_223 : i32 to index
      %get3A_231 = arith.constant 0 : index
      %get3A_232 = vector.load %arg1[%get3A_230, %get3A_231] : memref<12800x128xf32, #tpu.memory_space<vmem>>, vector<128x128xf32>
      %dot_general3A_233 = arith.constant dense<0.000000e+00> : vector<128x128xf32>
      %dot_general3A_234 = tpu.matmul %get3A_232, %get3A_226, %dot_general3A_233 {dimension_numbers = #tpu.dot_dimension_numbers<[1], [0], [0], [1], [0, 0, 1, 1], [], []>, transpose_lhs_hint = false} : vector<128x128xf32>, vector<128x128xf32>, vector<128x128xf32> -> vector<128x128xf32>
      %swap3A_235 = arith.index_cast %mul3A_223 : i32 to index
      %swap3A_236 = arith.constant 0 : index
      %swap3A_237 = vector.load %arg33[%swap3A_235, %swap3A_236] : memref<12800x128xf32, #tpu.memory_space<vmem>>, vector<128x128xf32>
      tpu.vector_store %arg33[%swap3A_235, %swap3A_236], %dot_general3A_234 {strides = array<i32>} : memref<12800x128xf32, #tpu.memory_space<vmem>>, vector<128x128xf32>,
      %scan3A_238 = arith.constant 1 : i32
      %scan3A_239 = arith.addi %scan3A_221, %scan3A_238 : i32
      %mul3A_240 = arith.constant 128 : i32
      %mul3A_241 = arith.muli %scan3A_239, %mul3A_240 : i32
      %get3A_242 = arith.index_cast %mul3A_241 : i32 to index
      %get3A_243 = arith.constant 0 : index
      %get3A_244 = vector.load %arg0[%get3A_242, %get3A_243] : memref<12800x128xf32, #tpu.memory_space<vmem>>, vector<128x128xf32>
      %swap3A_245 = arith.index_cast %mul3A_241 : i32 to index
      %swap3A_246 = arith.constant 0 : index
      %swap3A_247 = vector.load %arg32[%swap3A_245, %swap3A_246] : memref<12800x128xf32, #tpu.memory_space<vmem>>, vector<128x128xf32>
      tpu.vector_store %arg32[%swap3A_245, %swap3A_246], %get3A_244 {strides = array<i32>} : memref<12800x128xf32, #tpu.memory_space<vmem>>, vector<128x128xf32>,
      %get3A_248 = arith.index_cast %mul3A_241 : i32 to index
      %get3A_249 = arith.constant 0 : index
      %get3A_250 = vector.load %arg1[%get3A_248, %get3A_249] : memref<12800x128xf32, #tpu.memory_space<vmem>>, vector<128x128xf32>
      %dot_general3A_251 = arith.constant dense<0.000000e+00> : vector<128x128xf32>
      %dot_general3A_252 = tpu.matmul %get3A_250, %get3A_244, %dot_general3A_251 {dimension_numbers = #tpu.dot_dimension_numbers<[1], [0], [0], [1], [0, 0, 1, 1], [], []>, transpose_lhs_hint = false} : vector<128x128xf32>, vector<128x128xf32>, vector<128x128xf32> -> vector<128x128xf32>
      %swap3A_253 = arith.index_cast %mul3A_241 : i32 to index
      %swap3A_254 = arith.constant 0 : index
      %swap3A_255 = vector.load %arg33[%swap3A_253, %swap3A_254] : memref<12800x128xf32, #tpu.memory_space<vmem>>, vector<128x128xf32>
      tpu.vector_store %arg33[%swap3A_253, %swap3A_254], %dot_general3A_252 {strides = array<i32>} : memref<12800x128xf32, #tpu.memory_space<vmem>>, vector<128x128xf32>,
      %scan3A_256 = arith.constant 2 : i32
      %scan3A_257 = arith.addi %scan3A_221, %scan3A_256 : i32
      %mul3A_258 = arith.constant 128 : i32
      %mul3A_259 = arith.muli %scan3A_257, %mul3A_258 : i32
      %get3A_260 = arith.index_cast %mul3A_259 : i32 to index
      %get3A_261 = arith.constant 0 : index
      %get3A_262 = vector.load %arg0[%get3A_260, %get3A_261] : memref<12800x128xf32, #tpu.memory_space<vmem>>, vector<128x128xf32>
      %swap3A_263 = arith.index_cast %mul3A_259 : i32 to index
      %swap3A_264 = arith.constant 0 : index
      %swap3A_265 = vector.load %arg32[%swap3A_263, %swap3A_264] : memref<12800x128xf32, #tpu.memory_space<vmem>>, vector<128x128xf32>
      tpu.vector_store %arg32[%swap3A_263, %swap3A_264], %get3A_262 {strides = array<i32>} : memref<12800x128xf32, #tpu.memory_space<vmem>>, vector<128x128xf32>,
      %get3A_266 = arith.index_cast %mul3A_259 : i32 to index
      %get3A_267 = arith.constant 0 : index
      %get3A_268 = vector.load %arg1[%get3A_266, %get3A_267] : memref<12800x128xf32, #tpu.memory_space<vmem>>, vector<128x128xf32>
      %dot_general3A_269 = arith.constant dense<0.000000e+00> : vector<128x128xf32>
      %dot_general3A_270 = tpu.matmul %get3A_268, %get3A_262, %dot_general3A_269 {dimension_numbers = #tpu.dot_dimension_numbers<[1], [0], [0], [1], [0, 0, 1, 1], [], []>, transpose_lhs_hint = false} : vector<128x128xf32>, vector<128x128xf32>, vector<128x128xf32> -> vector<128x128xf32>
      %swap3A_271 = arith.index_cast %mul3A_259 : i32 to index
      %swap3A_272 = arith.constant 0 : index
      %swap3A_273 = vector.load %arg33[%swap3A_271, %swap3A_272] : memref<12800x128xf32, #tpu.memory_space<vmem>>, vector<128x128xf32>
      tpu.vector_store %arg33[%swap3A_271, %swap3A_272], %dot_general3A_270 {strides = array<i32>} : memref<12800x128xf32, #tpu.memory_space<vmem>>, vector<128x128xf32>,
      %scan3A_274 = arith.constant 3 : i32
      %scan3A_275 = arith.addi %scan3A_221, %scan3A_274 : i32
      %mul3A_276 = arith.constant 128 : i32
      %mul3A_277 = arith.muli %scan3A_275, %mul3A_276 : i32
      %get3A_278 = arith.index_cast %mul3A_277 : i32 to index
      %get3A_279 = arith.constant 0 : index
      %get3A_280 = vector.load %arg0[%get3A_278, %get3A_279] : memref<12800x128xf32, #tpu.memory_space<vmem>>, vector<128x128xf32>
      %swap3A_281 = arith.index_cast %mul3A_277 : i32 to index
      %swap3A_282 = arith.constant 0 : index
      %swap3A_283 = vector.load %arg32[%swap3A_281, %swap3A_282] : memref<12800x128xf32, #tpu.memory_space<vmem>>, vector<128x128xf32>
      tpu.vector_store %arg32[%swap3A_281, %swap3A_282], %get3A_280 {strides = array<i32>} : memref<12800x128xf32, #tpu.memory_space<vmem>>, vector<128x128xf32>,
      %get3A_284 = arith.index_cast %mul3A_277 : i32 to index
      %get3A_285 = arith.constant 0 : index
      %get3A_286 = vector.load %arg1[%get3A_284, %get3A_285] : memref<12800x128xf32, #tpu.memory_space<vmem>>, vector<128x128xf32>
      %dot_general3A_287 = arith.constant dense<0.000000e+00> : vector<128x128xf32>
      %dot_general3A_288 = tpu.matmul %get3A_286, %get3A_280, %dot_general3A_287 {dimension_numbers = #tpu.dot_dimension_numbers<[1], [0], [0], [1], [0, 0, 1, 1], [], []>, transpose_lhs_hint = false} : vector<128x128xf32>, vector<128x128xf32>, vector<128x128xf32> -> vector<128x128xf32>
      %swap3A_289 = arith.index_cast %mul3A_277 : i32 to index
      %swap3A_290 = arith.constant 0 : index
      %swap3A_291 = vector.load %arg33[%swap3A_289, %swap3A_290] : memref<12800x128xf32, #tpu.memory_space<vmem>>, vector<128x128xf32>
      tpu.vector_store %arg33[%swap3A_289, %swap3A_290], %dot_general3A_288 {strides = array<i32>} : memref<12800x128xf32, #tpu.memory_space<vmem>>, vector<128x128xf32>,
    }
    %scan3A_27 = arith.constant 100 : i32
    %get3A = arith.constant 0 : index
    %get3A_28 = arith.constant 0 : index
    %get3A_29 = vector.load %arg2[%get3A, %get3A_28] : memref<128x128xf32, #tpu.memory_space<vmem>>, vector<128x128xf32>
    %get3A_30 = arith.constant 0 : index
    %get3A_31 = arith.constant 0 : index
    %get3A_32 = vector.load %arg4[%get3A_30, %get3A_31] : memref<128x128xf32, #tpu.memory_space<vmem>>, vector<128x128xf32>
    %get3A_33 = arith.constant 0 : index
    %get3A_34 = arith.constant 0 : index
    %get3A_35 = vector.load %arg3[%get3A_33, %get3A_34] : memref<1x128xf32, #tpu.memory_space<vmem>>, vector<1x128xf32>
    %get3A_36 = arith.constant 0 : index
    %get3A_37 = arith.constant 0 : index
    %get3A_38 = vector.load %arg5[%get3A_36, %get3A_37] : memref<1x128xf32, #tpu.memory_space<vmem>>, vector<1x128xf32>
    %broadcast_in_dim3A = arith.constant 0.000000e+00 : f32
    %broadcast_in_dim3A_39 = vector.broadcast %broadcast_in_dim3A : f32 to vector<1x128xf32>
    %scan3A_40 = arith.constant 0 : i32
    %scan3A_41 = arith.constant 25 : i32
    %scan3A_42 = arith.addi %scan3A_40, %scan3A_41 : i32
    %scan3A_43 = arith.constant 5 : i32
    %scan3A_44:2 = scf.for %scan3A_221 = %scan3A_40 to %scan3A_42 step %scan3A_43 iter_args(%scan3A_222 = %broadcast_in_dim3A_39, %scan3A_223 = %broadcast_in_dim3A_39) -> (vector<1x128xf32>, vector<1x128xf32>)  : i32 {
      %mul3A_224 = arith.constant 512 : i32
      %mul3A_225 = arith.muli %scan3A_221, %mul3A_224 : i32
      %get3A_226 = arith.index_cast %mul3A_225 : i32 to index
      %get3A_227 = arith.constant 0 : index
      %get3A_228 = vector.load %arg32[%get3A_226, %get3A_227] : memref<12800x128xf32, #tpu.memory_space<vmem>>, vector<512x128xf32>
      %mul3A_229 = arith.constant 512 : i32
      %mul3A_230 = arith.muli %scan3A_221, %mul3A_229 : i32
      %get3A_231 = arith.index_cast %mul3A_230 : i32 to index
      %get3A_232 = arith.constant 0 : index
      %get3A_233 = vector.load %arg33[%get3A_231, %get3A_232] : memref<12800x128xf32, #tpu.memory_space<vmem>>, vector<512x128xf32>
      %add3A_234 = arith.addf %get3A_228, %get3A_233 : vector<512x128xf32>
      %dot_general3A_235 = arith.constant dense<0.000000e+00> : vector<512x128xf32>
      %dot_general3A_236 = tpu.matmul %add3A_234, %get3A_29, %dot_general3A_235 {dimension_numbers = #tpu.dot_dimension_numbers<[1], [0], [0], [1], [0, 0, 1, 1], [], []>, transpose_lhs_hint = false} : vector<512x128xf32>, vector<128x128xf32>, vector<512x128xf32> -> vector<512x128xf32>
      %add3A_237 = vector.broadcast %get3A_35 : vector<1x128xf32> to vector<512x128xf32>
      %add3A_238 = arith.addf %dot_general3A_236, %add3A_237 : vector<512x128xf32>
      %max3A_239 = arith.constant 0.000000e+00 : f32
      %max3A_240 = vector.broadcast %max3A_239 : f32 to vector<512x128xf32>
      %max3A_241 = arith.maximumf %add3A_238, %max3A_240 : vector<512x128xf32>
      %dot_general3A_242 = arith.constant dense<0.000000e+00> : vector<512x128xf32>
      %dot_general3A_243 = tpu.matmul %max3A_241, %get3A_32, %dot_general3A_242 {dimension_numbers = #tpu.dot_dimension_numbers<[1], [0], [0], [1], [0, 0, 1, 1], [], []>, transpose_lhs_hint = false} : vector<512x128xf32>, vector<128x128xf32>, vector<512x128xf32> -> vector<512x128xf32>
      %add3A_244 = vector.broadcast %get3A_38 : vector<1x128xf32> to vector<512x128xf32>
      %add3A_245 = arith.addf %dot_general3A_243, %add3A_244 : vector<512x128xf32>
      %max3A_246 = arith.constant 0.000000e+00 : f32
      %max3A_247 = vector.broadcast %max3A_246 : f32 to vector<512x128xf32>
      %max3A_248 = arith.maximumf %add3A_245, %max3A_247 : vector<512x128xf32>
      %mul3A_249 = arith.mulf %max3A_248, %convert_element_type3A_23 : vector<512x128xf32>
      %mul3A_250 = arith.constant 512 : i32
      %mul3A_251 = arith.muli %scan3A_221, %mul3A_250 : i32
      %swap3A_252 = arith.index_cast %mul3A_251 : i32 to index
      %swap3A_253 = arith.constant 0 : index
      %swap3A_254 = vector.load %arg34[%swap3A_252, %swap3A_253] : memref<12800x128xf32, #tpu.memory_space<vmem>>, vector<512x128xf32>
      tpu.vector_store %arg34[%swap3A_252, %swap3A_253], %mul3A_249 {strides = array<i32>} : memref<12800x128xf32, #tpu.memory_space<vmem>>, vector<512x128xf32>,
      %reduce_sum3A_255 = arith.constant dense<0.000000e+00> : vector<128xf32>
      %reduce_sum3A_256 = vector.multi_reduction <add>, %mul3A_249, %reduce_sum3A_255 [0] : vector<512x128xf32> to vector<128xf32>
      %broadcast_in_dim3A_257 = vector.shape_cast %reduce_sum3A_256 : vector<128xf32> to vector<1x128xf32>
      %add3A_258 = arith.addf %scan3A_222, %broadcast_in_dim3A_257 : vector<1x128xf32>
      %mul3A_259 = arith.mulf %mul3A_249, %mul3A_249 : vector<512x128xf32>
      %reduce_sum3A_260 = arith.constant dense<0.000000e+00> : vector<128xf32>
      %reduce_sum3A_261 = vector.multi_reduction <add>, %mul3A_259, %reduce_sum3A_260 [0] : vector<512x128xf32> to vector<128xf32>
      %broadcast_in_dim3A_262 = vector.shape_cast %reduce_sum3A_261 : vector<128xf32> to vector<1x128xf32>
      %add3A_263 = arith.addf %scan3A_223, %broadcast_in_dim3A_262 : vector<1x128xf32>
      %scan3A_264 = arith.constant 1 : i32
      %scan3A_265 = arith.addi %scan3A_221, %scan3A_264 : i32
      %mul3A_266 = arith.constant 512 : i32
      %mul3A_267 = arith.muli %scan3A_265, %mul3A_266 : i32
      %get3A_268 = arith.index_cast %mul3A_267 : i32 to index
      %get3A_269 = arith.constant 0 : index
      %get3A_270 = vector.load %arg32[%get3A_268, %get3A_269] : memref<12800x128xf32, #tpu.memory_space<vmem>>, vector<512x128xf32>
      %mul3A_271 = arith.constant 512 : i32
      %mul3A_272 = arith.muli %scan3A_265, %mul3A_271 : i32
      %get3A_273 = arith.index_cast %mul3A_272 : i32 to index
      %get3A_274 = arith.constant 0 : index
      %get3A_275 = vector.load %arg33[%get3A_273, %get3A_274] : memref<12800x128xf32, #tpu.memory_space<vmem>>, vector<512x128xf32>
      %add3A_276 = arith.addf %get3A_270, %get3A_275 : vector<512x128xf32>
      %dot_general3A_277 = arith.constant dense<0.000000e+00> : vector<512x128xf32>
      %dot_general3A_278 = tpu.matmul %add3A_276, %get3A_29, %dot_general3A_277 {dimension_numbers = #tpu.dot_dimension_numbers<[1], [0], [0], [1], [0, 0, 1, 1], [], []>, transpose_lhs_hint = false} : vector<512x128xf32>, vector<128x128xf32>, vector<512x128xf32> -> vector<512x128xf32>
      %add3A_279 = vector.broadcast %get3A_35 : vector<1x128xf32> to vector<512x128xf32>
      %add3A_280 = arith.addf %dot_general3A_278, %add3A_279 : vector<512x128xf32>
      %max3A_281 = arith.constant 0.000000e+00 : f32
      %max3A_282 = vector.broadcast %max3A_281 : f32 to vector<512x128xf32>
      %max3A_283 = arith.maximumf %add3A_280, %max3A_282 : vector<512x128xf32>
      %dot_general3A_284 = arith.constant dense<0.000000e+00> : vector<512x128xf32>
      %dot_general3A_285 = tpu.matmul %max3A_283, %get3A_32, %dot_general3A_284 {dimension_numbers = #tpu.dot_dimension_numbers<[1], [0], [0], [1], [0, 0, 1, 1], [], []>, transpose_lhs_hint = false} : vector<512x128xf32>, vector<128x128xf32>, vector<512x128xf32> -> vector<512x128xf32>
      %add3A_286 = vector.broadcast %get3A_38 : vector<1x128xf32> to vector<512x128xf32>
      %add3A_287 = arith.addf %dot_general3A_285, %add3A_286 : vector<512x128xf32>
      %max3A_288 = arith.constant 0.000000e+00 : f32
      %max3A_289 = vector.broadcast %max3A_288 : f32 to vector<512x128xf32>
      %max3A_290 = arith.maximumf %add3A_287, %max3A_289 : vector<512x128xf32>
      %mul3A_291 = arith.mulf %max3A_290, %convert_element_type3A_23 : vector<512x128xf32>
      %mul3A_292 = arith.constant 512 : i32
      %mul3A_293 = arith.muli %scan3A_265, %mul3A_292 : i32
      %swap3A_294 = arith.index_cast %mul3A_293 : i32 to index
      %swap3A_295 = arith.constant 0 : index
      %swap3A_296 = vector.load %arg34[%swap3A_294, %swap3A_295] : memref<12800x128xf32, #tpu.memory_space<vmem>>, vector<512x128xf32>
      tpu.vector_store %arg34[%swap3A_294, %swap3A_295], %mul3A_291 {strides = array<i32>} : memref<12800x128xf32, #tpu.memory_space<vmem>>, vector<512x128xf32>,
      %reduce_sum3A_297 = arith.constant dense<0.000000e+00> : vector<128xf32>
      %reduce_sum3A_298 = vector.multi_reduction <add>, %mul3A_291, %reduce_sum3A_297 [0] : vector<512x128xf32> to vector<128xf32>
      %broadcast_in_dim3A_299 = vector.shape_cast %reduce_sum3A_298 : vector<128xf32> to vector<1x128xf32>
      %add3A_300 = arith.addf %add3A_258, %broadcast_in_dim3A_299 : vector<1x128xf32>
      %mul3A_301 = arith.mulf %mul3A_291, %mul3A_291 : vector<512x128xf32>
      %reduce_sum3A_302 = arith.constant dense<0.000000e+00> : vector<128xf32>
      %reduce_sum3A_303 = vector.multi_reduction <add>, %mul3A_301, %reduce_sum3A_302 [0] : vector<512x128xf32> to vector<128xf32>
      %broadcast_in_dim3A_304 = vector.shape_cast %reduce_sum3A_303 : vector<128xf32> to vector<1x128xf32>
      %add3A_305 = arith.addf %add3A_263, %broadcast_in_dim3A_304 : vector<1x128xf32>
      %scan3A_306 = arith.constant 2 : i32
      %scan3A_307 = arith.addi %scan3A_221, %scan3A_306 : i32
      %mul3A_308 = arith.constant 512 : i32
      %mul3A_309 = arith.muli %scan3A_307, %mul3A_308 : i32
      %get3A_310 = arith.index_cast %mul3A_309 : i32 to index
      %get3A_311 = arith.constant 0 : index
      %get3A_312 = vector.load %arg32[%get3A_310, %get3A_311] : memref<12800x128xf32, #tpu.memory_space<vmem>>, vector<512x128xf32>
      %mul3A_313 = arith.constant 512 : i32
      %mul3A_314 = arith.muli %scan3A_307, %mul3A_313 : i32
      %get3A_315 = arith.index_cast %mul3A_314 : i32 to index
      %get3A_316 = arith.constant 0 : index
      %get3A_317 = vector.load %arg33[%get3A_315, %get3A_316] : memref<12800x128xf32, #tpu.memory_space<vmem>>, vector<512x128xf32>
      %add3A_318 = arith.addf %get3A_312, %get3A_317 : vector<512x128xf32>
      %dot_general3A_319 = arith.constant dense<0.000000e+00> : vector<512x128xf32>
      %dot_general3A_320 = tpu.matmul %add3A_318, %get3A_29, %dot_general3A_319 {dimension_numbers = #tpu.dot_dimension_numbers<[1], [0], [0], [1], [0, 0, 1, 1], [], []>, transpose_lhs_hint = false} : vector<512x128xf32>, vector<128x128xf32>, vector<512x128xf32> -> vector<512x128xf32>
      %add3A_321 = vector.broadcast %get3A_35 : vector<1x128xf32> to vector<512x128xf32>
      %add3A_322 = arith.addf %dot_general3A_320, %add3A_321 : vector<512x128xf32>
      %max3A_323 = arith.constant 0.000000e+00 : f32
      %max3A_324 = vector.broadcast %max3A_323 : f32 to vector<512x128xf32>
      %max3A_325 = arith.maximumf %add3A_322, %max3A_324 : vector<512x128xf32>
      %dot_general3A_326 = arith.constant dense<0.000000e+00> : vector<512x128xf32>
      %dot_general3A_327 = tpu.matmul %max3A_325, %get3A_32, %dot_general3A_326 {dimension_numbers = #tpu.dot_dimension_numbers<[1], [0], [0], [1], [0, 0, 1, 1], [], []>, transpose_lhs_hint = false} : vector<512x128xf32>, vector<128x128xf32>, vector<512x128xf32> -> vector<512x128xf32>
      %add3A_328 = vector.broadcast %get3A_38 : vector<1x128xf32> to vector<512x128xf32>
      %add3A_329 = arith.addf %dot_general3A_327, %add3A_328 : vector<512x128xf32>
      %max3A_330 = arith.constant 0.000000e+00 : f32
      %max3A_331 = vector.broadcast %max3A_330 : f32 to vector<512x128xf32>
      %max3A_332 = arith.maximumf %add3A_329, %max3A_331 : vector<512x128xf32>
      %mul3A_333 = arith.mulf %max3A_332, %convert_element_type3A_23 : vector<512x128xf32>
      %mul3A_334 = arith.constant 512 : i32
      %mul3A_335 = arith.muli %scan3A_307, %mul3A_334 : i32
      %swap3A_336 = arith.index_cast %mul3A_335 : i32 to index
      %swap3A_337 = arith.constant 0 : index
      %swap3A_338 = vector.load %arg34[%swap3A_336, %swap3A_337] : memref<12800x128xf32, #tpu.memory_space<vmem>>, vector<512x128xf32>
      tpu.vector_store %arg34[%swap3A_336, %swap3A_337], %mul3A_333 {strides = array<i32>} : memref<12800x128xf32, #tpu.memory_space<vmem>>, vector<512x128xf32>,
      %reduce_sum3A_339 = arith.constant dense<0.000000e+00> : vector<128xf32>
      %reduce_sum3A_340 = vector.multi_reduction <add>, %mul3A_333, %reduce_sum3A_339 [0] : vector<512x128xf32> to vector<128xf32>
      %broadcast_in_dim3A_341 = vector.shape_cast %reduce_sum3A_340 : vector<128xf32> to vector<1x128xf32>
      %add3A_342 = arith.addf %add3A_300, %broadcast_in_dim3A_341 : vector<1x128xf32>
      %mul3A_343 = arith.mulf %mul3A_333, %mul3A_333 : vector<512x128xf32>
      %reduce_sum3A_344 = arith.constant dense<0.000000e+00> : vector<128xf32>
      %reduce_sum3A_345 = vector.multi_reduction <add>, %mul3A_343, %reduce_sum3A_344 [0] : vector<512x128xf32> to vector<128xf32>
      %broadcast_in_dim3A_346 = vector.shape_cast %reduce_sum3A_345 : vector<128xf32> to vector<1x128xf32>
      %add3A_347 = arith.addf %add3A_305, %broadcast_in_dim3A_346 : vector<1x128xf32>
      %scan3A_348 = arith.constant 3 : i32
      %scan3A_349 = arith.addi %scan3A_221, %scan3A_348 : i32
      %mul3A_350 = arith.constant 512 : i32
      %mul3A_351 = arith.muli %scan3A_349, %mul3A_350 : i32
      %get3A_352 = arith.index_cast %mul3A_351 : i32 to index
      %get3A_353 = arith.constant 0 : index
      %get3A_354 = vector.load %arg32[%get3A_352, %get3A_353] : memref<12800x128xf32, #tpu.memory_space<vmem>>, vector<512x128xf32>
      %mul3A_355 = arith.constant 512 : i32
      %mul3A_356 = arith.muli %scan3A_349, %mul3A_355 : i32
      %get3A_357 = arith.index_cast %mul3A_356 : i32 to index
      %get3A_358 = arith.constant 0 : index
      %get3A_359 = vector.load %arg33[%get3A_357, %get3A_358] : memref<12800x128xf32, #tpu.memory_space<vmem>>, vector<512x128xf32>
      %add3A_360 = arith.addf %get3A_354, %get3A_359 : vector<512x128xf32>
      %dot_general3A_361 = arith.constant dense<0.000000e+00> : vector<512x128xf32>
      %dot_general3A_362 = tpu.matmul %add3A_360, %get3A_29, %dot_general3A_361 {dimension_numbers = #tpu.dot_dimension_numbers<[1], [0], [0], [1], [0, 0, 1, 1], [], []>, transpose_lhs_hint = false} : vector<512x128xf32>, vector<128x128xf32>, vector<512x128xf32> -> vector<512x128xf32>
      %add3A_363 = vector.broadcast %get3A_35 : vector<1x128xf32> to vector<512x128xf32>
      %add3A_364 = arith.addf %dot_general3A_362, %add3A_363 : vector<512x128xf32>
      %max3A_365 = arith.constant 0.000000e+00 : f32
      %max3A_366 = vector.broadcast %max3A_365 : f32 to vector<512x128xf32>
      %max3A_367 = arith.maximumf %add3A_364, %max3A_366 : vector<512x128xf32>
      %dot_general3A_368 = arith.constant dense<0.000000e+00> : vector<512x128xf32>
      %dot_general3A_369 = tpu.matmul %max3A_367, %get3A_32, %dot_general3A_368 {dimension_numbers = #tpu.dot_dimension_numbers<[1], [0], [0], [1], [0, 0, 1, 1], [], []>, transpose_lhs_hint = false} : vector<512x128xf32>, vector<128x128xf32>, vector<512x128xf32> -> vector<512x128xf32>
      %add3A_370 = vector.broadcast %get3A_38 : vector<1x128xf32> to vector<512x128xf32>
      %add3A_371 = arith.addf %dot_general3A_369, %add3A_370 : vector<512x128xf32>
      %max3A_372 = arith.constant 0.000000e+00 : f32
      %max3A_373 = vector.broadcast %max3A_372 : f32 to vector<512x128xf32>
      %max3A_374 = arith.maximumf %add3A_371, %max3A_373 : vector<512x128xf32>
      %mul3A_375 = arith.mulf %max3A_374, %convert_element_type3A_23 : vector<512x128xf32>
      %mul3A_376 = arith.constant 512 : i32
      %mul3A_377 = arith.muli %scan3A_349, %mul3A_376 : i32
      %swap3A_378 = arith.index_cast %mul3A_377 : i32 to index
      %swap3A_379 = arith.constant 0 : index
      %swap3A_380 = vector.load %arg34[%swap3A_378, %swap3A_379] : memref<12800x128xf32, #tpu.memory_space<vmem>>, vector<512x128xf32>
      tpu.vector_store %arg34[%swap3A_378, %swap3A_379], %mul3A_375 {strides = array<i32>} : memref<12800x128xf32, #tpu.memory_space<vmem>>, vector<512x128xf32>,
      %reduce_sum3A_381 = arith.constant dense<0.000000e+00> : vector<128xf32>
      %reduce_sum3A_382 = vector.multi_reduction <add>, %mul3A_375, %reduce_sum3A_381 [0] : vector<512x128xf32> to vector<128xf32>
      %broadcast_in_dim3A_383 = vector.shape_cast %reduce_sum3A_382 : vector<128xf32> to vector<1x128xf32>
      %add3A_384 = arith.addf %add3A_342, %broadcast_in_dim3A_383 : vector<1x128xf32>
      %mul3A_385 = arith.mulf %mul3A_375, %mul3A_375 : vector<512x128xf32>
      %reduce_sum3A_386 = arith.constant dense<0.000000e+00> : vector<128xf32>
      %reduce_sum3A_387 = vector.multi_reduction <add>, %mul3A_385, %reduce_sum3A_386 [0] : vector<512x128xf32> to vector<128xf32>
      %broadcast_in_dim3A_388 = vector.shape_cast %reduce_sum3A_387 : vector<128xf32> to vector<1x128xf32>
      %add3A_389 = arith.addf %add3A_347, %broadcast_in_dim3A_388 : vector<1x128xf32>
      %scan3A_390 = arith.constant 4 : i32
      %scan3A_391 = arith.addi %scan3A_221, %scan3A_390 : i32
      %mul3A_392 = arith.constant 512 : i32
      %mul3A_393 = arith.muli %scan3A_391, %mul3A_392 : i32
      %get3A_394 = arith.index_cast %mul3A_393 : i32 to index
      %get3A_395 = arith.constant 0 : index
      %get3A_396 = vector.load %arg32[%get3A_394, %get3A_395] : memref<12800x128xf32, #tpu.memory_space<vmem>>, vector<512x128xf32>
      %mul3A_397 = arith.constant 512 : i32
      %mul3A_398 = arith.muli %scan3A_391, %mul3A_397 : i32
      %get3A_399 = arith.index_cast %mul3A_398 : i32 to index
      %get3A_400 = arith.constant 0 : index
      %get3A_401 = vector.load %arg33[%get3A_399, %get3A_400] : memref<12800x128xf32, #tpu.memory_space<vmem>>, vector<512x128xf32>
      %add3A_402 = arith.addf %get3A_396, %get3A_401 : vector<512x128xf32>
      %dot_general3A_403 = arith.constant dense<0.000000e+00> : vector<512x128xf32>
      %dot_general3A_404 = tpu.matmul %add3A_402, %get3A_29, %dot_general3A_403 {dimension_numbers = #tpu.dot_dimension_numbers<[1], [0], [0], [1], [0, 0, 1, 1], [], []>, transpose_lhs_hint = false} : vector<512x128xf32>, vector<128x128xf32>, vector<512x128xf32> -> vector<512x128xf32>
      %add3A_405 = vector.broadcast %get3A_35 : vector<1x128xf32> to vector<512x128xf32>
      %add3A_406 = arith.addf %dot_general3A_404, %add3A_405 : vector<512x128xf32>
      %max3A_407 = arith.constant 0.000000e+00 : f32
      %max3A_408 = vector.broadcast %max3A_407 : f32 to vector<512x128xf32>
      %max3A_409 = arith.maximumf %add3A_406, %max3A_408 : vector<512x128xf32>
      %dot_general3A_410 = arith.constant dense<0.000000e+00> : vector<512x128xf32>
      %dot_general3A_411 = tpu.matmul %max3A_409, %get3A_32, %dot_general3A_410 {dimension_numbers = #tpu.dot_dimension_numbers<[1], [0], [0], [1], [0, 0, 1, 1], [], []>, transpose_lhs_hint = false} : vector<512x128xf32>, vector<128x128xf32>, vector<512x128xf32> -> vector<512x128xf32>
      %add3A_412 = vector.broadcast %get3A_38 : vector<1x128xf32> to vector<512x128xf32>
      %add3A_413 = arith.addf %dot_general3A_411, %add3A_412 : vector<512x128xf32>
      %max3A_414 = arith.constant 0.000000e+00 : f32
      %max3A_415 = vector.broadcast %max3A_414 : f32 to vector<512x128xf32>
      %max3A_416 = arith.maximumf %add3A_413, %max3A_415 : vector<512x128xf32>
      %mul3A_417 = arith.mulf %max3A_416, %convert_element_type3A_23 : vector<512x128xf32>
      %mul3A_418 = arith.constant 512 : i32
      %mul3A_419 = arith.muli %scan3A_391, %mul3A_418 : i32
      %swap3A_420 = arith.index_cast %mul3A_419 : i32 to index
      %swap3A_421 = arith.constant 0 : index
      %swap3A_422 = vector.load %arg34[%swap3A_420, %swap3A_421] : memref<12800x128xf32, #tpu.memory_space<vmem>>, vector<512x128xf32>
      tpu.vector_store %arg34[%swap3A_420, %swap3A_421], %mul3A_417 {strides = array<i32>} : memref<12800x128xf32, #tpu.memory_space<vmem>>, vector<512x128xf32>,
      %reduce_sum3A_423 = arith.constant dense<0.000000e+00> : vector<128xf32>
      %reduce_sum3A_424 = vector.multi_reduction <add>, %mul3A_417, %reduce_sum3A_423 [0] : vector<512x128xf32> to vector<128xf32>
      %broadcast_in_dim3A_425 = vector.shape_cast %reduce_sum3A_424 : vector<128xf32> to vector<1x128xf32>
      %add3A_426 = arith.addf %add3A_384, %broadcast_in_dim3A_425 : vector<1x128xf32>
      %mul3A_427 = arith.mulf %mul3A_417, %mul3A_417 : vector<512x128xf32>
      %reduce_sum3A_428 = arith.constant dense<0.000000e+00> : vector<128xf32>
      %reduce_sum3A_429 = vector.multi_reduction <add>, %mul3A_427, %reduce_sum3A_428 [0] : vector<512x128xf32> to vector<128xf32>
      %broadcast_in_dim3A_430 = vector.shape_cast %reduce_sum3A_429 : vector<128xf32> to vector<1x128xf32>
      %add3A_431 = arith.addf %add3A_389, %broadcast_in_dim3A_430 : vector<1x128xf32>
      scf.yield %add3A_426, %add3A_431 : vector<1x128xf32>, vector<1x128xf32>
    }
    %scan3A_45 = arith.constant 25 : i32
    %mul3A = arith.constant 9.99999974E-5 : f32
    %mul3A_46 = vector.broadcast %mul3A : f32 to vector<1x128xf32>
    %mul3A_47 = arith.mulf %scan3A_44#0, %mul3A_46 : vector<1x128xf32>
    %mul3A_48 = arith.constant 9.99999974E-5 : f32
    %mul3A_49 = vector.broadcast %mul3A_48 : f32 to vector<1x128xf32>
    %mul3A_50 = arith.mulf %scan3A_44#1, %mul3A_49 : vector<1x128xf32>
    %mul3A_51 = arith.mulf %mul3A_47, %mul3A_47 : vector<1x128xf32>
    %sub3A = arith.subf %mul3A_50, %mul3A_51 : vector<1x128xf32>
    %get3A_52 = arith.constant 0 : index
    %get3A_53 = arith.constant 0 : index
    %get3A_54 = vector.load %arg6[%get3A_52, %get3A_53] : memref<1x128xf32, #tpu.memory_space<vmem>>, vector<1x128xf32>
    %add3A_55 = arith.constant 9.99999974E-6 : f32
    %add3A_56 = vector.broadcast %add3A_55 : f32 to vector<1x128xf32>
    %add3A_57 = arith.addf %sub3A, %add3A_56 : vector<1x128xf32>
    %rsqrt3A = math.rsqrt %add3A_57 : vector<1x128xf32>
    %mul3A_58 = arith.mulf %get3A_54, %rsqrt3A : vector<1x128xf32>
    %get3A_59 = arith.constant 0 : index
    %get3A_60 = arith.constant 0 : index
    %get3A_61 = vector.load %arg7[%get3A_59, %get3A_60] : memref<1x128xf32, #tpu.memory_space<vmem>>, vector<1x128xf32>
    %mul3A_62 = arith.mulf %mul3A_47, %mul3A_58 : vector<1x128xf32>
    %sub3A_63 = arith.subf %get3A_61, %mul3A_62 : vector<1x128xf32>
    %scan3A_64 = arith.constant 0 : i32
    %scan3A_65 = arith.constant 100 : i32
    %scan3A_66 = arith.addi %scan3A_64, %scan3A_65 : i32
    %scan3A_67 = arith.constant 4 : i32
    scf.for %scan3A_221 = %scan3A_64 to %scan3A_66 step %scan3A_67  : i32 {
      %mul3A_222 = arith.constant 128 : i32
      %mul3A_223 = arith.muli %scan3A_221, %mul3A_222 : i32
      %get3A_224 = arith.index_cast %mul3A_223 : i32 to index
      %get3A_225 = arith.constant 0 : index
      %get3A_226 = vector.load %arg34[%get3A_224, %get3A_225] : memref<12800x128xf32, #tpu.memory_space<vmem>>, vector<128x128xf32>
      %mul3A_227 = vector.broadcast %mul3A_58 : vector<1x128xf32> to vector<128x128xf32>
      %mul3A_228 = arith.mulf %get3A_226, %mul3A_227 : vector<128x128xf32>
      %add3A_229 = vector.broadcast %sub3A_63 : vector<1x128xf32> to vector<128x128xf32>
      %add3A_230 = arith.addf %mul3A_228, %add3A_229 : vector<128x128xf32>
      %mul3A_231 = arith.mulf %add3A_230, %convert_element_type3A_2 : vector<128x128xf32>
      %swap3A_232 = arith.index_cast %mul3A_223 : i32 to index
      %swap3A_233 = arith.constant 0 : index
      %swap3A_234 = vector.load %arg32[%swap3A_232, %swap3A_233] : memref<12800x128xf32, #tpu.memory_space<vmem>>, vector<128x128xf32>
      tpu.vector_store %arg32[%swap3A_232, %swap3A_233], %mul3A_231 {strides = array<i32>} : memref<12800x128xf32, #tpu.memory_space<vmem>>, vector<128x128xf32>,
      %get3A_235 = arith.index_cast %mul3A_223 : i32 to index
      %get3A_236 = arith.constant 0 : index
      %get3A_237 = vector.load %arg1[%get3A_235, %get3A_236] : memref<12800x128xf32, #tpu.memory_space<vmem>>, vector<128x128xf32>
      %dot_general3A_238 = arith.constant dense<0.000000e+00> : vector<128x128xf32>
      %dot_general3A_239 = tpu.matmul %get3A_237, %mul3A_231, %dot_general3A_238 {dimension_numbers = #tpu.dot_dimension_numbers<[1], [0], [0], [1], [0, 0, 1, 1], [], []>, transpose_lhs_hint = false} : vector<128x128xf32>, vector<128x128xf32>, vector<128x128xf32> -> vector<128x128xf32>
      %swap3A_240 = arith.index_cast %mul3A_223 : i32 to index
      %swap3A_241 = arith.constant 0 : index
      %swap3A_242 = vector.load %arg33[%swap3A_240, %swap3A_241] : memref<12800x128xf32, #tpu.memory_space<vmem>>, vector<128x128xf32>
      tpu.vector_store %arg33[%swap3A_240, %swap3A_241], %dot_general3A_239 {strides = array<i32>} : memref<12800x128xf32, #tpu.memory_space<vmem>>, vector<128x128xf32>,
      %scan3A_243 = arith.constant 1 : i32
      %scan3A_244 = arith.addi %scan3A_221, %scan3A_243 : i32
      %mul3A_245 = arith.constant 128 : i32
      %mul3A_246 = arith.muli %scan3A_244, %mul3A_245 : i32
      %get3A_247 = arith.index_cast %mul3A_246 : i32 to index
      %get3A_248 = arith.constant 0 : index
      %get3A_249 = vector.load %arg34[%get3A_247, %get3A_248] : memref<12800x128xf32, #tpu.memory_space<vmem>>, vector<128x128xf32>
      %mul3A_250 = vector.broadcast %mul3A_58 : vector<1x128xf32> to vector<128x128xf32>
      %mul3A_251 = arith.mulf %get3A_249, %mul3A_250 : vector<128x128xf32>
      %add3A_252 = vector.broadcast %sub3A_63 : vector<1x128xf32> to vector<128x128xf32>
      %add3A_253 = arith.addf %mul3A_251, %add3A_252 : vector<128x128xf32>
      %mul3A_254 = arith.mulf %add3A_253, %convert_element_type3A_2 : vector<128x128xf32>
      %swap3A_255 = arith.index_cast %mul3A_246 : i32 to index
      %swap3A_256 = arith.constant 0 : index
      %swap3A_257 = vector.load %arg32[%swap3A_255, %swap3A_256] : memref<12800x128xf32, #tpu.memory_space<vmem>>, vector<128x128xf32>
      tpu.vector_store %arg32[%swap3A_255, %swap3A_256], %mul3A_254 {strides = array<i32>} : memref<12800x128xf32, #tpu.memory_space<vmem>>, vector<128x128xf32>,
      %get3A_258 = arith.index_cast %mul3A_246 : i32 to index
      %get3A_259 = arith.constant 0 : index
      %get3A_260 = vector.load %arg1[%get3A_258, %get3A_259] : memref<12800x128xf32, #tpu.memory_space<vmem>>, vector<128x128xf32>
      %dot_general3A_261 = arith.constant dense<0.000000e+00> : vector<128x128xf32>
      %dot_general3A_262 = tpu.matmul %get3A_260, %mul3A_254, %dot_general3A_261 {dimension_numbers = #tpu.dot_dimension_numbers<[1], [0], [0], [1], [0, 0, 1, 1], [], []>, transpose_lhs_hint = false} : vector<128x128xf32>, vector<128x128xf32>, vector<128x128xf32> -> vector<128x128xf32>
      %swap3A_263 = arith.index_cast %mul3A_246 : i32 to index
      %swap3A_264 = arith.constant 0 : index
      %swap3A_265 = vector.load %arg33[%swap3A_263, %swap3A_264] : memref<12800x128xf32, #tpu.memory_space<vmem>>, vector<128x128xf32>
      tpu.vector_store %arg33[%swap3A_263, %swap3A_264], %dot_general3A_262 {strides = array<i32>} : memref<12800x128xf32, #tpu.memory_space<vmem>>, vector<128x128xf32>,
      %scan3A_266 = arith.constant 2 : i32
      %scan3A_267 = arith.addi %scan3A_221, %scan3A_266 : i32
      %mul3A_268 = arith.constant 128 : i32
      %mul3A_269 = arith.muli %scan3A_267, %mul3A_268 : i32
      %get3A_270 = arith.index_cast %mul3A_269 : i32 to index
      %get3A_271 = arith.constant 0 : index
      %get3A_272 = vector.load %arg34[%get3A_270, %get3A_271] : memref<12800x128xf32, #tpu.memory_space<vmem>>, vector<128x128xf32>
      %mul3A_273 = vector.broadcast %mul3A_58 : vector<1x128xf32> to vector<128x128xf32>
      %mul3A_274 = arith.mulf %get3A_272, %mul3A_273 : vector<128x128xf32>
      %add3A_275 = vector.broadcast %sub3A_63 : vector<1x128xf32> to vector<128x128xf32>
      %add3A_276 = arith.addf %mul3A_274, %add3A_275 : vector<128x128xf32>
      %mul3A_277 = arith.mulf %add3A_276, %convert_element_type3A_2 : vector<128x128xf32>
      %swap3A_278 = arith.index_cast %mul3A_269 : i32 to index
      %swap3A_279 = arith.constant 0 : index
      %swap3A_280 = vector.load %arg32[%swap3A_278, %swap3A_279] : memref<12800x128xf32, #tpu.memory_space<vmem>>, vector<128x128xf32>
      tpu.vector_store %arg32[%swap3A_278, %swap3A_279], %mul3A_277 {strides = array<i32>} : memref<12800x128xf32, #tpu.memory_space<vmem>>, vector<128x128xf32>,
      %get3A_281 = arith.index_cast %mul3A_269 : i32 to index
      %get3A_282 = arith.constant 0 : index
      %get3A_283 = vector.load %arg1[%get3A_281, %get3A_282] : memref<12800x128xf32, #tpu.memory_space<vmem>>, vector<128x128xf32>
      %dot_general3A_284 = arith.constant dense<0.000000e+00> : vector<128x128xf32>
      %dot_general3A_285 = tpu.matmul %get3A_283, %mul3A_277, %dot_general3A_284 {dimension_numbers = #tpu.dot_dimension_numbers<[1], [0], [0], [1], [0, 0, 1, 1], [], []>, transpose_lhs_hint = false} : vector<128x128xf32>, vector<128x128xf32>, vector<128x128xf32> -> vector<128x128xf32>
      %swap3A_286 = arith.index_cast %mul3A_269 : i32 to index
      %swap3A_287 = arith.constant 0 : index
      %swap3A_288 = vector.load %arg33[%swap3A_286, %swap3A_287] : memref<12800x128xf32, #tpu.memory_space<vmem>>, vector<128x128xf32>
      tpu.vector_store %arg33[%swap3A_286, %swap3A_287], %dot_general3A_285 {strides = array<i32>} : memref<12800x128xf32, #tpu.memory_space<vmem>>, vector<128x128xf32>,
      %scan3A_289 = arith.constant 3 : i32
      %scan3A_290 = arith.addi %scan3A_221, %scan3A_289 : i32
      %mul3A_291 = arith.constant 128 : i32
      %mul3A_292 = arith.muli %scan3A_290, %mul3A_291 : i32
      %get3A_293 = arith.index_cast %mul3A_292 : i32 to index
      %get3A_294 = arith.constant 0 : index
      %get3A_295 = vector.load %arg34[%get3A_293, %get3A_294] : memref<12800x128xf32, #tpu.memory_space<vmem>>, vector<128x128xf32>
      %mul3A_296 = vector.broadcast %mul3A_58 : vector<1x128xf32> to vector<128x128xf32>
      %mul3A_297 = arith.mulf %get3A_295, %mul3A_296 : vector<128x128xf32>
      %add3A_298 = vector.broadcast %sub3A_63 : vector<1x128xf32> to vector<128x128xf32>
      %add3A_299 = arith.addf %mul3A_297, %add3A_298 : vector<128x128xf32>
      %mul3A_300 = arith.mulf %add3A_299, %convert_element_type3A_2 : vector<128x128xf32>
      %swap3A_301 = arith.index_cast %mul3A_292 : i32 to index
      %swap3A_302 = arith.constant 0 : index
      %swap3A_303 = vector.load %arg32[%swap3A_301, %swap3A_302] : memref<12800x128xf32, #tpu.memory_space<vmem>>, vector<128x128xf32>
      tpu.vector_store %arg32[%swap3A_301, %swap3A_302], %mul3A_300 {strides = array<i32>} : memref<12800x128xf32, #tpu.memory_space<vmem>>, vector<128x128xf32>,
      %get3A_304 = arith.index_cast %mul3A_292 : i32 to index
      %get3A_305 = arith.constant 0 : index
      %get3A_306 = vector.load %arg1[%get3A_304, %get3A_305] : memref<12800x128xf32, #tpu.memory_space<vmem>>, vector<128x128xf32>
      %dot_general3A_307 = arith.constant dense<0.000000e+00> : vector<128x128xf32>
      %dot_general3A_308 = tpu.matmul %get3A_306, %mul3A_300, %dot_general3A_307 {dimension_numbers = #tpu.dot_dimension_numbers<[1], [0], [0], [1], [0, 0, 1, 1], [], []>, transpose_lhs_hint = false} : vector<128x128xf32>, vector<128x128xf32>, vector<128x128xf32> -> vector<128x128xf32>
      %swap3A_309 = arith.index_cast %mul3A_292 : i32 to index
      %swap3A_310 = arith.constant 0 : index
      %swap3A_311 = vector.load %arg33[%swap3A_309, %swap3A_310] : memref<12800x128xf32, #tpu.memory_space<vmem>>, vector<128x128xf32>
      tpu.vector_store %arg33[%swap3A_309, %swap3A_310], %dot_general3A_308 {strides = array<i32>} : memref<12800x128xf32, #tpu.memory_space<vmem>>, vector<128x128xf32>,
    }
    %scan3A_68 = arith.constant 100 : i32
    %get3A_69 = arith.constant 0 : index
    %get3A_70 = arith.constant 0 : index
    %get3A_71 = vector.load %arg8[%get3A_69, %get3A_70] : memref<128x128xf32, #tpu.memory_space<vmem>>, vector<128x128xf32>
    %get3A_72 = arith.constant 0 : index
    %get3A_73 = arith.constant 0 : index
    %get3A_74 = vector.load %arg10[%get3A_72, %get3A_73] : memref<128x128xf32, #tpu.memory_space<vmem>>, vector<128x128xf32>
    %get3A_75 = arith.constant 0 : index
    %get3A_76 = arith.constant 0 : index
    %get3A_77 = vector.load %arg9[%get3A_75, %get3A_76] : memref<1x128xf32, #tpu.memory_space<vmem>>, vector<1x128xf32>
    %get3A_78 = arith.constant 0 : index
    %get3A_79 = arith.constant 0 : index
    %get3A_80 = vector.load %arg11[%get3A_78, %get3A_79] : memref<1x128xf32, #tpu.memory_space<vmem>>, vector<1x128xf32>
    %broadcast_in_dim3A_81 = arith.constant 0.000000e+00 : f32
    %broadcast_in_dim3A_82 = vector.broadcast %broadcast_in_dim3A_81 : f32 to vector<1x128xf32>
    %scan3A_83 = arith.constant 0 : i32
    %scan3A_84 = arith.constant 25 : i32
    %scan3A_85 = arith.addi %scan3A_83, %scan3A_84 : i32
    %scan3A_86 = arith.constant 5 : i32
    %scan3A_87:2 = scf.for %scan3A_221 = %scan3A_83 to %scan3A_85 step %scan3A_86 iter_args(%scan3A_222 = %broadcast_in_dim3A_82, %scan3A_223 = %broadcast_in_dim3A_82) -> (vector<1x128xf32>, vector<1x128xf32>)  : i32 {
      %mul3A_224 = arith.constant 512 : i32
      %mul3A_225 = arith.muli %scan3A_221, %mul3A_224 : i32
      %get3A_226 = arith.index_cast %mul3A_225 : i32 to index
      %get3A_227 = arith.constant 0 : index
      %get3A_228 = vector.load %arg32[%get3A_226, %get3A_227] : memref<12800x128xf32, #tpu.memory_space<vmem>>, vector<512x128xf32>
      %mul3A_229 = arith.constant 512 : i32
      %mul3A_230 = arith.muli %scan3A_221, %mul3A_229 : i32
      %get3A_231 = arith.index_cast %mul3A_230 : i32 to index
      %get3A_232 = arith.constant 0 : index
      %get3A_233 = vector.load %arg33[%get3A_231, %get3A_232] : memref<12800x128xf32, #tpu.memory_space<vmem>>, vector<512x128xf32>
      %add3A_234 = arith.addf %get3A_228, %get3A_233 : vector<512x128xf32>
      %dot_general3A_235 = arith.constant dense<0.000000e+00> : vector<512x128xf32>
      %dot_general3A_236 = tpu.matmul %add3A_234, %get3A_71, %dot_general3A_235 {dimension_numbers = #tpu.dot_dimension_numbers<[1], [0], [0], [1], [0, 0, 1, 1], [], []>, transpose_lhs_hint = false} : vector<512x128xf32>, vector<128x128xf32>, vector<512x128xf32> -> vector<512x128xf32>
      %add3A_237 = vector.broadcast %get3A_77 : vector<1x128xf32> to vector<512x128xf32>
      %add3A_238 = arith.addf %dot_general3A_236, %add3A_237 : vector<512x128xf32>
      %max3A_239 = arith.constant 0.000000e+00 : f32
      %max3A_240 = vector.broadcast %max3A_239 : f32 to vector<512x128xf32>
      %max3A_241 = arith.maximumf %add3A_238, %max3A_240 : vector<512x128xf32>
      %dot_general3A_242 = arith.constant dense<0.000000e+00> : vector<512x128xf32>
      %dot_general3A_243 = tpu.matmul %max3A_241, %get3A_74, %dot_general3A_242 {dimension_numbers = #tpu.dot_dimension_numbers<[1], [0], [0], [1], [0, 0, 1, 1], [], []>, transpose_lhs_hint = false} : vector<512x128xf32>, vector<128x128xf32>, vector<512x128xf32> -> vector<512x128xf32>
      %add3A_244 = vector.broadcast %get3A_80 : vector<1x128xf32> to vector<512x128xf32>
      %add3A_245 = arith.addf %dot_general3A_243, %add3A_244 : vector<512x128xf32>
      %max3A_246 = arith.constant 0.000000e+00 : f32
      %max3A_247 = vector.broadcast %max3A_246 : f32 to vector<512x128xf32>
      %max3A_248 = arith.maximumf %add3A_245, %max3A_247 : vector<512x128xf32>
      %mul3A_249 = arith.mulf %max3A_248, %convert_element_type3A_23 : vector<512x128xf32>
      %mul3A_250 = arith.constant 512 : i32
      %mul3A_251 = arith.muli %scan3A_221, %mul3A_250 : i32
      %swap3A_252 = arith.index_cast %mul3A_251 : i32 to index
      %swap3A_253 = arith.constant 0 : index
      %swap3A_254 = vector.load %arg34[%swap3A_252, %swap3A_253] : memref<12800x128xf32, #tpu.memory_space<vmem>>, vector<512x128xf32>
      tpu.vector_store %arg34[%swap3A_252, %swap3A_253], %mul3A_249 {strides = array<i32>} : memref<12800x128xf32, #tpu.memory_space<vmem>>, vector<512x128xf32>,
      %reduce_sum3A_255 = arith.constant dense<0.000000e+00> : vector<128xf32>
      %reduce_sum3A_256 = vector.multi_reduction <add>, %mul3A_249, %reduce_sum3A_255 [0] : vector<512x128xf32> to vector<128xf32>
      %broadcast_in_dim3A_257 = vector.shape_cast %reduce_sum3A_256 : vector<128xf32> to vector<1x128xf32>
      %add3A_258 = arith.addf %scan3A_222, %broadcast_in_dim3A_257 : vector<1x128xf32>
      %mul3A_259 = arith.mulf %mul3A_249, %mul3A_249 : vector<512x128xf32>
      %reduce_sum3A_260 = arith.constant dense<0.000000e+00> : vector<128xf32>
      %reduce_sum3A_261 = vector.multi_reduction <add>, %mul3A_259, %reduce_sum3A_260 [0] : vector<512x128xf32> to vector<128xf32>
      %broadcast_in_dim3A_262 = vector.shape_cast %reduce_sum3A_261 : vector<128xf32> to vector<1x128xf32>
      %add3A_263 = arith.addf %scan3A_223, %broadcast_in_dim3A_262 : vector<1x128xf32>
      %scan3A_264 = arith.constant 1 : i32
      %scan3A_265 = arith.addi %scan3A_221, %scan3A_264 : i32
      %mul3A_266 = arith.constant 512 : i32
      %mul3A_267 = arith.muli %scan3A_265, %mul3A_266 : i32
      %get3A_268 = arith.index_cast %mul3A_267 : i32 to index
      %get3A_269 = arith.constant 0 : index
      %get3A_270 = vector.load %arg32[%get3A_268, %get3A_269] : memref<12800x128xf32, #tpu.memory_space<vmem>>, vector<512x128xf32>
      %mul3A_271 = arith.constant 512 : i32
      %mul3A_272 = arith.muli %scan3A_265, %mul3A_271 : i32
      %get3A_273 = arith.index_cast %mul3A_272 : i32 to index
      %get3A_274 = arith.constant 0 : index
      %get3A_275 = vector.load %arg33[%get3A_273, %get3A_274] : memref<12800x128xf32, #tpu.memory_space<vmem>>, vector<512x128xf32>
      %add3A_276 = arith.addf %get3A_270, %get3A_275 : vector<512x128xf32>
      %dot_general3A_277 = arith.constant dense<0.000000e+00> : vector<512x128xf32>
      %dot_general3A_278 = tpu.matmul %add3A_276, %get3A_71, %dot_general3A_277 {dimension_numbers = #tpu.dot_dimension_numbers<[1], [0], [0], [1], [0, 0, 1, 1], [], []>, transpose_lhs_hint = false} : vector<512x128xf32>, vector<128x128xf32>, vector<512x128xf32> -> vector<512x128xf32>
      %add3A_279 = vector.broadcast %get3A_77 : vector<1x128xf32> to vector<512x128xf32>
      %add3A_280 = arith.addf %dot_general3A_278, %add3A_279 : vector<512x128xf32>
      %max3A_281 = arith.constant 0.000000e+00 : f32
      %max3A_282 = vector.broadcast %max3A_281 : f32 to vector<512x128xf32>
      %max3A_283 = arith.maximumf %add3A_280, %max3A_282 : vector<512x128xf32>
      %dot_general3A_284 = arith.constant dense<0.000000e+00> : vector<512x128xf32>
      %dot_general3A_285 = tpu.matmul %max3A_283, %get3A_74, %dot_general3A_284 {dimension_numbers = #tpu.dot_dimension_numbers<[1], [0], [0], [1], [0, 0, 1, 1], [], []>, transpose_lhs_hint = false} : vector<512x128xf32>, vector<128x128xf32>, vector<512x128xf32> -> vector<512x128xf32>
      %add3A_286 = vector.broadcast %get3A_80 : vector<1x128xf32> to vector<512x128xf32>
      %add3A_287 = arith.addf %dot_general3A_285, %add3A_286 : vector<512x128xf32>
      %max3A_288 = arith.constant 0.000000e+00 : f32
      %max3A_289 = vector.broadcast %max3A_288 : f32 to vector<512x128xf32>
      %max3A_290 = arith.maximumf %add3A_287, %max3A_289 : vector<512x128xf32>
      %mul3A_291 = arith.mulf %max3A_290, %convert_element_type3A_23 : vector<512x128xf32>
      %mul3A_292 = arith.constant 512 : i32
      %mul3A_293 = arith.muli %scan3A_265, %mul3A_292 : i32
      %swap3A_294 = arith.index_cast %mul3A_293 : i32 to index
      %swap3A_295 = arith.constant 0 : index
      %swap3A_296 = vector.load %arg34[%swap3A_294, %swap3A_295] : memref<12800x128xf32, #tpu.memory_space<vmem>>, vector<512x128xf32>
      tpu.vector_store %arg34[%swap3A_294, %swap3A_295], %mul3A_291 {strides = array<i32>} : memref<12800x128xf32, #tpu.memory_space<vmem>>, vector<512x128xf32>,
      %reduce_sum3A_297 = arith.constant dense<0.000000e+00> : vector<128xf32>
      %reduce_sum3A_298 = vector.multi_reduction <add>, %mul3A_291, %reduce_sum3A_297 [0] : vector<512x128xf32> to vector<128xf32>
      %broadcast_in_dim3A_299 = vector.shape_cast %reduce_sum3A_298 : vector<128xf32> to vector<1x128xf32>
      %add3A_300 = arith.addf %add3A_258, %broadcast_in_dim3A_299 : vector<1x128xf32>
      %mul3A_301 = arith.mulf %mul3A_291, %mul3A_291 : vector<512x128xf32>
      %reduce_sum3A_302 = arith.constant dense<0.000000e+00> : vector<128xf32>
      %reduce_sum3A_303 = vector.multi_reduction <add>, %mul3A_301, %reduce_sum3A_302 [0] : vector<512x128xf32> to vector<128xf32>
      %broadcast_in_dim3A_304 = vector.shape_cast %reduce_sum3A_303 : vector<128xf32> to vector<1x128xf32>
      %add3A_305 = arith.addf %add3A_263, %broadcast_in_dim3A_304 : vector<1x128xf32>
      %scan3A_306 = arith.constant 2 : i32
      %scan3A_307 = arith.addi %scan3A_221, %scan3A_306 : i32
      %mul3A_308 = arith.constant 512 : i32
      %mul3A_309 = arith.muli %scan3A_307, %mul3A_308 : i32
      %get3A_310 = arith.index_cast %mul3A_309 : i32 to index
      %get3A_311 = arith.constant 0 : index
      %get3A_312 = vector.load %arg32[%get3A_310, %get3A_311] : memref<12800x128xf32, #tpu.memory_space<vmem>>, vector<512x128xf32>
      %mul3A_313 = arith.constant 512 : i32
      %mul3A_314 = arith.muli %scan3A_307, %mul3A_313 : i32
      %get3A_315 = arith.index_cast %mul3A_314 : i32 to index
      %get3A_316 = arith.constant 0 : index
      %get3A_317 = vector.load %arg33[%get3A_315, %get3A_316] : memref<12800x128xf32, #tpu.memory_space<vmem>>, vector<512x128xf32>
      %add3A_318 = arith.addf %get3A_312, %get3A_317 : vector<512x128xf32>
      %dot_general3A_319 = arith.constant dense<0.000000e+00> : vector<512x128xf32>
      %dot_general3A_320 = tpu.matmul %add3A_318, %get3A_71, %dot_general3A_319 {dimension_numbers = #tpu.dot_dimension_numbers<[1], [0], [0], [1], [0, 0, 1, 1], [], []>, transpose_lhs_hint = false} : vector<512x128xf32>, vector<128x128xf32>, vector<512x128xf32> -> vector<512x128xf32>
      %add3A_321 = vector.broadcast %get3A_77 : vector<1x128xf32> to vector<512x128xf32>
      %add3A_322 = arith.addf %dot_general3A_320, %add3A_321 : vector<512x128xf32>
      %max3A_323 = arith.constant 0.000000e+00 : f32
      %max3A_324 = vector.broadcast %max3A_323 : f32 to vector<512x128xf32>
      %max3A_325 = arith.maximumf %add3A_322, %max3A_324 : vector<512x128xf32>
      %dot_general3A_326 = arith.constant dense<0.000000e+00> : vector<512x128xf32>
      %dot_general3A_327 = tpu.matmul %max3A_325, %get3A_74, %dot_general3A_326 {dimension_numbers = #tpu.dot_dimension_numbers<[1], [0], [0], [1], [0, 0, 1, 1], [], []>, transpose_lhs_hint = false} : vector<512x128xf32>, vector<128x128xf32>, vector<512x128xf32> -> vector<512x128xf32>
      %add3A_328 = vector.broadcast %get3A_80 : vector<1x128xf32> to vector<512x128xf32>
      %add3A_329 = arith.addf %dot_general3A_327, %add3A_328 : vector<512x128xf32>
      %max3A_330 = arith.constant 0.000000e+00 : f32
      %max3A_331 = vector.broadcast %max3A_330 : f32 to vector<512x128xf32>
      %max3A_332 = arith.maximumf %add3A_329, %max3A_331 : vector<512x128xf32>
      %mul3A_333 = arith.mulf %max3A_332, %convert_element_type3A_23 : vector<512x128xf32>
      %mul3A_334 = arith.constant 512 : i32
      %mul3A_335 = arith.muli %scan3A_307, %mul3A_334 : i32
      %swap3A_336 = arith.index_cast %mul3A_335 : i32 to index
      %swap3A_337 = arith.constant 0 : index
      %swap3A_338 = vector.load %arg34[%swap3A_336, %swap3A_337] : memref<12800x128xf32, #tpu.memory_space<vmem>>, vector<512x128xf32>
      tpu.vector_store %arg34[%swap3A_336, %swap3A_337], %mul3A_333 {strides = array<i32>} : memref<12800x128xf32, #tpu.memory_space<vmem>>, vector<512x128xf32>,
      %reduce_sum3A_339 = arith.constant dense<0.000000e+00> : vector<128xf32>
      %reduce_sum3A_340 = vector.multi_reduction <add>, %mul3A_333, %reduce_sum3A_339 [0] : vector<512x128xf32> to vector<128xf32>
      %broadcast_in_dim3A_341 = vector.shape_cast %reduce_sum3A_340 : vector<128xf32> to vector<1x128xf32>
      %add3A_342 = arith.addf %add3A_300, %broadcast_in_dim3A_341 : vector<1x128xf32>
      %mul3A_343 = arith.mulf %mul3A_333, %mul3A_333 : vector<512x128xf32>
      %reduce_sum3A_344 = arith.constant dense<0.000000e+00> : vector<128xf32>
      %reduce_sum3A_345 = vector.multi_reduction <add>, %mul3A_343, %reduce_sum3A_344 [0] : vector<512x128xf32> to vector<128xf32>
      %broadcast_in_dim3A_346 = vector.shape_cast %reduce_sum3A_345 : vector<128xf32> to vector<1x128xf32>
      %add3A_347 = arith.addf %add3A_305, %broadcast_in_dim3A_346 : vector<1x128xf32>
      %scan3A_348 = arith.constant 3 : i32
      %scan3A_349 = arith.addi %scan3A_221, %scan3A_348 : i32
      %mul3A_350 = arith.constant 512 : i32
      %mul3A_351 = arith.muli %scan3A_349, %mul3A_350 : i32
      %get3A_352 = arith.index_cast %mul3A_351 : i32 to index
      %get3A_353 = arith.constant 0 : index
      %get3A_354 = vector.load %arg32[%get3A_352, %get3A_353] : memref<12800x128xf32, #tpu.memory_space<vmem>>, vector<512x128xf32>
      %mul3A_355 = arith.constant 512 : i32
      %mul3A_356 = arith.muli %scan3A_349, %mul3A_355 : i32
      %get3A_357 = arith.index_cast %mul3A_356 : i32 to index
      %get3A_358 = arith.constant 0 : index
      %get3A_359 = vector.load %arg33[%get3A_357, %get3A_358] : memref<12800x128xf32, #tpu.memory_space<vmem>>, vector<512x128xf32>
      %add3A_360 = arith.addf %get3A_354, %get3A_359 : vector<512x128xf32>
      %dot_general3A_361 = arith.constant dense<0.000000e+00> : vector<512x128xf32>
      %dot_general3A_362 = tpu.matmul %add3A_360, %get3A_71, %dot_general3A_361 {dimension_numbers = #tpu.dot_dimension_numbers<[1], [0], [0], [1], [0, 0, 1, 1], [], []>, transpose_lhs_hint = false} : vector<512x128xf32>, vector<128x128xf32>, vector<512x128xf32> -> vector<512x128xf32>
      %add3A_363 = vector.broadcast %get3A_77 : vector<1x128xf32> to vector<512x128xf32>
      %add3A_364 = arith.addf %dot_general3A_362, %add3A_363 : vector<512x128xf32>
      %max3A_365 = arith.constant 0.000000e+00 : f32
      %max3A_366 = vector.broadcast %max3A_365 : f32 to vector<512x128xf32>
      %max3A_367 = arith.maximumf %add3A_364, %max3A_366 : vector<512x128xf32>
      %dot_general3A_368 = arith.constant dense<0.000000e+00> : vector<512x128xf32>
      %dot_general3A_369 = tpu.matmul %max3A_367, %get3A_74, %dot_general3A_368 {dimension_numbers = #tpu.dot_dimension_numbers<[1], [0], [0], [1], [0, 0, 1, 1], [], []>, transpose_lhs_hint = false} : vector<512x128xf32>, vector<128x128xf32>, vector<512x128xf32> -> vector<512x128xf32>
      %add3A_370 = vector.broadcast %get3A_80 : vector<1x128xf32> to vector<512x128xf32>
      %add3A_371 = arith.addf %dot_general3A_369, %add3A_370 : vector<512x128xf32>
      %max3A_372 = arith.constant 0.000000e+00 : f32
      %max3A_373 = vector.broadcast %max3A_372 : f32 to vector<512x128xf32>
      %max3A_374 = arith.maximumf %add3A_371, %max3A_373 : vector<512x128xf32>
      %mul3A_375 = arith.mulf %max3A_374, %convert_element_type3A_23 : vector<512x128xf32>
      %mul3A_376 = arith.constant 512 : i32
      %mul3A_377 = arith.muli %scan3A_349, %mul3A_376 : i32
      %swap3A_378 = arith.index_cast %mul3A_377 : i32 to index
      %swap3A_379 = arith.constant 0 : index
      %swap3A_380 = vector.load %arg34[%swap3A_378, %swap3A_379] : memref<12800x128xf32, #tpu.memory_space<vmem>>, vector<512x128xf32>
      tpu.vector_store %arg34[%swap3A_378, %swap3A_379], %mul3A_375 {strides = array<i32>} : memref<12800x128xf32, #tpu.memory_space<vmem>>, vector<512x128xf32>,
      %reduce_sum3A_381 = arith.constant dense<0.000000e+00> : vector<128xf32>
      %reduce_sum3A_382 = vector.multi_reduction <add>, %mul3A_375, %reduce_sum3A_381 [0] : vector<512x128xf32> to vector<128xf32>
      %broadcast_in_dim3A_383 = vector.shape_cast %reduce_sum3A_382 : vector<128xf32> to vector<1x128xf32>
      %add3A_384 = arith.addf %add3A_342, %broadcast_in_dim3A_383 : vector<1x128xf32>
      %mul3A_385 = arith.mulf %mul3A_375, %mul3A_375 : vector<512x128xf32>
      %reduce_sum3A_386 = arith.constant dense<0.000000e+00> : vector<128xf32>
      %reduce_sum3A_387 = vector.multi_reduction <add>, %mul3A_385, %reduce_sum3A_386 [0] : vector<512x128xf32> to vector<128xf32>
      %broadcast_in_dim3A_388 = vector.shape_cast %reduce_sum3A_387 : vector<128xf32> to vector<1x128xf32>
      %add3A_389 = arith.addf %add3A_347, %broadcast_in_dim3A_388 : vector<1x128xf32>
      %scan3A_390 = arith.constant 4 : i32
      %scan3A_391 = arith.addi %scan3A_221, %scan3A_390 : i32
      %mul3A_392 = arith.constant 512 : i32
      %mul3A_393 = arith.muli %scan3A_391, %mul3A_392 : i32
      %get3A_394 = arith.index_cast %mul3A_393 : i32 to index
      %get3A_395 = arith.constant 0 : index
      %get3A_396 = vector.load %arg32[%get3A_394, %get3A_395] : memref<12800x128xf32, #tpu.memory_space<vmem>>, vector<512x128xf32>
      %mul3A_397 = arith.constant 512 : i32
      %mul3A_398 = arith.muli %scan3A_391, %mul3A_397 : i32
      %get3A_399 = arith.index_cast %mul3A_398 : i32 to index
      %get3A_400 = arith.constant 0 : index
      %get3A_401 = vector.load %arg33[%get3A_399, %get3A_400] : memref<12800x128xf32, #tpu.memory_space<vmem>>, vector<512x128xf32>
      %add3A_402 = arith.addf %get3A_396, %get3A_401 : vector<512x128xf32>
      %dot_general3A_403 = arith.constant dense<0.000000e+00> : vector<512x128xf32>
      %dot_general3A_404 = tpu.matmul %add3A_402, %get3A_71, %dot_general3A_403 {dimension_numbers = #tpu.dot_dimension_numbers<[1], [0], [0], [1], [0, 0, 1, 1], [], []>, transpose_lhs_hint = false} : vector<512x128xf32>, vector<128x128xf32>, vector<512x128xf32> -> vector<512x128xf32>
      %add3A_405 = vector.broadcast %get3A_77 : vector<1x128xf32> to vector<512x128xf32>
      %add3A_406 = arith.addf %dot_general3A_404, %add3A_405 : vector<512x128xf32>
      %max3A_407 = arith.constant 0.000000e+00 : f32
      %max3A_408 = vector.broadcast %max3A_407 : f32 to vector<512x128xf32>
      %max3A_409 = arith.maximumf %add3A_406, %max3A_408 : vector<512x128xf32>
      %dot_general3A_410 = arith.constant dense<0.000000e+00> : vector<512x128xf32>
      %dot_general3A_411 = tpu.matmul %max3A_409, %get3A_74, %dot_general3A_410 {dimension_numbers = #tpu.dot_dimension_numbers<[1], [0], [0], [1], [0, 0, 1, 1], [], []>, transpose_lhs_hint = false} : vector<512x128xf32>, vector<128x128xf32>, vector<512x128xf32> -> vector<512x128xf32>
      %add3A_412 = vector.broadcast %get3A_80 : vector<1x128xf32> to vector<512x128xf32>
      %add3A_413 = arith.addf %dot_general3A_411, %add3A_412 : vector<512x128xf32>
      %max3A_414 = arith.constant 0.000000e+00 : f32
      %max3A_415 = vector.broadcast %max3A_414 : f32 to vector<512x128xf32>
      %max3A_416 = arith.maximumf %add3A_413, %max3A_415 : vector<512x128xf32>
      %mul3A_417 = arith.mulf %max3A_416, %convert_element_type3A_23 : vector<512x128xf32>
      %mul3A_418 = arith.constant 512 : i32
      %mul3A_419 = arith.muli %scan3A_391, %mul3A_418 : i32
      %swap3A_420 = arith.index_cast %mul3A_419 : i32 to index
      %swap3A_421 = arith.constant 0 : index
      %swap3A_422 = vector.load %arg34[%swap3A_420, %swap3A_421] : memref<12800x128xf32, #tpu.memory_space<vmem>>, vector<512x128xf32>
      tpu.vector_store %arg34[%swap3A_420, %swap3A_421], %mul3A_417 {strides = array<i32>} : memref<12800x128xf32, #tpu.memory_space<vmem>>, vector<512x128xf32>,
      %reduce_sum3A_423 = arith.constant dense<0.000000e+00> : vector<128xf32>
      %reduce_sum3A_424 = vector.multi_reduction <add>, %mul3A_417, %reduce_sum3A_423 [0] : vector<512x128xf32> to vector<128xf32>
      %broadcast_in_dim3A_425 = vector.shape_cast %reduce_sum3A_424 : vector<128xf32> to vector<1x128xf32>
      %add3A_426 = arith.addf %add3A_384, %broadcast_in_dim3A_425 : vector<1x128xf32>
      %mul3A_427 = arith.mulf %mul3A_417, %mul3A_417 : vector<512x128xf32>
      %reduce_sum3A_428 = arith.constant dense<0.000000e+00> : vector<128xf32>
      %reduce_sum3A_429 = vector.multi_reduction <add>, %mul3A_427, %reduce_sum3A_428 [0] : vector<512x128xf32> to vector<128xf32>
      %broadcast_in_dim3A_430 = vector.shape_cast %reduce_sum3A_429 : vector<128xf32> to vector<1x128xf32>
      %add3A_431 = arith.addf %add3A_389, %broadcast_in_dim3A_430 : vector<1x128xf32>
      scf.yield %add3A_426, %add3A_431 : vector<1x128xf32>, vector<1x128xf32>
    }
    %scan3A_88 = arith.constant 25 : i32
    %mul3A_89 = arith.constant 9.99999974E-5 : f32
    %mul3A_90 = vector.broadcast %mul3A_89 : f32 to vector<1x128xf32>
    %mul3A_91 = arith.mulf %scan3A_87#0, %mul3A_90 : vector<1x128xf32>
    %mul3A_92 = arith.constant 9.99999974E-5 : f32
    %mul3A_93 = vector.broadcast %mul3A_92 : f32 to vector<1x128xf32>
    %mul3A_94 = arith.mulf %scan3A_87#1, %mul3A_93 : vector<1x128xf32>
    %mul3A_95 = arith.mulf %mul3A_91, %mul3A_91 : vector<1x128xf32>
    %sub3A_96 = arith.subf %mul3A_94, %mul3A_95 : vector<1x128xf32>
    %get3A_97 = arith.constant 0 : index
    %get3A_98 = arith.constant 0 : index
    %get3A_99 = vector.load %arg12[%get3A_97, %get3A_98] : memref<1x128xf32, #tpu.memory_space<vmem>>, vector<1x128xf32>
    %add3A_100 = arith.constant 9.99999974E-6 : f32
    %add3A_101 = vector.broadcast %add3A_100 : f32 to vector<1x128xf32>
    %add3A_102 = arith.addf %sub3A_96, %add3A_101 : vector<1x128xf32>
    %rsqrt3A_103 = math.rsqrt %add3A_102 : vector<1x128xf32>
    %mul3A_104 = arith.mulf %get3A_99, %rsqrt3A_103 : vector<1x128xf32>
    %get3A_105 = arith.constant 0 : index
    %get3A_106 = arith.constant 0 : index
    %get3A_107 = vector.load %arg13[%get3A_105, %get3A_106] : memref<1x128xf32, #tpu.memory_space<vmem>>, vector<1x128xf32>
    %mul3A_108 = arith.mulf %mul3A_91, %mul3A_104 : vector<1x128xf32>
    %sub3A_109 = arith.subf %get3A_107, %mul3A_108 : vector<1x128xf32>
    %scan3A_110 = arith.constant 0 : i32
    %scan3A_111 = arith.constant 100 : i32
    %scan3A_112 = arith.addi %scan3A_110, %scan3A_111 : i32
    %scan3A_113 = arith.constant 4 : i32
    scf.for %scan3A_221 = %scan3A_110 to %scan3A_112 step %scan3A_113  : i32 {
      %mul3A_222 = arith.constant 128 : i32
      %mul3A_223 = arith.muli %scan3A_221, %mul3A_222 : i32
      %get3A_224 = arith.index_cast %mul3A_223 : i32 to index
      %get3A_225 = arith.constant 0 : index
      %get3A_226 = vector.load %arg34[%get3A_224, %get3A_225] : memref<12800x128xf32, #tpu.memory_space<vmem>>, vector<128x128xf32>
      %mul3A_227 = vector.broadcast %mul3A_104 : vector<1x128xf32> to vector<128x128xf32>
      %mul3A_228 = arith.mulf %get3A_226, %mul3A_227 : vector<128x128xf32>
      %add3A_229 = vector.broadcast %sub3A_109 : vector<1x128xf32> to vector<128x128xf32>
      %add3A_230 = arith.addf %mul3A_228, %add3A_229 : vector<128x128xf32>
      %mul3A_231 = arith.mulf %add3A_230, %convert_element_type3A_2 : vector<128x128xf32>
      %swap3A_232 = arith.index_cast %mul3A_223 : i32 to index
      %swap3A_233 = arith.constant 0 : index
      %swap3A_234 = vector.load %arg32[%swap3A_232, %swap3A_233] : memref<12800x128xf32, #tpu.memory_space<vmem>>, vector<128x128xf32>
      tpu.vector_store %arg32[%swap3A_232, %swap3A_233], %mul3A_231 {strides = array<i32>} : memref<12800x128xf32, #tpu.memory_space<vmem>>, vector<128x128xf32>,
      %get3A_235 = arith.index_cast %mul3A_223 : i32 to index
      %get3A_236 = arith.constant 0 : index
      %get3A_237 = vector.load %arg1[%get3A_235, %get3A_236] : memref<12800x128xf32, #tpu.memory_space<vmem>>, vector<128x128xf32>
      %dot_general3A_238 = arith.constant dense<0.000000e+00> : vector<128x128xf32>
      %dot_general3A_239 = tpu.matmul %get3A_237, %mul3A_231, %dot_general3A_238 {dimension_numbers = #tpu.dot_dimension_numbers<[1], [0], [0], [1], [0, 0, 1, 1], [], []>, transpose_lhs_hint = false} : vector<128x128xf32>, vector<128x128xf32>, vector<128x128xf32> -> vector<128x128xf32>
      %swap3A_240 = arith.index_cast %mul3A_223 : i32 to index
      %swap3A_241 = arith.constant 0 : index
      %swap3A_242 = vector.load %arg33[%swap3A_240, %swap3A_241] : memref<12800x128xf32, #tpu.memory_space<vmem>>, vector<128x128xf32>
      tpu.vector_store %arg33[%swap3A_240, %swap3A_241], %dot_general3A_239 {strides = array<i32>} : memref<12800x128xf32, #tpu.memory_space<vmem>>, vector<128x128xf32>,
      %scan3A_243 = arith.constant 1 : i32
      %scan3A_244 = arith.addi %scan3A_221, %scan3A_243 : i32
      %mul3A_245 = arith.constant 128 : i32
      %mul3A_246 = arith.muli %scan3A_244, %mul3A_245 : i32
      %get3A_247 = arith.index_cast %mul3A_246 : i32 to index
      %get3A_248 = arith.constant 0 : index
      %get3A_249 = vector.load %arg34[%get3A_247, %get3A_248] : memref<12800x128xf32, #tpu.memory_space<vmem>>, vector<128x128xf32>
      %mul3A_250 = vector.broadcast %mul3A_104 : vector<1x128xf32> to vector<128x128xf32>
      %mul3A_251 = arith.mulf %get3A_249, %mul3A_250 : vector<128x128xf32>
      %add3A_252 = vector.broadcast %sub3A_109 : vector<1x128xf32> to vector<128x128xf32>
      %add3A_253 = arith.addf %mul3A_251, %add3A_252 : vector<128x128xf32>
      %mul3A_254 = arith.mulf %add3A_253, %convert_element_type3A_2 : vector<128x128xf32>
      %swap3A_255 = arith.index_cast %mul3A_246 : i32 to index
      %swap3A_256 = arith.constant 0 : index
      %swap3A_257 = vector.load %arg32[%swap3A_255, %swap3A_256] : memref<12800x128xf32, #tpu.memory_space<vmem>>, vector<128x128xf32>
      tpu.vector_store %arg32[%swap3A_255, %swap3A_256], %mul3A_254 {strides = array<i32>} : memref<12800x128xf32, #tpu.memory_space<vmem>>, vector<128x128xf32>,
      %get3A_258 = arith.index_cast %mul3A_246 : i32 to index
      %get3A_259 = arith.constant 0 : index
      %get3A_260 = vector.load %arg1[%get3A_258, %get3A_259] : memref<12800x128xf32, #tpu.memory_space<vmem>>, vector<128x128xf32>
      %dot_general3A_261 = arith.constant dense<0.000000e+00> : vector<128x128xf32>
      %dot_general3A_262 = tpu.matmul %get3A_260, %mul3A_254, %dot_general3A_261 {dimension_numbers = #tpu.dot_dimension_numbers<[1], [0], [0], [1], [0, 0, 1, 1], [], []>, transpose_lhs_hint = false} : vector<128x128xf32>, vector<128x128xf32>, vector<128x128xf32> -> vector<128x128xf32>
      %swap3A_263 = arith.index_cast %mul3A_246 : i32 to index
      %swap3A_264 = arith.constant 0 : index
      %swap3A_265 = vector.load %arg33[%swap3A_263, %swap3A_264] : memref<12800x128xf32, #tpu.memory_space<vmem>>, vector<128x128xf32>
      tpu.vector_store %arg33[%swap3A_263, %swap3A_264], %dot_general3A_262 {strides = array<i32>} : memref<12800x128xf32, #tpu.memory_space<vmem>>, vector<128x128xf32>,
      %scan3A_266 = arith.constant 2 : i32
      %scan3A_267 = arith.addi %scan3A_221, %scan3A_266 : i32
      %mul3A_268 = arith.constant 128 : i32
      %mul3A_269 = arith.muli %scan3A_267, %mul3A_268 : i32
      %get3A_270 = arith.index_cast %mul3A_269 : i32 to index
      %get3A_271 = arith.constant 0 : index
      %get3A_272 = vector.load %arg34[%get3A_270, %get3A_271] : memref<12800x128xf32, #tpu.memory_space<vmem>>, vector<128x128xf32>
      %mul3A_273 = vector.broadcast %mul3A_104 : vector<1x128xf32> to vector<128x128xf32>
      %mul3A_274 = arith.mulf %get3A_272, %mul3A_273 : vector<128x128xf32>
      %add3A_275 = vector.broadcast %sub3A_109 : vector<1x128xf32> to vector<128x128xf32>
      %add3A_276 = arith.addf %mul3A_274, %add3A_275 : vector<128x128xf32>
      %mul3A_277 = arith.mulf %add3A_276, %convert_element_type3A_2 : vector<128x128xf32>
      %swap3A_278 = arith.index_cast %mul3A_269 : i32 to index
      %swap3A_279 = arith.constant 0 : index
      %swap3A_280 = vector.load %arg32[%swap3A_278, %swap3A_279] : memref<12800x128xf32, #tpu.memory_space<vmem>>, vector<128x128xf32>
      tpu.vector_store %arg32[%swap3A_278, %swap3A_279], %mul3A_277 {strides = array<i32>} : memref<12800x128xf32, #tpu.memory_space<vmem>>, vector<128x128xf32>,
      %get3A_281 = arith.index_cast %mul3A_269 : i32 to index
      %get3A_282 = arith.constant 0 : index
      %get3A_283 = vector.load %arg1[%get3A_281, %get3A_282] : memref<12800x128xf32, #tpu.memory_space<vmem>>, vector<128x128xf32>
      %dot_general3A_284 = arith.constant dense<0.000000e+00> : vector<128x128xf32>
      %dot_general3A_285 = tpu.matmul %get3A_283, %mul3A_277, %dot_general3A_284 {dimension_numbers = #tpu.dot_dimension_numbers<[1], [0], [0], [1], [0, 0, 1, 1], [], []>, transpose_lhs_hint = false} : vector<128x128xf32>, vector<128x128xf32>, vector<128x128xf32> -> vector<128x128xf32>
      %swap3A_286 = arith.index_cast %mul3A_269 : i32 to index
      %swap3A_287 = arith.constant 0 : index
      %swap3A_288 = vector.load %arg33[%swap3A_286, %swap3A_287] : memref<12800x128xf32, #tpu.memory_space<vmem>>, vector<128x128xf32>
      tpu.vector_store %arg33[%swap3A_286, %swap3A_287], %dot_general3A_285 {strides = array<i32>} : memref<12800x128xf32, #tpu.memory_space<vmem>>, vector<128x128xf32>,
      %scan3A_289 = arith.constant 3 : i32
      %scan3A_290 = arith.addi %scan3A_221, %scan3A_289 : i32
      %mul3A_291 = arith.constant 128 : i32
      %mul3A_292 = arith.muli %scan3A_290, %mul3A_291 : i32
      %get3A_293 = arith.index_cast %mul3A_292 : i32 to index
      %get3A_294 = arith.constant 0 : index
      %get3A_295 = vector.load %arg34[%get3A_293, %get3A_294] : memref<12800x128xf32, #tpu.memory_space<vmem>>, vector<128x128xf32>
      %mul3A_296 = vector.broadcast %mul3A_104 : vector<1x128xf32> to vector<128x128xf32>
      %mul3A_297 = arith.mulf %get3A_295, %mul3A_296 : vector<128x128xf32>
      %add3A_298 = vector.broadcast %sub3A_109 : vector<1x128xf32> to vector<128x128xf32>
      %add3A_299 = arith.addf %mul3A_297, %add3A_298 : vector<128x128xf32>
      %mul3A_300 = arith.mulf %add3A_299, %convert_element_type3A_2 : vector<128x128xf32>
      %swap3A_301 = arith.index_cast %mul3A_292 : i32 to index
      %swap3A_302 = arith.constant 0 : index
      %swap3A_303 = vector.load %arg32[%swap3A_301, %swap3A_302] : memref<12800x128xf32, #tpu.memory_space<vmem>>, vector<128x128xf32>
      tpu.vector_store %arg32[%swap3A_301, %swap3A_302], %mul3A_300 {strides = array<i32>} : memref<12800x128xf32, #tpu.memory_space<vmem>>, vector<128x128xf32>,
      %get3A_304 = arith.index_cast %mul3A_292 : i32 to index
      %get3A_305 = arith.constant 0 : index
      %get3A_306 = vector.load %arg1[%get3A_304, %get3A_305] : memref<12800x128xf32, #tpu.memory_space<vmem>>, vector<128x128xf32>
      %dot_general3A_307 = arith.constant dense<0.000000e+00> : vector<128x128xf32>
      %dot_general3A_308 = tpu.matmul %get3A_306, %mul3A_300, %dot_general3A_307 {dimension_numbers = #tpu.dot_dimension_numbers<[1], [0], [0], [1], [0, 0, 1, 1], [], []>, transpose_lhs_hint = false} : vector<128x128xf32>, vector<128x128xf32>, vector<128x128xf32> -> vector<128x128xf32>
      %swap3A_309 = arith.index_cast %mul3A_292 : i32 to index
      %swap3A_310 = arith.constant 0 : index
      %swap3A_311 = vector.load %arg33[%swap3A_309, %swap3A_310] : memref<12800x128xf32, #tpu.memory_space<vmem>>, vector<128x128xf32>
      tpu.vector_store %arg33[%swap3A_309, %swap3A_310], %dot_general3A_308 {strides = array<i32>} : memref<12800x128xf32, #tpu.memory_space<vmem>>, vector<128x128xf32>,
    }
    %scan3A_114 = arith.constant 100 : i32
    %get3A_115 = arith.constant 0 : index
    %get3A_116 = arith.constant 0 : index
    %get3A_117 = vector.load %arg14[%get3A_115, %get3A_116] : memref<128x128xf32, #tpu.memory_space<vmem>>, vector<128x128xf32>
    %get3A_118 = arith.constant 0 : index
    %get3A_119 = arith.constant 0 : index
    %get3A_120 = vector.load %arg16[%get3A_118, %get3A_119] : memref<128x128xf32, #tpu.memory_space<vmem>>, vector<128x128xf32>
    %get3A_121 = arith.constant 0 : index
    %get3A_122 = arith.constant 0 : index
    %get3A_123 = vector.load %arg15[%get3A_121, %get3A_122] : memref<1x128xf32, #tpu.memory_space<vmem>>, vector<1x128xf32>
    %get3A_124 = arith.constant 0 : index
    %get3A_125 = arith.constant 0 : index
    %get3A_126 = vector.load %arg17[%get3A_124, %get3A_125] : memref<1x128xf32, #tpu.memory_space<vmem>>, vector<1x128xf32>
    %broadcast_in_dim3A_127 = arith.constant 0.000000e+00 : f32
    %broadcast_in_dim3A_128 = vector.broadcast %broadcast_in_dim3A_127 : f32 to vector<1x128xf32>
    %scan3A_129 = arith.constant 0 : i32
    %scan3A_130 = arith.constant 25 : i32
    %scan3A_131 = arith.addi %scan3A_129, %scan3A_130 : i32
    %scan3A_132 = arith.constant 5 : i32
    %scan3A_133:2 = scf.for %scan3A_221 = %scan3A_129 to %scan3A_131 step %scan3A_132 iter_args(%scan3A_222 = %broadcast_in_dim3A_128, %scan3A_223 = %broadcast_in_dim3A_128) -> (vector<1x128xf32>, vector<1x128xf32>)  : i32 {
      %mul3A_224 = arith.constant 512 : i32
      %mul3A_225 = arith.muli %scan3A_221, %mul3A_224 : i32
      %get3A_226 = arith.index_cast %mul3A_225 : i32 to index
      %get3A_227 = arith.constant 0 : index
      %get3A_228 = vector.load %arg32[%get3A_226, %get3A_227] : memref<12800x128xf32, #tpu.memory_space<vmem>>, vector<512x128xf32>
      %mul3A_229 = arith.constant 512 : i32
      %mul3A_230 = arith.muli %scan3A_221, %mul3A_229 : i32
      %get3A_231 = arith.index_cast %mul3A_230 : i32 to index
      %get3A_232 = arith.constant 0 : index
      %get3A_233 = vector.load %arg33[%get3A_231, %get3A_232] : memref<12800x128xf32, #tpu.memory_space<vmem>>, vector<512x128xf32>
      %add3A_234 = arith.addf %get3A_228, %get3A_233 : vector<512x128xf32>
      %dot_general3A_235 = arith.constant dense<0.000000e+00> : vector<512x128xf32>
      %dot_general3A_236 = tpu.matmul %add3A_234, %get3A_117, %dot_general3A_235 {dimension_numbers = #tpu.dot_dimension_numbers<[1], [0], [0], [1], [0, 0, 1, 1], [], []>, transpose_lhs_hint = false} : vector<512x128xf32>, vector<128x128xf32>, vector<512x128xf32> -> vector<512x128xf32>
      %add3A_237 = vector.broadcast %get3A_123 : vector<1x128xf32> to vector<512x128xf32>
      %add3A_238 = arith.addf %dot_general3A_236, %add3A_237 : vector<512x128xf32>
      %max3A_239 = arith.constant 0.000000e+00 : f32
      %max3A_240 = vector.broadcast %max3A_239 : f32 to vector<512x128xf32>
      %max3A_241 = arith.maximumf %add3A_238, %max3A_240 : vector<512x128xf32>
      %dot_general3A_242 = arith.constant dense<0.000000e+00> : vector<512x128xf32>
      %dot_general3A_243 = tpu.matmul %max3A_241, %get3A_120, %dot_general3A_242 {dimension_numbers = #tpu.dot_dimension_numbers<[1], [0], [0], [1], [0, 0, 1, 1], [], []>, transpose_lhs_hint = false} : vector<512x128xf32>, vector<128x128xf32>, vector<512x128xf32> -> vector<512x128xf32>
      %add3A_244 = vector.broadcast %get3A_126 : vector<1x128xf32> to vector<512x128xf32>
      %add3A_245 = arith.addf %dot_general3A_243, %add3A_244 : vector<512x128xf32>
      %max3A_246 = arith.constant 0.000000e+00 : f32
      %max3A_247 = vector.broadcast %max3A_246 : f32 to vector<512x128xf32>
      %max3A_248 = arith.maximumf %add3A_245, %max3A_247 : vector<512x128xf32>
      %mul3A_249 = arith.mulf %max3A_248, %convert_element_type3A_23 : vector<512x128xf32>
      %mul3A_250 = arith.constant 512 : i32
      %mul3A_251 = arith.muli %scan3A_221, %mul3A_250 : i32
      %swap3A_252 = arith.index_cast %mul3A_251 : i32 to index
      %swap3A_253 = arith.constant 0 : index
      %swap3A_254 = vector.load %arg34[%swap3A_252, %swap3A_253] : memref<12800x128xf32, #tpu.memory_space<vmem>>, vector<512x128xf32>
      tpu.vector_store %arg34[%swap3A_252, %swap3A_253], %mul3A_249 {strides = array<i32>} : memref<12800x128xf32, #tpu.memory_space<vmem>>, vector<512x128xf32>,
      %reduce_sum3A_255 = arith.constant dense<0.000000e+00> : vector<128xf32>
      %reduce_sum3A_256 = vector.multi_reduction <add>, %mul3A_249, %reduce_sum3A_255 [0] : vector<512x128xf32> to vector<128xf32>
      %broadcast_in_dim3A_257 = vector.shape_cast %reduce_sum3A_256 : vector<128xf32> to vector<1x128xf32>
      %add3A_258 = arith.addf %scan3A_222, %broadcast_in_dim3A_257 : vector<1x128xf32>
      %mul3A_259 = arith.mulf %mul3A_249, %mul3A_249 : vector<512x128xf32>
      %reduce_sum3A_260 = arith.constant dense<0.000000e+00> : vector<128xf32>
      %reduce_sum3A_261 = vector.multi_reduction <add>, %mul3A_259, %reduce_sum3A_260 [0] : vector<512x128xf32> to vector<128xf32>
      %broadcast_in_dim3A_262 = vector.shape_cast %reduce_sum3A_261 : vector<128xf32> to vector<1x128xf32>
      %add3A_263 = arith.addf %scan3A_223, %broadcast_in_dim3A_262 : vector<1x128xf32>
      %scan3A_264 = arith.constant 1 : i32
      %scan3A_265 = arith.addi %scan3A_221, %scan3A_264 : i32
      %mul3A_266 = arith.constant 512 : i32
      %mul3A_267 = arith.muli %scan3A_265, %mul3A_266 : i32
      %get3A_268 = arith.index_cast %mul3A_267 : i32 to index
      %get3A_269 = arith.constant 0 : index
      %get3A_270 = vector.load %arg32[%get3A_268, %get3A_269] : memref<12800x128xf32, #tpu.memory_space<vmem>>, vector<512x128xf32>
      %mul3A_271 = arith.constant 512 : i32
      %mul3A_272 = arith.muli %scan3A_265, %mul3A_271 : i32
      %get3A_273 = arith.index_cast %mul3A_272 : i32 to index
      %get3A_274 = arith.constant 0 : index
      %get3A_275 = vector.load %arg33[%get3A_273, %get3A_274] : memref<12800x128xf32, #tpu.memory_space<vmem>>, vector<512x128xf32>
      %add3A_276 = arith.addf %get3A_270, %get3A_275 : vector<512x128xf32>
      %dot_general3A_277 = arith.constant dense<0.000000e+00> : vector<512x128xf32>
      %dot_general3A_278 = tpu.matmul %add3A_276, %get3A_117, %dot_general3A_277 {dimension_numbers = #tpu.dot_dimension_numbers<[1], [0], [0], [1], [0, 0, 1, 1], [], []>, transpose_lhs_hint = false} : vector<512x128xf32>, vector<128x128xf32>, vector<512x128xf32> -> vector<512x128xf32>
      %add3A_279 = vector.broadcast %get3A_123 : vector<1x128xf32> to vector<512x128xf32>
      %add3A_280 = arith.addf %dot_general3A_278, %add3A_279 : vector<512x128xf32>
      %max3A_281 = arith.constant 0.000000e+00 : f32
      %max3A_282 = vector.broadcast %max3A_281 : f32 to vector<512x128xf32>
      %max3A_283 = arith.maximumf %add3A_280, %max3A_282 : vector<512x128xf32>
      %dot_general3A_284 = arith.constant dense<0.000000e+00> : vector<512x128xf32>
      %dot_general3A_285 = tpu.matmul %max3A_283, %get3A_120, %dot_general3A_284 {dimension_numbers = #tpu.dot_dimension_numbers<[1], [0], [0], [1], [0, 0, 1, 1], [], []>, transpose_lhs_hint = false} : vector<512x128xf32>, vector<128x128xf32>, vector<512x128xf32> -> vector<512x128xf32>
      %add3A_286 = vector.broadcast %get3A_126 : vector<1x128xf32> to vector<512x128xf32>
      %add3A_287 = arith.addf %dot_general3A_285, %add3A_286 : vector<512x128xf32>
      %max3A_288 = arith.constant 0.000000e+00 : f32
      %max3A_289 = vector.broadcast %max3A_288 : f32 to vector<512x128xf32>
      %max3A_290 = arith.maximumf %add3A_287, %max3A_289 : vector<512x128xf32>
      %mul3A_291 = arith.mulf %max3A_290, %convert_element_type3A_23 : vector<512x128xf32>
      %mul3A_292 = arith.constant 512 : i32
      %mul3A_293 = arith.muli %scan3A_265, %mul3A_292 : i32
      %swap3A_294 = arith.index_cast %mul3A_293 : i32 to index
      %swap3A_295 = arith.constant 0 : index
      %swap3A_296 = vector.load %arg34[%swap3A_294, %swap3A_295] : memref<12800x128xf32, #tpu.memory_space<vmem>>, vector<512x128xf32>
      tpu.vector_store %arg34[%swap3A_294, %swap3A_295], %mul3A_291 {strides = array<i32>} : memref<12800x128xf32, #tpu.memory_space<vmem>>, vector<512x128xf32>,
      %reduce_sum3A_297 = arith.constant dense<0.000000e+00> : vector<128xf32>
      %reduce_sum3A_298 = vector.multi_reduction <add>, %mul3A_291, %reduce_sum3A_297 [0] : vector<512x128xf32> to vector<128xf32>
      %broadcast_in_dim3A_299 = vector.shape_cast %reduce_sum3A_298 : vector<128xf32> to vector<1x128xf32>
      %add3A_300 = arith.addf %add3A_258, %broadcast_in_dim3A_299 : vector<1x128xf32>
      %mul3A_301 = arith.mulf %mul3A_291, %mul3A_291 : vector<512x128xf32>
      %reduce_sum3A_302 = arith.constant dense<0.000000e+00> : vector<128xf32>
      %reduce_sum3A_303 = vector.multi_reduction <add>, %mul3A_301, %reduce_sum3A_302 [0] : vector<512x128xf32> to vector<128xf32>
      %broadcast_in_dim3A_304 = vector.shape_cast %reduce_sum3A_303 : vector<128xf32> to vector<1x128xf32>
      %add3A_305 = arith.addf %add3A_263, %broadcast_in_dim3A_304 : vector<1x128xf32>
      %scan3A_306 = arith.constant 2 : i32
      %scan3A_307 = arith.addi %scan3A_221, %scan3A_306 : i32
      %mul3A_308 = arith.constant 512 : i32
      %mul3A_309 = arith.muli %scan3A_307, %mul3A_308 : i32
      %get3A_310 = arith.index_cast %mul3A_309 : i32 to index
      %get3A_311 = arith.constant 0 : index
      %get3A_312 = vector.load %arg32[%get3A_310, %get3A_311] : memref<12800x128xf32, #tpu.memory_space<vmem>>, vector<512x128xf32>
      %mul3A_313 = arith.constant 512 : i32
      %mul3A_314 = arith.muli %scan3A_307, %mul3A_313 : i32
      %get3A_315 = arith.index_cast %mul3A_314 : i32 to index
      %get3A_316 = arith.constant 0 : index
      %get3A_317 = vector.load %arg33[%get3A_315, %get3A_316] : memref<12800x128xf32, #tpu.memory_space<vmem>>, vector<512x128xf32>
      %add3A_318 = arith.addf %get3A_312, %get3A_317 : vector<512x128xf32>
      %dot_general3A_319 = arith.constant dense<0.000000e+00> : vector<512x128xf32>
      %dot_general3A_320 = tpu.matmul %add3A_318, %get3A_117, %dot_general3A_319 {dimension_numbers = #tpu.dot_dimension_numbers<[1], [0], [0], [1], [0, 0, 1, 1], [], []>, transpose_lhs_hint = false} : vector<512x128xf32>, vector<128x128xf32>, vector<512x128xf32> -> vector<512x128xf32>
      %add3A_321 = vector.broadcast %get3A_123 : vector<1x128xf32> to vector<512x128xf32>
      %add3A_322 = arith.addf %dot_general3A_320, %add3A_321 : vector<512x128xf32>
      %max3A_323 = arith.constant 0.000000e+00 : f32
      %max3A_324 = vector.broadcast %max3A_323 : f32 to vector<512x128xf32>
      %max3A_325 = arith.maximumf %add3A_322, %max3A_324 : vector<512x128xf32>
      %dot_general3A_326 = arith.constant dense<0.000000e+00> : vector<512x128xf32>
      %dot_general3A_327 = tpu.matmul %max3A_325, %get3A_120, %dot_general3A_326 {dimension_numbers = #tpu.dot_dimension_numbers<[1], [0], [0], [1], [0, 0, 1, 1], [], []>, transpose_lhs_hint = false} : vector<512x128xf32>, vector<128x128xf32>, vector<512x128xf32> -> vector<512x128xf32>
      %add3A_328 = vector.broadcast %get3A_126 : vector<1x128xf32> to vector<512x128xf32>
      %add3A_329 = arith.addf %dot_general3A_327, %add3A_328 : vector<512x128xf32>
      %max3A_330 = arith.constant 0.000000e+00 : f32
      %max3A_331 = vector.broadcast %max3A_330 : f32 to vector<512x128xf32>
      %max3A_332 = arith.maximumf %add3A_329, %max3A_331 : vector<512x128xf32>
      %mul3A_333 = arith.mulf %max3A_332, %convert_element_type3A_23 : vector<512x128xf32>
      %mul3A_334 = arith.constant 512 : i32
      %mul3A_335 = arith.muli %scan3A_307, %mul3A_334 : i32
      %swap3A_336 = arith.index_cast %mul3A_335 : i32 to index
      %swap3A_337 = arith.constant 0 : index
      %swap3A_338 = vector.load %arg34[%swap3A_336, %swap3A_337] : memref<12800x128xf32, #tpu.memory_space<vmem>>, vector<512x128xf32>
      tpu.vector_store %arg34[%swap3A_336, %swap3A_337], %mul3A_333 {strides = array<i32>} : memref<12800x128xf32, #tpu.memory_space<vmem>>, vector<512x128xf32>,
      %reduce_sum3A_339 = arith.constant dense<0.000000e+00> : vector<128xf32>
      %reduce_sum3A_340 = vector.multi_reduction <add>, %mul3A_333, %reduce_sum3A_339 [0] : vector<512x128xf32> to vector<128xf32>
      %broadcast_in_dim3A_341 = vector.shape_cast %reduce_sum3A_340 : vector<128xf32> to vector<1x128xf32>
      %add3A_342 = arith.addf %add3A_300, %broadcast_in_dim3A_341 : vector<1x128xf32>
      %mul3A_343 = arith.mulf %mul3A_333, %mul3A_333 : vector<512x128xf32>
      %reduce_sum3A_344 = arith.constant dense<0.000000e+00> : vector<128xf32>
      %reduce_sum3A_345 = vector.multi_reduction <add>, %mul3A_343, %reduce_sum3A_344 [0] : vector<512x128xf32> to vector<128xf32>
      %broadcast_in_dim3A_346 = vector.shape_cast %reduce_sum3A_345 : vector<128xf32> to vector<1x128xf32>
      %add3A_347 = arith.addf %add3A_305, %broadcast_in_dim3A_346 : vector<1x128xf32>
      %scan3A_348 = arith.constant 3 : i32
      %scan3A_349 = arith.addi %scan3A_221, %scan3A_348 : i32
      %mul3A_350 = arith.constant 512 : i32
      %mul3A_351 = arith.muli %scan3A_349, %mul3A_350 : i32
      %get3A_352 = arith.index_cast %mul3A_351 : i32 to index
      %get3A_353 = arith.constant 0 : index
      %get3A_354 = vector.load %arg32[%get3A_352, %get3A_353] : memref<12800x128xf32, #tpu.memory_space<vmem>>, vector<512x128xf32>
      %mul3A_355 = arith.constant 512 : i32
      %mul3A_356 = arith.muli %scan3A_349, %mul3A_355 : i32
      %get3A_357 = arith.index_cast %mul3A_356 : i32 to index
      %get3A_358 = arith.constant 0 : index
      %get3A_359 = vector.load %arg33[%get3A_357, %get3A_358] : memref<12800x128xf32, #tpu.memory_space<vmem>>, vector<512x128xf32>
      %add3A_360 = arith.addf %get3A_354, %get3A_359 : vector<512x128xf32>
      %dot_general3A_361 = arith.constant dense<0.000000e+00> : vector<512x128xf32>
      %dot_general3A_362 = tpu.matmul %add3A_360, %get3A_117, %dot_general3A_361 {dimension_numbers = #tpu.dot_dimension_numbers<[1], [0], [0], [1], [0, 0, 1, 1], [], []>, transpose_lhs_hint = false} : vector<512x128xf32>, vector<128x128xf32>, vector<512x128xf32> -> vector<512x128xf32>
      %add3A_363 = vector.broadcast %get3A_123 : vector<1x128xf32> to vector<512x128xf32>
      %add3A_364 = arith.addf %dot_general3A_362, %add3A_363 : vector<512x128xf32>
      %max3A_365 = arith.constant 0.000000e+00 : f32
      %max3A_366 = vector.broadcast %max3A_365 : f32 to vector<512x128xf32>
      %max3A_367 = arith.maximumf %add3A_364, %max3A_366 : vector<512x128xf32>
      %dot_general3A_368 = arith.constant dense<0.000000e+00> : vector<512x128xf32>
      %dot_general3A_369 = tpu.matmul %max3A_367, %get3A_120, %dot_general3A_368 {dimension_numbers = #tpu.dot_dimension_numbers<[1], [0], [0], [1], [0, 0, 1, 1], [], []>, transpose_lhs_hint = false} : vector<512x128xf32>, vector<128x128xf32>, vector<512x128xf32> -> vector<512x128xf32>
      %add3A_370 = vector.broadcast %get3A_126 : vector<1x128xf32> to vector<512x128xf32>
      %add3A_371 = arith.addf %dot_general3A_369, %add3A_370 : vector<512x128xf32>
      %max3A_372 = arith.constant 0.000000e+00 : f32
      %max3A_373 = vector.broadcast %max3A_372 : f32 to vector<512x128xf32>
      %max3A_374 = arith.maximumf %add3A_371, %max3A_373 : vector<512x128xf32>
      %mul3A_375 = arith.mulf %max3A_374, %convert_element_type3A_23 : vector<512x128xf32>
      %mul3A_376 = arith.constant 512 : i32
      %mul3A_377 = arith.muli %scan3A_349, %mul3A_376 : i32
      %swap3A_378 = arith.index_cast %mul3A_377 : i32 to index
      %swap3A_379 = arith.constant 0 : index
      %swap3A_380 = vector.load %arg34[%swap3A_378, %swap3A_379] : memref<12800x128xf32, #tpu.memory_space<vmem>>, vector<512x128xf32>
      tpu.vector_store %arg34[%swap3A_378, %swap3A_379], %mul3A_375 {strides = array<i32>} : memref<12800x128xf32, #tpu.memory_space<vmem>>, vector<512x128xf32>,
      %reduce_sum3A_381 = arith.constant dense<0.000000e+00> : vector<128xf32>
      %reduce_sum3A_382 = vector.multi_reduction <add>, %mul3A_375, %reduce_sum3A_381 [0] : vector<512x128xf32> to vector<128xf32>
      %broadcast_in_dim3A_383 = vector.shape_cast %reduce_sum3A_382 : vector<128xf32> to vector<1x128xf32>
      %add3A_384 = arith.addf %add3A_342, %broadcast_in_dim3A_383 : vector<1x128xf32>
      %mul3A_385 = arith.mulf %mul3A_375, %mul3A_375 : vector<512x128xf32>
      %reduce_sum3A_386 = arith.constant dense<0.000000e+00> : vector<128xf32>
      %reduce_sum3A_387 = vector.multi_reduction <add>, %mul3A_385, %reduce_sum3A_386 [0] : vector<512x128xf32> to vector<128xf32>
      %broadcast_in_dim3A_388 = vector.shape_cast %reduce_sum3A_387 : vector<128xf32> to vector<1x128xf32>
      %add3A_389 = arith.addf %add3A_347, %broadcast_in_dim3A_388 : vector<1x128xf32>
      %scan3A_390 = arith.constant 4 : i32
      %scan3A_391 = arith.addi %scan3A_221, %scan3A_390 : i32
      %mul3A_392 = arith.constant 512 : i32
      %mul3A_393 = arith.muli %scan3A_391, %mul3A_392 : i32
      %get3A_394 = arith.index_cast %mul3A_393 : i32 to index
      %get3A_395 = arith.constant 0 : index
      %get3A_396 = vector.load %arg32[%get3A_394, %get3A_395] : memref<12800x128xf32, #tpu.memory_space<vmem>>, vector<512x128xf32>
      %mul3A_397 = arith.constant 512 : i32
      %mul3A_398 = arith.muli %scan3A_391, %mul3A_397 : i32
      %get3A_399 = arith.index_cast %mul3A_398 : i32 to index
      %get3A_400 = arith.constant 0 : index
      %get3A_401 = vector.load %arg33[%get3A_399, %get3A_400] : memref<12800x128xf32, #tpu.memory_space<vmem>>, vector<512x128xf32>
      %add3A_402 = arith.addf %get3A_396, %get3A_401 : vector<512x128xf32>
      %dot_general3A_403 = arith.constant dense<0.000000e+00> : vector<512x128xf32>
      %dot_general3A_404 = tpu.matmul %add3A_402, %get3A_117, %dot_general3A_403 {dimension_numbers = #tpu.dot_dimension_numbers<[1], [0], [0], [1], [0, 0, 1, 1], [], []>, transpose_lhs_hint = false} : vector<512x128xf32>, vector<128x128xf32>, vector<512x128xf32> -> vector<512x128xf32>
      %add3A_405 = vector.broadcast %get3A_123 : vector<1x128xf32> to vector<512x128xf32>
      %add3A_406 = arith.addf %dot_general3A_404, %add3A_405 : vector<512x128xf32>
      %max3A_407 = arith.constant 0.000000e+00 : f32
      %max3A_408 = vector.broadcast %max3A_407 : f32 to vector<512x128xf32>
      %max3A_409 = arith.maximumf %add3A_406, %max3A_408 : vector<512x128xf32>
      %dot_general3A_410 = arith.constant dense<0.000000e+00> : vector<512x128xf32>
      %dot_general3A_411 = tpu.matmul %max3A_409, %get3A_120, %dot_general3A_410 {dimension_numbers = #tpu.dot_dimension_numbers<[1], [0], [0], [1], [0, 0, 1, 1], [], []>, transpose_lhs_hint = false} : vector<512x128xf32>, vector<128x128xf32>, vector<512x128xf32> -> vector<512x128xf32>
      %add3A_412 = vector.broadcast %get3A_126 : vector<1x128xf32> to vector<512x128xf32>
      %add3A_413 = arith.addf %dot_general3A_411, %add3A_412 : vector<512x128xf32>
      %max3A_414 = arith.constant 0.000000e+00 : f32
      %max3A_415 = vector.broadcast %max3A_414 : f32 to vector<512x128xf32>
      %max3A_416 = arith.maximumf %add3A_413, %max3A_415 : vector<512x128xf32>
      %mul3A_417 = arith.mulf %max3A_416, %convert_element_type3A_23 : vector<512x128xf32>
      %mul3A_418 = arith.constant 512 : i32
      %mul3A_419 = arith.muli %scan3A_391, %mul3A_418 : i32
      %swap3A_420 = arith.index_cast %mul3A_419 : i32 to index
      %swap3A_421 = arith.constant 0 : index
      %swap3A_422 = vector.load %arg34[%swap3A_420, %swap3A_421] : memref<12800x128xf32, #tpu.memory_space<vmem>>, vector<512x128xf32>
      tpu.vector_store %arg34[%swap3A_420, %swap3A_421], %mul3A_417 {strides = array<i32>} : memref<12800x128xf32, #tpu.memory_space<vmem>>, vector<512x128xf32>,
      %reduce_sum3A_423 = arith.constant dense<0.000000e+00> : vector<128xf32>
      %reduce_sum3A_424 = vector.multi_reduction <add>, %mul3A_417, %reduce_sum3A_423 [0] : vector<512x128xf32> to vector<128xf32>
      %broadcast_in_dim3A_425 = vector.shape_cast %reduce_sum3A_424 : vector<128xf32> to vector<1x128xf32>
      %add3A_426 = arith.addf %add3A_384, %broadcast_in_dim3A_425 : vector<1x128xf32>
      %mul3A_427 = arith.mulf %mul3A_417, %mul3A_417 : vector<512x128xf32>
      %reduce_sum3A_428 = arith.constant dense<0.000000e+00> : vector<128xf32>
      %reduce_sum3A_429 = vector.multi_reduction <add>, %mul3A_427, %reduce_sum3A_428 [0] : vector<512x128xf32> to vector<128xf32>
      %broadcast_in_dim3A_430 = vector.shape_cast %reduce_sum3A_429 : vector<128xf32> to vector<1x128xf32>
      %add3A_431 = arith.addf %add3A_389, %broadcast_in_dim3A_430 : vector<1x128xf32>
      scf.yield %add3A_426, %add3A_431 : vector<1x128xf32>, vector<1x128xf32>
    }
    %scan3A_134 = arith.constant 25 : i32
    %mul3A_135 = arith.constant 9.99999974E-5 : f32
    %mul3A_136 = vector.broadcast %mul3A_135 : f32 to vector<1x128xf32>
    %mul3A_137 = arith.mulf %scan3A_133#0, %mul3A_136 : vector<1x128xf32>
    %mul3A_138 = arith.constant 9.99999974E-5 : f32
    %mul3A_139 = vector.broadcast %mul3A_138 : f32 to vector<1x128xf32>
    %mul3A_140 = arith.mulf %scan3A_133#1, %mul3A_139 : vector<1x128xf32>
    %mul3A_141 = arith.mulf %mul3A_137, %mul3A_137 : vector<1x128xf32>
    %sub3A_142 = arith.subf %mul3A_140, %mul3A_141 : vector<1x128xf32>
    %get3A_143 = arith.constant 0 : index
    %get3A_144 = arith.constant 0 : index
    %get3A_145 = vector.load %arg18[%get3A_143, %get3A_144] : memref<1x128xf32, #tpu.memory_space<vmem>>, vector<1x128xf32>
    %add3A_146 = arith.constant 9.99999974E-6 : f32
    %add3A_147 = vector.broadcast %add3A_146 : f32 to vector<1x128xf32>
    %add3A_148 = arith.addf %sub3A_142, %add3A_147 : vector<1x128xf32>
    %rsqrt3A_149 = math.rsqrt %add3A_148 : vector<1x128xf32>
    %mul3A_150 = arith.mulf %get3A_145, %rsqrt3A_149 : vector<1x128xf32>
    %get3A_151 = arith.constant 0 : index
    %get3A_152 = arith.constant 0 : index
    %get3A_153 = vector.load %arg19[%get3A_151, %get3A_152] : memref<1x128xf32, #tpu.memory_space<vmem>>, vector<1x128xf32>
    %mul3A_154 = arith.mulf %mul3A_137, %mul3A_150 : vector<1x128xf32>
    %sub3A_155 = arith.subf %get3A_153, %mul3A_154 : vector<1x128xf32>
    %get3A_156 = arith.constant 0 : index
    %get3A_157 = arith.constant 0 : index
    %get3A_158 = vector.load %arg20[%get3A_156, %get3A_157] : memref<128x128xf32, #tpu.memory_space<vmem>>, vector<128x128xf32>
    %get3A_159 = arith.constant 0 : index
    %get3A_160 = arith.constant 0 : index
    %get3A_161 = vector.load %arg21[%get3A_159, %get3A_160] : memref<1x128xf32, #tpu.memory_space<vmem>>, vector<1x128xf32>
    %get3A_162 = arith.constant 0 : index
    %get3A_163 = arith.constant 0 : index
    %get3A_164 = vector.load %arg22[%get3A_162, %get3A_163] : memref<128x2xf32, #tpu.memory_space<vmem>>, vector<128x2xf32>
    %get3A_165 = arith.constant 0 : index
    %get3A_166 = arith.constant 0 : index
    %get3A_167 = vector.load %arg23[%get3A_165, %get3A_166] : memref<1x2xf32, #tpu.memory_space<vmem>>, vector<1x2xf32>
    %scan3A_168 = arith.constant 0 : i32
    %scan3A_169 = arith.constant 25 : i32
    %scan3A_170 = arith.addi %scan3A_168, %scan3A_169 : i32
    %scan3A_171 = arith.constant 5 : i32
    scf.for %scan3A_221 = %scan3A_168 to %scan3A_170 step %scan3A_171  : i32 {
      %mul3A_222 = arith.constant 512 : i32
      %mul3A_223 = arith.muli %scan3A_221, %mul3A_222 : i32
      %get3A_224 = arith.index_cast %mul3A_223 : i32 to index
      %get3A_225 = arith.constant 0 : index
      %get3A_226 = vector.load %arg34[%get3A_224, %get3A_225] : memref<12800x128xf32, #tpu.memory_space<vmem>>, vector<512x128xf32>
      %mul3A_227 = vector.broadcast %mul3A_150 : vector<1x128xf32> to vector<512x128xf32>
      %mul3A_228 = arith.mulf %get3A_226, %mul3A_227 : vector<512x128xf32>
      %add3A_229 = vector.broadcast %sub3A_155 : vector<1x128xf32> to vector<512x128xf32>
      %add3A_230 = arith.addf %mul3A_228, %add3A_229 : vector<512x128xf32>
      %mul3A_231 = arith.mulf %add3A_230, %convert_element_type3A_23 : vector<512x128xf32>
      %swap3A_232 = arith.index_cast %mul3A_223 : i32 to index
      %swap3A_233 = arith.constant 0 : index
      %swap3A_234 = vector.load %arg32[%swap3A_232, %swap3A_233] : memref<12800x128xf32, #tpu.memory_space<vmem>>, vector<512x128xf32>
      tpu.vector_store %arg32[%swap3A_232, %swap3A_233], %mul3A_231 {strides = array<i32>} : memref<12800x128xf32, #tpu.memory_space<vmem>>, vector<512x128xf32>,
      %dot_general3A_235 = arith.constant dense<0.000000e+00> : vector<512x128xf32>
      %dot_general3A_236 = tpu.matmul %mul3A_231, %get3A_158, %dot_general3A_235 {dimension_numbers = #tpu.dot_dimension_numbers<[1], [0], [0], [1], [0, 0, 1, 1], [], []>, transpose_lhs_hint = false} : vector<512x128xf32>, vector<128x128xf32>, vector<512x128xf32> -> vector<512x128xf32>
      %add3A_237 = vector.broadcast %get3A_161 : vector<1x128xf32> to vector<512x128xf32>
      %add3A_238 = arith.addf %dot_general3A_236, %add3A_237 : vector<512x128xf32>
      %tanh3A = math.tanh %add3A_238 : vector<512x128xf32>
      %dot_general3A_239 = arith.constant dense<0.000000e+00> : vector<512x2xf32>
      %dot_general3A_240 = tpu.matmul %tanh3A, %get3A_164, %dot_general3A_239 {dimension_numbers = #tpu.dot_dimension_numbers<[1], [0], [0], [1], [0, 0, 1, 1], [], []>, transpose_lhs_hint = false} : vector<512x128xf32>, vector<128x2xf32>, vector<512x2xf32> -> vector<512x2xf32>
      %add3A_241 = vector.broadcast %get3A_167 : vector<1x2xf32> to vector<512x2xf32>
      %add3A_242 = arith.addf %dot_general3A_240, %add3A_241 : vector<512x2xf32>
      %reduce_max3A_243 = arith.constant dense<0xFF800000> : vector<512xf32>
      %reduce_max3A_244 = vector.multi_reduction <maximumf>, %add3A_242, %reduce_max3A_243 [1] : vector<512x2xf32> to vector<512xf32>
      %broadcast_in_dim3A_245 = vector.shape_cast %reduce_max3A_244 : vector<512xf32> to vector<512x1xf32>
      %sub3A_246 = vector.broadcast %broadcast_in_dim3A_245 : vector<512x1xf32> to vector<512x2xf32>
      %sub3A_247 = arith.subf %add3A_242, %sub3A_246 : vector<512x2xf32>
      %exp3A_248 = math.exp %sub3A_247 : vector<512x2xf32>
      %reduce_sum3A_249 = arith.constant dense<0.000000e+00> : vector<512xf32>
      %reduce_sum3A_250 = vector.multi_reduction <add>, %exp3A_248, %reduce_sum3A_249 [1] : vector<512x2xf32> to vector<512xf32>
      %broadcast_in_dim3A_251 = vector.shape_cast %reduce_sum3A_250 : vector<512xf32> to vector<512x1xf32>
      %div3A = vector.broadcast %broadcast_in_dim3A_251 : vector<512x1xf32> to vector<512x2xf32>
      %div3A_252 = arith.divf %exp3A_248, %div3A : vector<512x2xf32>
      %swap3A_253 = arith.index_cast %mul3A_223 : i32 to index
      %swap3A_254 = arith.constant 0 : index
      %swap3A_255 = vector.load %arg35[%swap3A_253, %swap3A_254] : memref<12800x2xf32, #tpu.memory_space<vmem>>, vector<512x2xf32>
      tpu.vector_store %arg35[%swap3A_253, %swap3A_254], %div3A_252 {strides = array<i32>} : memref<12800x2xf32, #tpu.memory_space<vmem>>, vector<512x2xf32>,
      %scan3A_256 = arith.constant 1 : i32
      %scan3A_257 = arith.addi %scan3A_221, %scan3A_256 : i32
      %mul3A_258 = arith.constant 512 : i32
      %mul3A_259 = arith.muli %scan3A_257, %mul3A_258 : i32
      %get3A_260 = arith.index_cast %mul3A_259 : i32 to index
      %get3A_261 = arith.constant 0 : index
      %get3A_262 = vector.load %arg34[%get3A_260, %get3A_261] : memref<12800x128xf32, #tpu.memory_space<vmem>>, vector<512x128xf32>
      %mul3A_263 = vector.broadcast %mul3A_150 : vector<1x128xf32> to vector<512x128xf32>
      %mul3A_264 = arith.mulf %get3A_262, %mul3A_263 : vector<512x128xf32>
      %add3A_265 = vector.broadcast %sub3A_155 : vector<1x128xf32> to vector<512x128xf32>
      %add3A_266 = arith.addf %mul3A_264, %add3A_265 : vector<512x128xf32>
      %mul3A_267 = arith.mulf %add3A_266, %convert_element_type3A_23 : vector<512x128xf32>
      %swap3A_268 = arith.index_cast %mul3A_259 : i32 to index
      %swap3A_269 = arith.constant 0 : index
      %swap3A_270 = vector.load %arg32[%swap3A_268, %swap3A_269] : memref<12800x128xf32, #tpu.memory_space<vmem>>, vector<512x128xf32>
      tpu.vector_store %arg32[%swap3A_268, %swap3A_269], %mul3A_267 {strides = array<i32>} : memref<12800x128xf32, #tpu.memory_space<vmem>>, vector<512x128xf32>,
      %dot_general3A_271 = arith.constant dense<0.000000e+00> : vector<512x128xf32>
      %dot_general3A_272 = tpu.matmul %mul3A_267, %get3A_158, %dot_general3A_271 {dimension_numbers = #tpu.dot_dimension_numbers<[1], [0], [0], [1], [0, 0, 1, 1], [], []>, transpose_lhs_hint = false} : vector<512x128xf32>, vector<128x128xf32>, vector<512x128xf32> -> vector<512x128xf32>
      %add3A_273 = vector.broadcast %get3A_161 : vector<1x128xf32> to vector<512x128xf32>
      %add3A_274 = arith.addf %dot_general3A_272, %add3A_273 : vector<512x128xf32>
      %tanh3A_275 = math.tanh %add3A_274 : vector<512x128xf32>
      %dot_general3A_276 = arith.constant dense<0.000000e+00> : vector<512x2xf32>
      %dot_general3A_277 = tpu.matmul %tanh3A_275, %get3A_164, %dot_general3A_276 {dimension_numbers = #tpu.dot_dimension_numbers<[1], [0], [0], [1], [0, 0, 1, 1], [], []>, transpose_lhs_hint = false} : vector<512x128xf32>, vector<128x2xf32>, vector<512x2xf32> -> vector<512x2xf32>
      %add3A_278 = vector.broadcast %get3A_167 : vector<1x2xf32> to vector<512x2xf32>
      %add3A_279 = arith.addf %dot_general3A_277, %add3A_278 : vector<512x2xf32>
      %reduce_max3A_280 = arith.constant dense<0xFF800000> : vector<512xf32>
      %reduce_max3A_281 = vector.multi_reduction <maximumf>, %add3A_279, %reduce_max3A_280 [1] : vector<512x2xf32> to vector<512xf32>
      %broadcast_in_dim3A_282 = vector.shape_cast %reduce_max3A_281 : vector<512xf32> to vector<512x1xf32>
      %sub3A_283 = vector.broadcast %broadcast_in_dim3A_282 : vector<512x1xf32> to vector<512x2xf32>
      %sub3A_284 = arith.subf %add3A_279, %sub3A_283 : vector<512x2xf32>
      %exp3A_285 = math.exp %sub3A_284 : vector<512x2xf32>
      %reduce_sum3A_286 = arith.constant dense<0.000000e+00> : vector<512xf32>
      %reduce_sum3A_287 = vector.multi_reduction <add>, %exp3A_285, %reduce_sum3A_286 [1] : vector<512x2xf32> to vector<512xf32>
      %broadcast_in_dim3A_288 = vector.shape_cast %reduce_sum3A_287 : vector<512xf32> to vector<512x1xf32>
      %div3A_289 = vector.broadcast %broadcast_in_dim3A_288 : vector<512x1xf32> to vector<512x2xf32>
      %div3A_290 = arith.divf %exp3A_285, %div3A_289 : vector<512x2xf32>
      %swap3A_291 = arith.index_cast %mul3A_259 : i32 to index
      %swap3A_292 = arith.constant 0 : index
      %swap3A_293 = vector.load %arg35[%swap3A_291, %swap3A_292] : memref<12800x2xf32, #tpu.memory_space<vmem>>, vector<512x2xf32>
      tpu.vector_store %arg35[%swap3A_291, %swap3A_292], %div3A_290 {strides = array<i32>} : memref<12800x2xf32, #tpu.memory_space<vmem>>, vector<512x2xf32>,
      %scan3A_294 = arith.constant 2 : i32
      %scan3A_295 = arith.addi %scan3A_221, %scan3A_294 : i32
      %mul3A_296 = arith.constant 512 : i32
      %mul3A_297 = arith.muli %scan3A_295, %mul3A_296 : i32
      %get3A_298 = arith.index_cast %mul3A_297 : i32 to index
      %get3A_299 = arith.constant 0 : index
      %get3A_300 = vector.load %arg34[%get3A_298, %get3A_299] : memref<12800x128xf32, #tpu.memory_space<vmem>>, vector<512x128xf32>
      %mul3A_301 = vector.broadcast %mul3A_150 : vector<1x128xf32> to vector<512x128xf32>
      %mul3A_302 = arith.mulf %get3A_300, %mul3A_301 : vector<512x128xf32>
      %add3A_303 = vector.broadcast %sub3A_155 : vector<1x128xf32> to vector<512x128xf32>
      %add3A_304 = arith.addf %mul3A_302, %add3A_303 : vector<512x128xf32>
      %mul3A_305 = arith.mulf %add3A_304, %convert_element_type3A_23 : vector<512x128xf32>
      %swap3A_306 = arith.index_cast %mul3A_297 : i32 to index
      %swap3A_307 = arith.constant 0 : index
      %swap3A_308 = vector.load %arg32[%swap3A_306, %swap3A_307] : memref<12800x128xf32, #tpu.memory_space<vmem>>, vector<512x128xf32>
      tpu.vector_store %arg32[%swap3A_306, %swap3A_307], %mul3A_305 {strides = array<i32>} : memref<12800x128xf32, #tpu.memory_space<vmem>>, vector<512x128xf32>,
      %dot_general3A_309 = arith.constant dense<0.000000e+00> : vector<512x128xf32>
      %dot_general3A_310 = tpu.matmul %mul3A_305, %get3A_158, %dot_general3A_309 {dimension_numbers = #tpu.dot_dimension_numbers<[1], [0], [0], [1], [0, 0, 1, 1], [], []>, transpose_lhs_hint = false} : vector<512x128xf32>, vector<128x128xf32>, vector<512x128xf32> -> vector<512x128xf32>
      %add3A_311 = vector.broadcast %get3A_161 : vector<1x128xf32> to vector<512x128xf32>
      %add3A_312 = arith.addf %dot_general3A_310, %add3A_311 : vector<512x128xf32>
      %tanh3A_313 = math.tanh %add3A_312 : vector<512x128xf32>
      %dot_general3A_314 = arith.constant dense<0.000000e+00> : vector<512x2xf32>
      %dot_general3A_315 = tpu.matmul %tanh3A_313, %get3A_164, %dot_general3A_314 {dimension_numbers = #tpu.dot_dimension_numbers<[1], [0], [0], [1], [0, 0, 1, 1], [], []>, transpose_lhs_hint = false} : vector<512x128xf32>, vector<128x2xf32>, vector<512x2xf32> -> vector<512x2xf32>
      %add3A_316 = vector.broadcast %get3A_167 : vector<1x2xf32> to vector<512x2xf32>
      %add3A_317 = arith.addf %dot_general3A_315, %add3A_316 : vector<512x2xf32>
      %reduce_max3A_318 = arith.constant dense<0xFF800000> : vector<512xf32>
      %reduce_max3A_319 = vector.multi_reduction <maximumf>, %add3A_317, %reduce_max3A_318 [1] : vector<512x2xf32> to vector<512xf32>
      %broadcast_in_dim3A_320 = vector.shape_cast %reduce_max3A_319 : vector<512xf32> to vector<512x1xf32>
      %sub3A_321 = vector.broadcast %broadcast_in_dim3A_320 : vector<512x1xf32> to vector<512x2xf32>
      %sub3A_322 = arith.subf %add3A_317, %sub3A_321 : vector<512x2xf32>
      %exp3A_323 = math.exp %sub3A_322 : vector<512x2xf32>
      %reduce_sum3A_324 = arith.constant dense<0.000000e+00> : vector<512xf32>
      %reduce_sum3A_325 = vector.multi_reduction <add>, %exp3A_323, %reduce_sum3A_324 [1] : vector<512x2xf32> to vector<512xf32>
      %broadcast_in_dim3A_326 = vector.shape_cast %reduce_sum3A_325 : vector<512xf32> to vector<512x1xf32>
      %div3A_327 = vector.broadcast %broadcast_in_dim3A_326 : vector<512x1xf32> to vector<512x2xf32>
      %div3A_328 = arith.divf %exp3A_323, %div3A_327 : vector<512x2xf32>
      %swap3A_329 = arith.index_cast %mul3A_297 : i32 to index
      %swap3A_330 = arith.constant 0 : index
      %swap3A_331 = vector.load %arg35[%swap3A_329, %swap3A_330] : memref<12800x2xf32, #tpu.memory_space<vmem>>, vector<512x2xf32>
      tpu.vector_store %arg35[%swap3A_329, %swap3A_330], %div3A_328 {strides = array<i32>} : memref<12800x2xf32, #tpu.memory_space<vmem>>, vector<512x2xf32>,
      %scan3A_332 = arith.constant 3 : i32
      %scan3A_333 = arith.addi %scan3A_221, %scan3A_332 : i32
      %mul3A_334 = arith.constant 512 : i32
      %mul3A_335 = arith.muli %scan3A_333, %mul3A_334 : i32
      %get3A_336 = arith.index_cast %mul3A_335 : i32 to index
      %get3A_337 = arith.constant 0 : index
      %get3A_338 = vector.load %arg34[%get3A_336, %get3A_337] : memref<12800x128xf32, #tpu.memory_space<vmem>>, vector<512x128xf32>
      %mul3A_339 = vector.broadcast %mul3A_150 : vector<1x128xf32> to vector<512x128xf32>
      %mul3A_340 = arith.mulf %get3A_338, %mul3A_339 : vector<512x128xf32>
      %add3A_341 = vector.broadcast %sub3A_155 : vector<1x128xf32> to vector<512x128xf32>
      %add3A_342 = arith.addf %mul3A_340, %add3A_341 : vector<512x128xf32>
      %mul3A_343 = arith.mulf %add3A_342, %convert_element_type3A_23 : vector<512x128xf32>
      %swap3A_344 = arith.index_cast %mul3A_335 : i32 to index
      %swap3A_345 = arith.constant 0 : index
      %swap3A_346 = vector.load %arg32[%swap3A_344, %swap3A_345] : memref<12800x128xf32, #tpu.memory_space<vmem>>, vector<512x128xf32>
      tpu.vector_store %arg32[%swap3A_344, %swap3A_345], %mul3A_343 {strides = array<i32>} : memref<12800x128xf32, #tpu.memory_space<vmem>>, vector<512x128xf32>,
      %dot_general3A_347 = arith.constant dense<0.000000e+00> : vector<512x128xf32>
      %dot_general3A_348 = tpu.matmul %mul3A_343, %get3A_158, %dot_general3A_347 {dimension_numbers = #tpu.dot_dimension_numbers<[1], [0], [0], [1], [0, 0, 1, 1], [], []>, transpose_lhs_hint = false} : vector<512x128xf32>, vector<128x128xf32>, vector<512x128xf32> -> vector<512x128xf32>
      %add3A_349 = vector.broadcast %get3A_161 : vector<1x128xf32> to vector<512x128xf32>
      %add3A_350 = arith.addf %dot_general3A_348, %add3A_349 : vector<512x128xf32>
      %tanh3A_351 = math.tanh %add3A_350 : vector<512x128xf32>
      %dot_general3A_352 = arith.constant dense<0.000000e+00> : vector<512x2xf32>
      %dot_general3A_353 = tpu.matmul %tanh3A_351, %get3A_164, %dot_general3A_352 {dimension_numbers = #tpu.dot_dimension_numbers<[1], [0], [0], [1], [0, 0, 1, 1], [], []>, transpose_lhs_hint = false} : vector<512x128xf32>, vector<128x2xf32>, vector<512x2xf32> -> vector<512x2xf32>
      %add3A_354 = vector.broadcast %get3A_167 : vector<1x2xf32> to vector<512x2xf32>
      %add3A_355 = arith.addf %dot_general3A_353, %add3A_354 : vector<512x2xf32>
      %reduce_max3A_356 = arith.constant dense<0xFF800000> : vector<512xf32>
      %reduce_max3A_357 = vector.multi_reduction <maximumf>, %add3A_355, %reduce_max3A_356 [1] : vector<512x2xf32> to vector<512xf32>
      %broadcast_in_dim3A_358 = vector.shape_cast %reduce_max3A_357 : vector<512xf32> to vector<512x1xf32>
      %sub3A_359 = vector.broadcast %broadcast_in_dim3A_358 : vector<512x1xf32> to vector<512x2xf32>
      %sub3A_360 = arith.subf %add3A_355, %sub3A_359 : vector<512x2xf32>
      %exp3A_361 = math.exp %sub3A_360 : vector<512x2xf32>
      %reduce_sum3A_362 = arith.constant dense<0.000000e+00> : vector<512xf32>
      %reduce_sum3A_363 = vector.multi_reduction <add>, %exp3A_361, %reduce_sum3A_362 [1] : vector<512x2xf32> to vector<512xf32>
      %broadcast_in_dim3A_364 = vector.shape_cast %reduce_sum3A_363 : vector<512xf32> to vector<512x1xf32>
      %div3A_365 = vector.broadcast %broadcast_in_dim3A_364 : vector<512x1xf32> to vector<512x2xf32>
      %div3A_366 = arith.divf %exp3A_361, %div3A_365 : vector<512x2xf32>
      %swap3A_367 = arith.index_cast %mul3A_335 : i32 to index
      %swap3A_368 = arith.constant 0 : index
      %swap3A_369 = vector.load %arg35[%swap3A_367, %swap3A_368] : memref<12800x2xf32, #tpu.memory_space<vmem>>, vector<512x2xf32>
      tpu.vector_store %arg35[%swap3A_367, %swap3A_368], %div3A_366 {strides = array<i32>} : memref<12800x2xf32, #tpu.memory_space<vmem>>, vector<512x2xf32>,
      %scan3A_370 = arith.constant 4 : i32
      %scan3A_371 = arith.addi %scan3A_221, %scan3A_370 : i32
      %mul3A_372 = arith.constant 512 : i32
      %mul3A_373 = arith.muli %scan3A_371, %mul3A_372 : i32
      %get3A_374 = arith.index_cast %mul3A_373 : i32 to index
      %get3A_375 = arith.constant 0 : index
      %get3A_376 = vector.load %arg34[%get3A_374, %get3A_375] : memref<12800x128xf32, #tpu.memory_space<vmem>>, vector<512x128xf32>
      %mul3A_377 = vector.broadcast %mul3A_150 : vector<1x128xf32> to vector<512x128xf32>
      %mul3A_378 = arith.mulf %get3A_376, %mul3A_377 : vector<512x128xf32>
      %add3A_379 = vector.broadcast %sub3A_155 : vector<1x128xf32> to vector<512x128xf32>
      %add3A_380 = arith.addf %mul3A_378, %add3A_379 : vector<512x128xf32>
      %mul3A_381 = arith.mulf %add3A_380, %convert_element_type3A_23 : vector<512x128xf32>
      %swap3A_382 = arith.index_cast %mul3A_373 : i32 to index
      %swap3A_383 = arith.constant 0 : index
      %swap3A_384 = vector.load %arg32[%swap3A_382, %swap3A_383] : memref<12800x128xf32, #tpu.memory_space<vmem>>, vector<512x128xf32>
      tpu.vector_store %arg32[%swap3A_382, %swap3A_383], %mul3A_381 {strides = array<i32>} : memref<12800x128xf32, #tpu.memory_space<vmem>>, vector<512x128xf32>,
      %dot_general3A_385 = arith.constant dense<0.000000e+00> : vector<512x128xf32>
      %dot_general3A_386 = tpu.matmul %mul3A_381, %get3A_158, %dot_general3A_385 {dimension_numbers = #tpu.dot_dimension_numbers<[1], [0], [0], [1], [0, 0, 1, 1], [], []>, transpose_lhs_hint = false} : vector<512x128xf32>, vector<128x128xf32>, vector<512x128xf32> -> vector<512x128xf32>
      %add3A_387 = vector.broadcast %get3A_161 : vector<1x128xf32> to vector<512x128xf32>
      %add3A_388 = arith.addf %dot_general3A_386, %add3A_387 : vector<512x128xf32>
      %tanh3A_389 = math.tanh %add3A_388 : vector<512x128xf32>
      %dot_general3A_390 = arith.constant dense<0.000000e+00> : vector<512x2xf32>
      %dot_general3A_391 = tpu.matmul %tanh3A_389, %get3A_164, %dot_general3A_390 {dimension_numbers = #tpu.dot_dimension_numbers<[1], [0], [0], [1], [0, 0, 1, 1], [], []>, transpose_lhs_hint = false} : vector<512x128xf32>, vector<128x2xf32>, vector<512x2xf32> -> vector<512x2xf32>
      %add3A_392 = vector.broadcast %get3A_167 : vector<1x2xf32> to vector<512x2xf32>
      %add3A_393 = arith.addf %dot_general3A_391, %add3A_392 : vector<512x2xf32>
      %reduce_max3A_394 = arith.constant dense<0xFF800000> : vector<512xf32>
      %reduce_max3A_395 = vector.multi_reduction <maximumf>, %add3A_393, %reduce_max3A_394 [1] : vector<512x2xf32> to vector<512xf32>
      %broadcast_in_dim3A_396 = vector.shape_cast %reduce_max3A_395 : vector<512xf32> to vector<512x1xf32>
      %sub3A_397 = vector.broadcast %broadcast_in_dim3A_396 : vector<512x1xf32> to vector<512x2xf32>
      %sub3A_398 = arith.subf %add3A_393, %sub3A_397 : vector<512x2xf32>
      %exp3A_399 = math.exp %sub3A_398 : vector<512x2xf32>
      %reduce_sum3A_400 = arith.constant dense<0.000000e+00> : vector<512xf32>
      %reduce_sum3A_401 = vector.multi_reduction <add>, %exp3A_399, %reduce_sum3A_400 [1] : vector<512x2xf32> to vector<512xf32>
      %broadcast_in_dim3A_402 = vector.shape_cast %reduce_sum3A_401 : vector<512xf32> to vector<512x1xf32>
      %div3A_403 = vector.broadcast %broadcast_in_dim3A_402 : vector<512x1xf32> to vector<512x2xf32>
      %div3A_404 = arith.divf %exp3A_399, %div3A_403 : vector<512x2xf32>
      %swap3A_405 = arith.index_cast %mul3A_373 : i32 to index
      %swap3A_406 = arith.constant 0 : index
      %swap3A_407 = vector.load %arg35[%swap3A_405, %swap3A_406] : memref<12800x2xf32, #tpu.memory_space<vmem>>, vector<512x2xf32>
      tpu.vector_store %arg35[%swap3A_405, %swap3A_406], %div3A_404 {strides = array<i32>} : memref<12800x2xf32, #tpu.memory_space<vmem>>, vector<512x2xf32>,
    }
    %scan3A_172 = arith.constant 25 : i32
    %scan3A_173 = arith.constant 0.000000e+00 : f32
    %scan3A_174 = arith.constant 0 : i32
    %scan3A_175 = arith.constant 100 : i32
    %scan3A_176 = arith.addi %scan3A_174, %scan3A_175 : i32
    %scan3A_177 = arith.constant 4 : i32
    %scan3A_178 = scf.for %scan3A_221 = %scan3A_174 to %scan3A_176 step %scan3A_177 iter_args(%scan3A_222 = %scan3A_173) -> (f32)  : i32 {
      %mul3A_223 = arith.constant 128 : i32
      %mul3A_224 = arith.muli %scan3A_221, %mul3A_223 : i32
      %get3A_225 = arith.index_cast %mul3A_224 : i32 to index
      %get3A_226 = arith.constant 0 : index
      %get3A_227 = vector.load %arg32[%get3A_225, %get3A_226] : memref<12800x128xf32, #tpu.memory_space<vmem>>, vector<128x128xf32>
      %get3A_228 = arith.index_cast %mul3A_224 : i32 to index
      %get3A_229 = arith.constant 0 : index
      %get3A_230 = vector.load %arg35[%get3A_228, %get3A_229] : memref<12800x2xf32, #tpu.memory_space<vmem>>, vector<128x2xf32>
      %slice3A = vector.extract_strided_slice %get3A_230 {offsets = [0, 0], sizes = [128, 1], strides = [1, 1]} : vector<128x2xf32> to vector<128x1xf32>
      %mul3A_231 = vector.broadcast %slice3A : vector<128x1xf32> to vector<128x128xf32>
      %mul3A_232 = arith.mulf %mul3A_231, %get3A_227 : vector<128x128xf32>
      %reduce_sum3A_233 = arith.constant dense<0.000000e+00> : vector<128xf32>
      %reduce_sum3A_234 = vector.multi_reduction <add>, %mul3A_232, %reduce_sum3A_233 [0] : vector<128x128xf32> to vector<128xf32>
      %broadcast_in_dim3A_235 = vector.shape_cast %reduce_sum3A_234 : vector<128xf32> to vector<1x128xf32>
      %swap3A_236 = arith.index_cast %scan3A_221 : i32 to index
      %swap3A_237 = arith.constant 0 : index
      %swap3A_238 = vector.load %arg29[%swap3A_236, %swap3A_237] : memref<100x128xf32, #tpu.memory_space<vmem>>, vector<1x128xf32>
      tpu.vector_store %arg29[%swap3A_236, %swap3A_237], %broadcast_in_dim3A_235 {strides = array<i32>} : memref<100x128xf32, #tpu.memory_space<vmem>>, vector<1x128xf32>,
      %reduce_sum3A_239 = arith.constant dense<0.000000e+00> : vector<128xf32>
      %reduce_sum3A_240 = vector.multi_reduction <add>, %get3A_227, %reduce_sum3A_239 [0] : vector<128x128xf32> to vector<128xf32>
      %broadcast_in_dim3A_241 = vector.shape_cast %reduce_sum3A_240 : vector<128xf32> to vector<1x128xf32>
      %mul3A_242 = arith.constant 0.00999999977 : f32
      %mul3A_243 = vector.broadcast %mul3A_242 : f32 to vector<1x128xf32>
      %mul3A_244 = arith.mulf %broadcast_in_dim3A_241, %mul3A_243 : vector<1x128xf32>
      %swap3A_245 = arith.index_cast %scan3A_221 : i32 to index
      %swap3A_246 = arith.constant 0 : index
      %swap3A_247 = vector.load %arg30[%swap3A_245, %swap3A_246] : memref<100x128xf32, #tpu.memory_space<vmem>>, vector<1x128xf32>
      tpu.vector_store %arg30[%swap3A_245, %swap3A_246], %mul3A_244 {strides = array<i32>} : memref<100x128xf32, #tpu.memory_space<vmem>>, vector<1x128xf32>,
      %get3A_248 = arith.index_cast %mul3A_224 : i32 to index
      %get3A_249 = arith.constant 0 : index
      %get3A_250 = vector.load %arg1[%get3A_248, %get3A_249] : memref<12800x128xf32, #tpu.memory_space<vmem>>, vector<128x128xf32>
      %dot_general3A_251 = arith.constant dense<0.000000e+00> : vector<128x2xf32>
      %dot_general3A_252 = tpu.matmul %get3A_250, %get3A_230, %dot_general3A_251 {dimension_numbers = #tpu.dot_dimension_numbers<[1], [0], [0], [1], [0, 0, 1, 1], [], []>, transpose_lhs_hint = false} : vector<128x128xf32>, vector<128x2xf32>, vector<128x2xf32> -> vector<128x2xf32>
      %slice3A_253 = vector.extract_strided_slice %dot_general3A_252 {offsets = [0, 0], sizes = [128, 1], strides = [1, 1]} : vector<128x2xf32> to vector<128x1xf32>
      %slice3A_254 = vector.extract_strided_slice %get3A_230 {offsets = [0, 0], sizes = [128, 1], strides = [1, 1]} : vector<128x2xf32> to vector<128x1xf32>
      %mul3A_255 = arith.mulf %slice3A_253, %slice3A_254 : vector<128x1xf32>
      %reduce_sum3A_256 = vector.shape_cast %mul3A_255 : vector<128x1xf32> to vector<1x128x1xf32>
      %reduce_sum3A_257 = arith.constant dense<0.000000e+00> : vector<1xf32>
      %reduce_sum3A_258 = vector.multi_reduction <add>, %reduce_sum3A_256, %reduce_sum3A_257 [1, 2] : vector<1x128x1xf32> to vector<1xf32>
      %reduce_sum3A_259 = vector.shape_cast %reduce_sum3A_258 : vector<1xf32> to vector<1x1x1xf32>
      %reduce_sum3A_260 = vector.extract %reduce_sum3A_259[0, 0, 0] : f32 from vector<1x1x1xf32>
      %slice3A_261 = vector.extract_strided_slice %dot_general3A_252 {offsets = [0, 0], sizes = [128, 1], strides = [1, 1]} : vector<128x2xf32> to vector<128x1xf32>
      %slice3A_262 = vector.extract_strided_slice %get3A_230 {offsets = [0, 1], sizes = [128, 1], strides = [1, 1]} : vector<128x2xf32> to vector<128x1xf32>
      %mul3A_263 = arith.mulf %slice3A_261, %slice3A_262 : vector<128x1xf32>
      %reduce_sum3A_264 = vector.shape_cast %mul3A_263 : vector<128x1xf32> to vector<1x128x1xf32>
      %reduce_sum3A_265 = arith.constant dense<0.000000e+00> : vector<1xf32>
      %reduce_sum3A_266 = vector.multi_reduction <add>, %reduce_sum3A_264, %reduce_sum3A_265 [1, 2] : vector<1x128x1xf32> to vector<1xf32>
      %reduce_sum3A_267 = vector.shape_cast %reduce_sum3A_266 : vector<1xf32> to vector<1x1x1xf32>
      %reduce_sum3A_268 = vector.extract %reduce_sum3A_267[0, 0, 0] : f32 from vector<1x1x1xf32>
      %slice3A_269 = vector.extract_strided_slice %dot_general3A_252 {offsets = [0, 1], sizes = [128, 1], strides = [1, 1]} : vector<128x2xf32> to vector<128x1xf32>
      %slice3A_270 = vector.extract_strided_slice %get3A_230 {offsets = [0, 0], sizes = [128, 1], strides = [1, 1]} : vector<128x2xf32> to vector<128x1xf32>
      %mul3A_271 = arith.mulf %slice3A_269, %slice3A_270 : vector<128x1xf32>
      %reduce_sum3A_272 = vector.shape_cast %mul3A_271 : vector<128x1xf32> to vector<1x128x1xf32>
      %reduce_sum3A_273 = arith.constant dense<0.000000e+00> : vector<1xf32>
      %reduce_sum3A_274 = vector.multi_reduction <add>, %reduce_sum3A_272, %reduce_sum3A_273 [1, 2] : vector<1x128x1xf32> to vector<1xf32>
      %reduce_sum3A_275 = vector.shape_cast %reduce_sum3A_274 : vector<1xf32> to vector<1x1x1xf32>
      %reduce_sum3A_276 = vector.extract %reduce_sum3A_275[0, 0, 0] : f32 from vector<1x1x1xf32>
      %slice3A_277 = vector.extract_strided_slice %dot_general3A_252 {offsets = [0, 1], sizes = [128, 1], strides = [1, 1]} : vector<128x2xf32> to vector<128x1xf32>
      %slice3A_278 = vector.extract_strided_slice %get3A_230 {offsets = [0, 1], sizes = [128, 1], strides = [1, 1]} : vector<128x2xf32> to vector<128x1xf32>
      %mul3A_279 = arith.mulf %slice3A_277, %slice3A_278 : vector<128x1xf32>
      %reduce_sum3A_280 = vector.shape_cast %mul3A_279 : vector<128x1xf32> to vector<1x128x1xf32>
      %reduce_sum3A_281 = arith.constant dense<0.000000e+00> : vector<1xf32>
      %reduce_sum3A_282 = vector.multi_reduction <add>, %reduce_sum3A_280, %reduce_sum3A_281 [1, 2] : vector<1x128x1xf32> to vector<1xf32>
      %reduce_sum3A_283 = vector.shape_cast %reduce_sum3A_282 : vector<1xf32> to vector<1x1x1xf32>
      %reduce_sum3A_284 = vector.extract %reduce_sum3A_283[0, 0, 0] : f32 from vector<1x1x1xf32>
      %abs3A = math.absf %reduce_sum3A_260 : f32
      %abs3A_285 = math.absf %reduce_sum3A_268 : f32
      %add3A_286 = arith.addf %abs3A, %abs3A_285 : f32
      %max3A_287 = arith.constant 9.99999996E-13 : f32
      %max3A_288 = arith.maximumf %add3A_286, %max3A_287 : f32
      %abs3A_289 = math.absf %reduce_sum3A_276 : f32
      %abs3A_290 = math.absf %reduce_sum3A_284 : f32
      %add3A_291 = arith.addf %abs3A_289, %abs3A_290 : f32
      %max3A_292 = arith.constant 9.99999996E-13 : f32
      %max3A_293 = arith.maximumf %add3A_291, %max3A_292 : f32
      %div3A = arith.divf %reduce_sum3A_260, %max3A_288 : f32
      %sub3A_294 = arith.constant 1.000000e+00 : f32
      %sub3A_295 = arith.subf %div3A, %sub3A_294 : f32
      %div3A_296 = arith.divf %reduce_sum3A_284, %max3A_293 : f32
      %sub3A_297 = arith.constant 1.000000e+00 : f32
      %sub3A_298 = arith.subf %div3A_296, %sub3A_297 : f32
      %mul3A_299 = arith.mulf %sub3A_295, %sub3A_295 : f32
      %mul3A_300 = arith.mulf %sub3A_298, %sub3A_298 : f32
      %add3A_301 = arith.addf %mul3A_299, %mul3A_300 : f32
      %mul3A_302 = arith.constant 5.000000e-01 : f32
      %mul3A_303 = arith.mulf %mul3A_302, %add3A_301 : f32
      %add3A_304 = arith.addf %scan3A_222, %mul3A_303 : f32
      %scan3A_305 = arith.constant 1 : i32
      %scan3A_306 = arith.addi %scan3A_221, %scan3A_305 : i32
      %mul3A_307 = arith.constant 128 : i32
      %mul3A_308 = arith.muli %scan3A_306, %mul3A_307 : i32
      %get3A_309 = arith.index_cast %mul3A_308 : i32 to index
      %get3A_310 = arith.constant 0 : index
      %get3A_311 = vector.load %arg32[%get3A_309, %get3A_310] : memref<12800x128xf32, #tpu.memory_space<vmem>>, vector<128x128xf32>
      %get3A_312 = arith.index_cast %mul3A_308 : i32 to index
      %get3A_313 = arith.constant 0 : index
      %get3A_314 = vector.load %arg35[%get3A_312, %get3A_313] : memref<12800x2xf32, #tpu.memory_space<vmem>>, vector<128x2xf32>
      %slice3A_315 = vector.extract_strided_slice %get3A_314 {offsets = [0, 0], sizes = [128, 1], strides = [1, 1]} : vector<128x2xf32> to vector<128x1xf32>
      %mul3A_316 = vector.broadcast %slice3A_315 : vector<128x1xf32> to vector<128x128xf32>
      %mul3A_317 = arith.mulf %mul3A_316, %get3A_311 : vector<128x128xf32>
      %reduce_sum3A_318 = arith.constant dense<0.000000e+00> : vector<128xf32>
      %reduce_sum3A_319 = vector.multi_reduction <add>, %mul3A_317, %reduce_sum3A_318 [0] : vector<128x128xf32> to vector<128xf32>
      %broadcast_in_dim3A_320 = vector.shape_cast %reduce_sum3A_319 : vector<128xf32> to vector<1x128xf32>
      %swap3A_321 = arith.index_cast %scan3A_306 : i32 to index
      %swap3A_322 = arith.constant 0 : index
      %swap3A_323 = vector.load %arg29[%swap3A_321, %swap3A_322] : memref<100x128xf32, #tpu.memory_space<vmem>>, vector<1x128xf32>
      tpu.vector_store %arg29[%swap3A_321, %swap3A_322], %broadcast_in_dim3A_320 {strides = array<i32>} : memref<100x128xf32, #tpu.memory_space<vmem>>, vector<1x128xf32>,
      %reduce_sum3A_324 = arith.constant dense<0.000000e+00> : vector<128xf32>
      %reduce_sum3A_325 = vector.multi_reduction <add>, %get3A_311, %reduce_sum3A_324 [0] : vector<128x128xf32> to vector<128xf32>
      %broadcast_in_dim3A_326 = vector.shape_cast %reduce_sum3A_325 : vector<128xf32> to vector<1x128xf32>
      %mul3A_327 = arith.constant 0.00999999977 : f32
      %mul3A_328 = vector.broadcast %mul3A_327 : f32 to vector<1x128xf32>
      %mul3A_329 = arith.mulf %broadcast_in_dim3A_326, %mul3A_328 : vector<1x128xf32>
      %swap3A_330 = arith.index_cast %scan3A_306 : i32 to index
      %swap3A_331 = arith.constant 0 : index
      %swap3A_332 = vector.load %arg30[%swap3A_330, %swap3A_331] : memref<100x128xf32, #tpu.memory_space<vmem>>, vector<1x128xf32>
      tpu.vector_store %arg30[%swap3A_330, %swap3A_331], %mul3A_329 {strides = array<i32>} : memref<100x128xf32, #tpu.memory_space<vmem>>, vector<1x128xf32>,
      %get3A_333 = arith.index_cast %mul3A_308 : i32 to index
      %get3A_334 = arith.constant 0 : index
      %get3A_335 = vector.load %arg1[%get3A_333, %get3A_334] : memref<12800x128xf32, #tpu.memory_space<vmem>>, vector<128x128xf32>
      %dot_general3A_336 = arith.constant dense<0.000000e+00> : vector<128x2xf32>
      %dot_general3A_337 = tpu.matmul %get3A_335, %get3A_314, %dot_general3A_336 {dimension_numbers = #tpu.dot_dimension_numbers<[1], [0], [0], [1], [0, 0, 1, 1], [], []>, transpose_lhs_hint = false} : vector<128x128xf32>, vector<128x2xf32>, vector<128x2xf32> -> vector<128x2xf32>
      %slice3A_338 = vector.extract_strided_slice %dot_general3A_337 {offsets = [0, 0], sizes = [128, 1], strides = [1, 1]} : vector<128x2xf32> to vector<128x1xf32>
      %slice3A_339 = vector.extract_strided_slice %get3A_314 {offsets = [0, 0], sizes = [128, 1], strides = [1, 1]} : vector<128x2xf32> to vector<128x1xf32>
      %mul3A_340 = arith.mulf %slice3A_338, %slice3A_339 : vector<128x1xf32>
      %reduce_sum3A_341 = vector.shape_cast %mul3A_340 : vector<128x1xf32> to vector<1x128x1xf32>
      %reduce_sum3A_342 = arith.constant dense<0.000000e+00> : vector<1xf32>
      %reduce_sum3A_343 = vector.multi_reduction <add>, %reduce_sum3A_341, %reduce_sum3A_342 [1, 2] : vector<1x128x1xf32> to vector<1xf32>
      %reduce_sum3A_344 = vector.shape_cast %reduce_sum3A_343 : vector<1xf32> to vector<1x1x1xf32>
      %reduce_sum3A_345 = vector.extract %reduce_sum3A_344[0, 0, 0] : f32 from vector<1x1x1xf32>
      %slice3A_346 = vector.extract_strided_slice %dot_general3A_337 {offsets = [0, 0], sizes = [128, 1], strides = [1, 1]} : vector<128x2xf32> to vector<128x1xf32>
      %slice3A_347 = vector.extract_strided_slice %get3A_314 {offsets = [0, 1], sizes = [128, 1], strides = [1, 1]} : vector<128x2xf32> to vector<128x1xf32>
      %mul3A_348 = arith.mulf %slice3A_346, %slice3A_347 : vector<128x1xf32>
      %reduce_sum3A_349 = vector.shape_cast %mul3A_348 : vector<128x1xf32> to vector<1x128x1xf32>
      %reduce_sum3A_350 = arith.constant dense<0.000000e+00> : vector<1xf32>
      %reduce_sum3A_351 = vector.multi_reduction <add>, %reduce_sum3A_349, %reduce_sum3A_350 [1, 2] : vector<1x128x1xf32> to vector<1xf32>
      %reduce_sum3A_352 = vector.shape_cast %reduce_sum3A_351 : vector<1xf32> to vector<1x1x1xf32>
      %reduce_sum3A_353 = vector.extract %reduce_sum3A_352[0, 0, 0] : f32 from vector<1x1x1xf32>
      %slice3A_354 = vector.extract_strided_slice %dot_general3A_337 {offsets = [0, 1], sizes = [128, 1], strides = [1, 1]} : vector<128x2xf32> to vector<128x1xf32>
      %slice3A_355 = vector.extract_strided_slice %get3A_314 {offsets = [0, 0], sizes = [128, 1], strides = [1, 1]} : vector<128x2xf32> to vector<128x1xf32>
      %mul3A_356 = arith.mulf %slice3A_354, %slice3A_355 : vector<128x1xf32>
      %reduce_sum3A_357 = vector.shape_cast %mul3A_356 : vector<128x1xf32> to vector<1x128x1xf32>
      %reduce_sum3A_358 = arith.constant dense<0.000000e+00> : vector<1xf32>
      %reduce_sum3A_359 = vector.multi_reduction <add>, %reduce_sum3A_357, %reduce_sum3A_358 [1, 2] : vector<1x128x1xf32> to vector<1xf32>
      %reduce_sum3A_360 = vector.shape_cast %reduce_sum3A_359 : vector<1xf32> to vector<1x1x1xf32>
      %reduce_sum3A_361 = vector.extract %reduce_sum3A_360[0, 0, 0] : f32 from vector<1x1x1xf32>
      %slice3A_362 = vector.extract_strided_slice %dot_general3A_337 {offsets = [0, 1], sizes = [128, 1], strides = [1, 1]} : vector<128x2xf32> to vector<128x1xf32>
      %slice3A_363 = vector.extract_strided_slice %get3A_314 {offsets = [0, 1], sizes = [128, 1], strides = [1, 1]} : vector<128x2xf32> to vector<128x1xf32>
      %mul3A_364 = arith.mulf %slice3A_362, %slice3A_363 : vector<128x1xf32>
      %reduce_sum3A_365 = vector.shape_cast %mul3A_364 : vector<128x1xf32> to vector<1x128x1xf32>
      %reduce_sum3A_366 = arith.constant dense<0.000000e+00> : vector<1xf32>
      %reduce_sum3A_367 = vector.multi_reduction <add>, %reduce_sum3A_365, %reduce_sum3A_366 [1, 2] : vector<1x128x1xf32> to vector<1xf32>
      %reduce_sum3A_368 = vector.shape_cast %reduce_sum3A_367 : vector<1xf32> to vector<1x1x1xf32>
      %reduce_sum3A_369 = vector.extract %reduce_sum3A_368[0, 0, 0] : f32 from vector<1x1x1xf32>
      %abs3A_370 = math.absf %reduce_sum3A_345 : f32
      %abs3A_371 = math.absf %reduce_sum3A_353 : f32
      %add3A_372 = arith.addf %abs3A_370, %abs3A_371 : f32
      %max3A_373 = arith.constant 9.99999996E-13 : f32
      %max3A_374 = arith.maximumf %add3A_372, %max3A_373 : f32
      %abs3A_375 = math.absf %reduce_sum3A_361 : f32
      %abs3A_376 = math.absf %reduce_sum3A_369 : f32
      %add3A_377 = arith.addf %abs3A_375, %abs3A_376 : f32
      %max3A_378 = arith.constant 9.99999996E-13 : f32
      %max3A_379 = arith.maximumf %add3A_377, %max3A_378 : f32
      %div3A_380 = arith.divf %reduce_sum3A_345, %max3A_374 : f32
      %sub3A_381 = arith.constant 1.000000e+00 : f32
      %sub3A_382 = arith.subf %div3A_380, %sub3A_381 : f32
      %div3A_383 = arith.divf %reduce_sum3A_369, %max3A_379 : f32
      %sub3A_384 = arith.constant 1.000000e+00 : f32
      %sub3A_385 = arith.subf %div3A_383, %sub3A_384 : f32
      %mul3A_386 = arith.mulf %sub3A_382, %sub3A_382 : f32
      %mul3A_387 = arith.mulf %sub3A_385, %sub3A_385 : f32
      %add3A_388 = arith.addf %mul3A_386, %mul3A_387 : f32
      %mul3A_389 = arith.constant 5.000000e-01 : f32
      %mul3A_390 = arith.mulf %mul3A_389, %add3A_388 : f32
      %add3A_391 = arith.addf %add3A_304, %mul3A_390 : f32
      %scan3A_392 = arith.constant 2 : i32
      %scan3A_393 = arith.addi %scan3A_221, %scan3A_392 : i32
      %mul3A_394 = arith.constant 128 : i32
      %mul3A_395 = arith.muli %scan3A_393, %mul3A_394 : i32
      %get3A_396 = arith.index_cast %mul3A_395 : i32 to index
      %get3A_397 = arith.constant 0 : index
      %get3A_398 = vector.load %arg32[%get3A_396, %get3A_397] : memref<12800x128xf32, #tpu.memory_space<vmem>>, vector<128x128xf32>
      %get3A_399 = arith.index_cast %mul3A_395 : i32 to index
      %get3A_400 = arith.constant 0 : index
      %get3A_401 = vector.load %arg35[%get3A_399, %get3A_400] : memref<12800x2xf32, #tpu.memory_space<vmem>>, vector<128x2xf32>
      %slice3A_402 = vector.extract_strided_slice %get3A_401 {offsets = [0, 0], sizes = [128, 1], strides = [1, 1]} : vector<128x2xf32> to vector<128x1xf32>
      %mul3A_403 = vector.broadcast %slice3A_402 : vector<128x1xf32> to vector<128x128xf32>
      %mul3A_404 = arith.mulf %mul3A_403, %get3A_398 : vector<128x128xf32>
      %reduce_sum3A_405 = arith.constant dense<0.000000e+00> : vector<128xf32>
      %reduce_sum3A_406 = vector.multi_reduction <add>, %mul3A_404, %reduce_sum3A_405 [0] : vector<128x128xf32> to vector<128xf32>
      %broadcast_in_dim3A_407 = vector.shape_cast %reduce_sum3A_406 : vector<128xf32> to vector<1x128xf32>
      %swap3A_408 = arith.index_cast %scan3A_393 : i32 to index
      %swap3A_409 = arith.constant 0 : index
      %swap3A_410 = vector.load %arg29[%swap3A_408, %swap3A_409] : memref<100x128xf32, #tpu.memory_space<vmem>>, vector<1x128xf32>
      tpu.vector_store %arg29[%swap3A_408, %swap3A_409], %broadcast_in_dim3A_407 {strides = array<i32>} : memref<100x128xf32, #tpu.memory_space<vmem>>, vector<1x128xf32>,
      %reduce_sum3A_411 = arith.constant dense<0.000000e+00> : vector<128xf32>
      %reduce_sum3A_412 = vector.multi_reduction <add>, %get3A_398, %reduce_sum3A_411 [0] : vector<128x128xf32> to vector<128xf32>
      %broadcast_in_dim3A_413 = vector.shape_cast %reduce_sum3A_412 : vector<128xf32> to vector<1x128xf32>
      %mul3A_414 = arith.constant 0.00999999977 : f32
      %mul3A_415 = vector.broadcast %mul3A_414 : f32 to vector<1x128xf32>
      %mul3A_416 = arith.mulf %broadcast_in_dim3A_413, %mul3A_415 : vector<1x128xf32>
      %swap3A_417 = arith.index_cast %scan3A_393 : i32 to index
      %swap3A_418 = arith.constant 0 : index
      %swap3A_419 = vector.load %arg30[%swap3A_417, %swap3A_418] : memref<100x128xf32, #tpu.memory_space<vmem>>, vector<1x128xf32>
      tpu.vector_store %arg30[%swap3A_417, %swap3A_418], %mul3A_416 {strides = array<i32>} : memref<100x128xf32, #tpu.memory_space<vmem>>, vector<1x128xf32>,
      %get3A_420 = arith.index_cast %mul3A_395 : i32 to index
      %get3A_421 = arith.constant 0 : index
      %get3A_422 = vector.load %arg1[%get3A_420, %get3A_421] : memref<12800x128xf32, #tpu.memory_space<vmem>>, vector<128x128xf32>
      %dot_general3A_423 = arith.constant dense<0.000000e+00> : vector<128x2xf32>
      %dot_general3A_424 = tpu.matmul %get3A_422, %get3A_401, %dot_general3A_423 {dimension_numbers = #tpu.dot_dimension_numbers<[1], [0], [0], [1], [0, 0, 1, 1], [], []>, transpose_lhs_hint = false} : vector<128x128xf32>, vector<128x2xf32>, vector<128x2xf32> -> vector<128x2xf32>
      %slice3A_425 = vector.extract_strided_slice %dot_general3A_424 {offsets = [0, 0], sizes = [128, 1], strides = [1, 1]} : vector<128x2xf32> to vector<128x1xf32>
      %slice3A_426 = vector.extract_strided_slice %get3A_401 {offsets = [0, 0], sizes = [128, 1], strides = [1, 1]} : vector<128x2xf32> to vector<128x1xf32>
      %mul3A_427 = arith.mulf %slice3A_425, %slice3A_426 : vector<128x1xf32>
      %reduce_sum3A_428 = vector.shape_cast %mul3A_427 : vector<128x1xf32> to vector<1x128x1xf32>
      %reduce_sum3A_429 = arith.constant dense<0.000000e+00> : vector<1xf32>
      %reduce_sum3A_430 = vector.multi_reduction <add>, %reduce_sum3A_428, %reduce_sum3A_429 [1, 2] : vector<1x128x1xf32> to vector<1xf32>
      %reduce_sum3A_431 = vector.shape_cast %reduce_sum3A_430 : vector<1xf32> to vector<1x1x1xf32>
      %reduce_sum3A_432 = vector.extract %reduce_sum3A_431[0, 0, 0] : f32 from vector<1x1x1xf32>
      %slice3A_433 = vector.extract_strided_slice %dot_general3A_424 {offsets = [0, 0], sizes = [128, 1], strides = [1, 1]} : vector<128x2xf32> to vector<128x1xf32>
      %slice3A_434 = vector.extract_strided_slice %get3A_401 {offsets = [0, 1], sizes = [128, 1], strides = [1, 1]} : vector<128x2xf32> to vector<128x1xf32>
      %mul3A_435 = arith.mulf %slice3A_433, %slice3A_434 : vector<128x1xf32>
      %reduce_sum3A_436 = vector.shape_cast %mul3A_435 : vector<128x1xf32> to vector<1x128x1xf32>
      %reduce_sum3A_437 = arith.constant dense<0.000000e+00> : vector<1xf32>
      %reduce_sum3A_438 = vector.multi_reduction <add>, %reduce_sum3A_436, %reduce_sum3A_437 [1, 2] : vector<1x128x1xf32> to vector<1xf32>
      %reduce_sum3A_439 = vector.shape_cast %reduce_sum3A_438 : vector<1xf32> to vector<1x1x1xf32>
      %reduce_sum3A_440 = vector.extract %reduce_sum3A_439[0, 0, 0] : f32 from vector<1x1x1xf32>
      %slice3A_441 = vector.extract_strided_slice %dot_general3A_424 {offsets = [0, 1], sizes = [128, 1], strides = [1, 1]} : vector<128x2xf32> to vector<128x1xf32>
      %slice3A_442 = vector.extract_strided_slice %get3A_401 {offsets = [0, 0], sizes = [128, 1], strides = [1, 1]} : vector<128x2xf32> to vector<128x1xf32>
      %mul3A_443 = arith.mulf %slice3A_441, %slice3A_442 : vector<128x1xf32>
      %reduce_sum3A_444 = vector.shape_cast %mul3A_443 : vector<128x1xf32> to vector<1x128x1xf32>
      %reduce_sum3A_445 = arith.constant dense<0.000000e+00> : vector<1xf32>
      %reduce_sum3A_446 = vector.multi_reduction <add>, %reduce_sum3A_444, %reduce_sum3A_445 [1, 2] : vector<1x128x1xf32> to vector<1xf32>
      %reduce_sum3A_447 = vector.shape_cast %reduce_sum3A_446 : vector<1xf32> to vector<1x1x1xf32>
      %reduce_sum3A_448 = vector.extract %reduce_sum3A_447[0, 0, 0] : f32 from vector<1x1x1xf32>
      %slice3A_449 = vector.extract_strided_slice %dot_general3A_424 {offsets = [0, 1], sizes = [128, 1], strides = [1, 1]} : vector<128x2xf32> to vector<128x1xf32>
      %slice3A_450 = vector.extract_strided_slice %get3A_401 {offsets = [0, 1], sizes = [128, 1], strides = [1, 1]} : vector<128x2xf32> to vector<128x1xf32>
      %mul3A_451 = arith.mulf %slice3A_449, %slice3A_450 : vector<128x1xf32>
      %reduce_sum3A_452 = vector.shape_cast %mul3A_451 : vector<128x1xf32> to vector<1x128x1xf32>
      %reduce_sum3A_453 = arith.constant dense<0.000000e+00> : vector<1xf32>
      %reduce_sum3A_454 = vector.multi_reduction <add>, %reduce_sum3A_452, %reduce_sum3A_453 [1, 2] : vector<1x128x1xf32> to vector<1xf32>
      %reduce_sum3A_455 = vector.shape_cast %reduce_sum3A_454 : vector<1xf32> to vector<1x1x1xf32>
      %reduce_sum3A_456 = vector.extract %reduce_sum3A_455[0, 0, 0] : f32 from vector<1x1x1xf32>
      %abs3A_457 = math.absf %reduce_sum3A_432 : f32
      %abs3A_458 = math.absf %reduce_sum3A_440 : f32
      %add3A_459 = arith.addf %abs3A_457, %abs3A_458 : f32
      %max3A_460 = arith.constant 9.99999996E-13 : f32
      %max3A_461 = arith.maximumf %add3A_459, %max3A_460 : f32
      %abs3A_462 = math.absf %reduce_sum3A_448 : f32
      %abs3A_463 = math.absf %reduce_sum3A_456 : f32
      %add3A_464 = arith.addf %abs3A_462, %abs3A_463 : f32
      %max3A_465 = arith.constant 9.99999996E-13 : f32
      %max3A_466 = arith.maximumf %add3A_464, %max3A_465 : f32
      %div3A_467 = arith.divf %reduce_sum3A_432, %max3A_461 : f32
      %sub3A_468 = arith.constant 1.000000e+00 : f32
      %sub3A_469 = arith.subf %div3A_467, %sub3A_468 : f32
      %div3A_470 = arith.divf %reduce_sum3A_456, %max3A_466 : f32
      %sub3A_471 = arith.constant 1.000000e+00 : f32
      %sub3A_472 = arith.subf %div3A_470, %sub3A_471 : f32
      %mul3A_473 = arith.mulf %sub3A_469, %sub3A_469 : f32
      %mul3A_474 = arith.mulf %sub3A_472, %sub3A_472 : f32
      %add3A_475 = arith.addf %mul3A_473, %mul3A_474 : f32
      %mul3A_476 = arith.constant 5.000000e-01 : f32
      %mul3A_477 = arith.mulf %mul3A_476, %add3A_475 : f32
      %add3A_478 = arith.addf %add3A_391, %mul3A_477 : f32
      %scan3A_479 = arith.constant 3 : i32
      %scan3A_480 = arith.addi %scan3A_221, %scan3A_479 : i32
      %mul3A_481 = arith.constant 128 : i32
      %mul3A_482 = arith.muli %scan3A_480, %mul3A_481 : i32
      %get3A_483 = arith.index_cast %mul3A_482 : i32 to index
      %get3A_484 = arith.constant 0 : index
      %get3A_485 = vector.load %arg32[%get3A_483, %get3A_484] : memref<12800x128xf32, #tpu.memory_space<vmem>>, vector<128x128xf32>
      %get3A_486 = arith.index_cast %mul3A_482 : i32 to index
      %get3A_487 = arith.constant 0 : index
      %get3A_488 = vector.load %arg35[%get3A_486, %get3A_487] : memref<12800x2xf32, #tpu.memory_space<vmem>>, vector<128x2xf32>
      %slice3A_489 = vector.extract_strided_slice %get3A_488 {offsets = [0, 0], sizes = [128, 1], strides = [1, 1]} : vector<128x2xf32> to vector<128x1xf32>
      %mul3A_490 = vector.broadcast %slice3A_489 : vector<128x1xf32> to vector<128x128xf32>
      %mul3A_491 = arith.mulf %mul3A_490, %get3A_485 : vector<128x128xf32>
      %reduce_sum3A_492 = arith.constant dense<0.000000e+00> : vector<128xf32>
      %reduce_sum3A_493 = vector.multi_reduction <add>, %mul3A_491, %reduce_sum3A_492 [0] : vector<128x128xf32> to vector<128xf32>
      %broadcast_in_dim3A_494 = vector.shape_cast %reduce_sum3A_493 : vector<128xf32> to vector<1x128xf32>
      %swap3A_495 = arith.index_cast %scan3A_480 : i32 to index
      %swap3A_496 = arith.constant 0 : index
      %swap3A_497 = vector.load %arg29[%swap3A_495, %swap3A_496] : memref<100x128xf32, #tpu.memory_space<vmem>>, vector<1x128xf32>
      tpu.vector_store %arg29[%swap3A_495, %swap3A_496], %broadcast_in_dim3A_494 {strides = array<i32>} : memref<100x128xf32, #tpu.memory_space<vmem>>, vector<1x128xf32>,
      %reduce_sum3A_498 = arith.constant dense<0.000000e+00> : vector<128xf32>
      %reduce_sum3A_499 = vector.multi_reduction <add>, %get3A_485, %reduce_sum3A_498 [0] : vector<128x128xf32> to vector<128xf32>
      %broadcast_in_dim3A_500 = vector.shape_cast %reduce_sum3A_499 : vector<128xf32> to vector<1x128xf32>
      %mul3A_501 = arith.constant 0.00999999977 : f32
      %mul3A_502 = vector.broadcast %mul3A_501 : f32 to vector<1x128xf32>
      %mul3A_503 = arith.mulf %broadcast_in_dim3A_500, %mul3A_502 : vector<1x128xf32>
      %swap3A_504 = arith.index_cast %scan3A_480 : i32 to index
      %swap3A_505 = arith.constant 0 : index
      %swap3A_506 = vector.load %arg30[%swap3A_504, %swap3A_505] : memref<100x128xf32, #tpu.memory_space<vmem>>, vector<1x128xf32>
      tpu.vector_store %arg30[%swap3A_504, %swap3A_505], %mul3A_503 {strides = array<i32>} : memref<100x128xf32, #tpu.memory_space<vmem>>, vector<1x128xf32>,
      %get3A_507 = arith.index_cast %mul3A_482 : i32 to index
      %get3A_508 = arith.constant 0 : index
      %get3A_509 = vector.load %arg1[%get3A_507, %get3A_508] : memref<12800x128xf32, #tpu.memory_space<vmem>>, vector<128x128xf32>
      %dot_general3A_510 = arith.constant dense<0.000000e+00> : vector<128x2xf32>
      %dot_general3A_511 = tpu.matmul %get3A_509, %get3A_488, %dot_general3A_510 {dimension_numbers = #tpu.dot_dimension_numbers<[1], [0], [0], [1], [0, 0, 1, 1], [], []>, transpose_lhs_hint = false} : vector<128x128xf32>, vector<128x2xf32>, vector<128x2xf32> -> vector<128x2xf32>
      %slice3A_512 = vector.extract_strided_slice %dot_general3A_511 {offsets = [0, 0], sizes = [128, 1], strides = [1, 1]} : vector<128x2xf32> to vector<128x1xf32>
      %slice3A_513 = vector.extract_strided_slice %get3A_488 {offsets = [0, 0], sizes = [128, 1], strides = [1, 1]} : vector<128x2xf32> to vector<128x1xf32>
      %mul3A_514 = arith.mulf %slice3A_512, %slice3A_513 : vector<128x1xf32>
      %reduce_sum3A_515 = vector.shape_cast %mul3A_514 : vector<128x1xf32> to vector<1x128x1xf32>
      %reduce_sum3A_516 = arith.constant dense<0.000000e+00> : vector<1xf32>
      %reduce_sum3A_517 = vector.multi_reduction <add>, %reduce_sum3A_515, %reduce_sum3A_516 [1, 2] : vector<1x128x1xf32> to vector<1xf32>
      %reduce_sum3A_518 = vector.shape_cast %reduce_sum3A_517 : vector<1xf32> to vector<1x1x1xf32>
      %reduce_sum3A_519 = vector.extract %reduce_sum3A_518[0, 0, 0] : f32 from vector<1x1x1xf32>
      %slice3A_520 = vector.extract_strided_slice %dot_general3A_511 {offsets = [0, 0], sizes = [128, 1], strides = [1, 1]} : vector<128x2xf32> to vector<128x1xf32>
      %slice3A_521 = vector.extract_strided_slice %get3A_488 {offsets = [0, 1], sizes = [128, 1], strides = [1, 1]} : vector<128x2xf32> to vector<128x1xf32>
      %mul3A_522 = arith.mulf %slice3A_520, %slice3A_521 : vector<128x1xf32>
      %reduce_sum3A_523 = vector.shape_cast %mul3A_522 : vector<128x1xf32> to vector<1x128x1xf32>
      %reduce_sum3A_524 = arith.constant dense<0.000000e+00> : vector<1xf32>
      %reduce_sum3A_525 = vector.multi_reduction <add>, %reduce_sum3A_523, %reduce_sum3A_524 [1, 2] : vector<1x128x1xf32> to vector<1xf32>
      %reduce_sum3A_526 = vector.shape_cast %reduce_sum3A_525 : vector<1xf32> to vector<1x1x1xf32>
      %reduce_sum3A_527 = vector.extract %reduce_sum3A_526[0, 0, 0] : f32 from vector<1x1x1xf32>
      %slice3A_528 = vector.extract_strided_slice %dot_general3A_511 {offsets = [0, 1], sizes = [128, 1], strides = [1, 1]} : vector<128x2xf32> to vector<128x1xf32>
      %slice3A_529 = vector.extract_strided_slice %get3A_488 {offsets = [0, 0], sizes = [128, 1], strides = [1, 1]} : vector<128x2xf32> to vector<128x1xf32>
      %mul3A_530 = arith.mulf %slice3A_528, %slice3A_529 : vector<128x1xf32>
      %reduce_sum3A_531 = vector.shape_cast %mul3A_530 : vector<128x1xf32> to vector<1x128x1xf32>
      %reduce_sum3A_532 = arith.constant dense<0.000000e+00> : vector<1xf32>
      %reduce_sum3A_533 = vector.multi_reduction <add>, %reduce_sum3A_531, %reduce_sum3A_532 [1, 2] : vector<1x128x1xf32> to vector<1xf32>
      %reduce_sum3A_534 = vector.shape_cast %reduce_sum3A_533 : vector<1xf32> to vector<1x1x1xf32>
      %reduce_sum3A_535 = vector.extract %reduce_sum3A_534[0, 0, 0] : f32 from vector<1x1x1xf32>
      %slice3A_536 = vector.extract_strided_slice %dot_general3A_511 {offsets = [0, 1], sizes = [128, 1], strides = [1, 1]} : vector<128x2xf32> to vector<128x1xf32>
      %slice3A_537 = vector.extract_strided_slice %get3A_488 {offsets = [0, 1], sizes = [128, 1], strides = [1, 1]} : vector<128x2xf32> to vector<128x1xf32>
      %mul3A_538 = arith.mulf %slice3A_536, %slice3A_537 : vector<128x1xf32>
      %reduce_sum3A_539 = vector.shape_cast %mul3A_538 : vector<128x1xf32> to vector<1x128x1xf32>
      %reduce_sum3A_540 = arith.constant dense<0.000000e+00> : vector<1xf32>
      %reduce_sum3A_541 = vector.multi_reduction <add>, %reduce_sum3A_539, %reduce_sum3A_540 [1, 2] : vector<1x128x1xf32> to vector<1xf32>
      %reduce_sum3A_542 = vector.shape_cast %reduce_sum3A_541 : vector<1xf32> to vector<1x1x1xf32>
      %reduce_sum3A_543 = vector.extract %reduce_sum3A_542[0, 0, 0] : f32 from vector<1x1x1xf32>
      %abs3A_544 = math.absf %reduce_sum3A_519 : f32
      %abs3A_545 = math.absf %reduce_sum3A_527 : f32
      %add3A_546 = arith.addf %abs3A_544, %abs3A_545 : f32
      %max3A_547 = arith.constant 9.99999996E-13 : f32
      %max3A_548 = arith.maximumf %add3A_546, %max3A_547 : f32
      %abs3A_549 = math.absf %reduce_sum3A_535 : f32
      %abs3A_550 = math.absf %reduce_sum3A_543 : f32
      %add3A_551 = arith.addf %abs3A_549, %abs3A_550 : f32
      %max3A_552 = arith.constant 9.99999996E-13 : f32
      %max3A_553 = arith.maximumf %add3A_551, %max3A_552 : f32
      %div3A_554 = arith.divf %reduce_sum3A_519, %max3A_548 : f32
      %sub3A_555 = arith.constant 1.000000e+00 : f32
      %sub3A_556 = arith.subf %div3A_554, %sub3A_555 : f32
      %div3A_557 = arith.divf %reduce_sum3A_543, %max3A_553 : f32
      %sub3A_558 = arith.constant 1.000000e+00 : f32
      %sub3A_559 = arith.subf %div3A_557, %sub3A_558 : f32
      %mul3A_560 = arith.mulf %sub3A_556, %sub3A_556 : f32
      %mul3A_561 = arith.mulf %sub3A_559, %sub3A_559 : f32
      %add3A_562 = arith.addf %mul3A_560, %mul3A_561 : f32
      %mul3A_563 = arith.constant 5.000000e-01 : f32
      %mul3A_564 = arith.mulf %mul3A_563, %add3A_562 : f32
      %add3A_565 = arith.addf %add3A_478, %mul3A_564 : f32
      scf.yield %add3A_565 : f32
    }
    %scan3A_179 = arith.constant 100 : i32
    %mul3A_180 = arith.constant 0.00999999977 : f32
    %mul3A_181 = arith.mulf %scan3A_178, %mul3A_180 : f32
    %broadcast_in_dim3A_182 = vector.broadcast %mul3A_181 : f32 to vector<1x1xf32>
    %swap3A = arith.constant 0 : index
    %swap3A_183 = arith.constant 0 : index
    %swap3A_184 = vector.load %arg31[%swap3A, %swap3A_183] : memref<1x1xf32, #tpu.memory_space<vmem>>, vector<1x1xf32>
    tpu.vector_store %arg31[%swap3A, %swap3A_183], %broadcast_in_dim3A_182 {strides = array<i32>} : memref<1x1xf32, #tpu.memory_space<vmem>>, vector<1x1xf32>,
    %get3A_185 = arith.constant 0 : index
    %get3A_186 = arith.constant 0 : index
    %get3A_187 = vector.load %arg29[%get3A_185, %get3A_186] : memref<100x128xf32, #tpu.memory_space<vmem>>, vector<100x128xf32>
    %get3A_188 = arith.constant 0 : index
    %get3A_189 = arith.constant 0 : index
    %get3A_190 = vector.load %arg24[%get3A_188, %get3A_189] : memref<128x128xf32, #tpu.memory_space<vmem>>, vector<128x128xf32>
    %dot_general3A = arith.constant dense<0.000000e+00> : vector<100x128xf32>
    %dot_general3A_191 = tpu.matmul %get3A_187, %get3A_190, %dot_general3A {dimension_numbers = #tpu.dot_dimension_numbers<[1], [0], [0], [1], [0, 0, 1, 1], [], []>, transpose_lhs_hint = false} : vector<100x128xf32>, vector<128x128xf32>, vector<100x128xf32> -> vector<100x128xf32>
    %get3A_192 = arith.constant 0 : index
    %get3A_193 = arith.constant 0 : index
    %get3A_194 = vector.load %arg25[%get3A_192, %get3A_193] : memref<1x128xf32, #tpu.memory_space<vmem>>, vector<1x128xf32>
    %add3A_195 = vector.broadcast %get3A_194 : vector<1x128xf32> to vector<100x128xf32>
    %add3A_196 = arith.addf %dot_general3A_191, %add3A_195 : vector<100x128xf32>
    %max3A = arith.constant 0.000000e+00 : f32
    %max3A_197 = vector.broadcast %max3A : f32 to vector<100x128xf32>
    %max3A_198 = arith.maximumf %add3A_196, %max3A_197 : vector<100x128xf32>
    %get3A_199 = arith.constant 0 : index
    %get3A_200 = arith.constant 0 : index
    %get3A_201 = vector.load %arg26[%get3A_199, %get3A_200] : memref<128x10xf32, #tpu.memory_space<vmem>>, vector<128x10xf32>
    %dot_general3A_202 = arith.constant dense<0.000000e+00> : vector<100x10xf32>
    %dot_general3A_203 = tpu.matmul %max3A_198, %get3A_201, %dot_general3A_202 {dimension_numbers = #tpu.dot_dimension_numbers<[1], [0], [0], [1], [0, 0, 1, 1], [], []>, transpose_lhs_hint = false} : vector<100x128xf32>, vector<128x10xf32>, vector<100x10xf32> -> vector<100x10xf32>
    %get3A_204 = arith.constant 0 : index
    %get3A_205 = arith.constant 0 : index
    %get3A_206 = vector.load %arg27[%get3A_204, %get3A_205] : memref<1x10xf32, #tpu.memory_space<vmem>>, vector<1x10xf32>
    %add3A_207 = vector.broadcast %get3A_206 : vector<1x10xf32> to vector<100x10xf32>
    %add3A_208 = arith.addf %dot_general3A_203, %add3A_207 : vector<100x10xf32>
    %reduce_max3A = arith.constant dense<0xFF800000> : vector<100xf32>
    %reduce_max3A_209 = vector.multi_reduction <maximumf>, %add3A_208, %reduce_max3A [1] : vector<100x10xf32> to vector<100xf32>
    %broadcast_in_dim3A_210 = vector.shape_cast %reduce_max3A_209 : vector<100xf32> to vector<100x1xf32>
    %sub3A_211 = vector.broadcast %broadcast_in_dim3A_210 : vector<100x1xf32> to vector<100x10xf32>
    %sub3A_212 = arith.subf %add3A_208, %sub3A_211 : vector<100x10xf32>
    %exp3A = math.exp %sub3A_212 : vector<100x10xf32>
    %reduce_sum3A = arith.constant dense<0.000000e+00> : vector<100xf32>
    %reduce_sum3A_213 = vector.multi_reduction <add>, %exp3A, %reduce_sum3A [1] : vector<100x10xf32> to vector<100xf32>
    %broadcast_in_dim3A_214 = vector.shape_cast %reduce_sum3A_213 : vector<100xf32> to vector<100x1xf32>
    %log3A = math.log %broadcast_in_dim3A_214 : vector<100x1xf32>
    %add3A_215 = arith.addf %broadcast_in_dim3A_210, %log3A : vector<100x1xf32>
    %sub3A_216 = vector.broadcast %add3A_215 : vector<100x1xf32> to vector<100x10xf32>
    %sub3A_217 = arith.subf %add3A_208, %sub3A_216 : vector<100x10xf32>
    %swap3A_218 = arith.constant 0 : index
    %swap3A_219 = arith.constant 0 : index
    %swap3A_220 = vector.load %arg28[%swap3A_218, %swap3A_219] : memref<100x10xf32, #tpu.memory_space<vmem>>, vector<100x10xf32>
    tpu.vector_store %arg28[%swap3A_218, %swap3A_219], %sub3A_217 {strides = array<i32>} : memref<100x10xf32, #tpu.memory_space<vmem>>, vector<100x10xf32>,
    return
  }
}

</mosaic_0001>

<sc_bundles>
// kernel: _run.4.cloned.1.call-start
scs
__scs_entry_jumppad:
0x0: {  	(pc) =	sbr.rel $0x88, $3  }
0x1: {  	(tag) =	ssettag $0x0;
	lr =	simm.s32 $0x1  }
0x2: {  	[smem:$0x3F85] =	sst lr;
	_ =	strace $0xD0000000  }
0x3: {  	_ = 	snop  }
0x4: {  	_ = 	snop  }
0x5: {  	_ = 	snop  }
0x6: {  	_ = 	snop  }
0x7: {  	_ = 	snop  }
__scs_overlays_trampoline_lowered:
0x8: {  	[smem:$0x3F94] =	sst s0  }
0x9: {  	[smem:$0x3F95] =	sst s1  }
0xa: {  	[smem:$0x3F96] =	sst s2  }
0xb: {  	[smem:$0x3F97] =	sst s3  }
0xc: {  	[smem:$0x3F98] =	sst s4  }
0xd: {  	[smem:$0x3F99] =	sst s5  }
0xe: {  	[smem:$0x3F9A] =	sst s6  }
0xf: {  	[smem:$0x3F9B] =	sst s7  }
0x10: {  	[smem:$0x3F9C] =	sst s8  }
0x11: {  	[smem:$0x3F9D] =	sst s9;
	s0 =	simm.s32 @!p0 $0x0  }
0x12: {  	s1 =	sld [smem:$0x3F83];
	s0 =	simm.s32 @p0 $0x1  }
0x13: {  	[smem:$0x3F9E] =	sst s0;
	s0 =	simm.s32 @!p1 $0x0  }
0x14: {  	s2 =	sld [smem:$0x3F82];
	s0 =	simm.s32 @p1 $0x1  }
0x15: {  	[smem:$0x3F9F] =	sst s0;
	s0 =	simm.s32 @!p2 $0x0  }
0x16: {  	s3 =	sld [smem:$0x3FDB];
	s0 =	simm.s32 @p2 $0x1  }
0x17: {  	s4 =	simm.s32 $0x1BF5;
	[smem:$0x3FA1] =	sst s0  }
0x18: {  	s0 =	sld [smem:$0x3F84];
	_ =	swait.ge [sflag:s4], $0x0  }
0x19: {  	s7 =	sld [smem:$0x3F85]  }
0x1a: {  	s8 =	sadd.s32 $0xFFFFE003, lr  }
0x1b: {  	s9 =	sadd.s32 $0xFFFFFEF7, lr;
	s5 =	simm.s32 $0xFFFFFFFF;
	p2 =	slt.u32 s8, $0xFFFFF086  }
0x1c: {  	p1 =	slt.u32 s9, $0xF7A;
	s5 =	simm.s32 @!p2 $0x0  }
0x1d: {  	s5 =	simm.s32 @p1 $0x1;
	p0 =	seq.s32 s7, s2  }
0x1e: {  	s7 =	smul.u32 @!p0 $0xF7A, s2;
	p2 =	seq.s32 @!p0 s5, $0x0  }
0x1f: {  	s9 =	smul.u32 $0xF7A, s1;
	s8 =	simm.s32 @!p0 $0x1BF5;
	p2 =	por !p2, p0  }
0x20: {  	[sflag:s8] =	ssyncset.s32 @!p0 $0xFFFFF086;
	s6 =	sadd.s32 @!p0 s3, s7;
	s7 =	simm.s32 @!p0 $0x108  }
0x21: {  	s3 =	sadd.s32 s3, s9;
	s6 =	sadd.s32 @!p0 $0x88, s6;
	s7 =	simm.s32 @p2 $0x1082  }
0x22: {  	[simem:s7], [sflag:s8] =	dma.local @!p0 [hbm:s6], $0xF7A  }
0x23: {  	s9 =	sor.u32 $0xD0000000, s2;
	s6 =	simm.s32 $0x108;
	_ =	swait.ge @!p0 [sflag:s8], $0x0  }
0x24: {  	s3 =	sadd.s32 $0x88, s3;
	s6 =	simm.s32 @!p1 $0x1082;
	[sflag:s4] =	ssyncset.s32 $0xFFFFF086  }
0x25: {  	[simem:s6], [sflag:s4] =	dma.local [hbm:s3], $0xF7A  }
0x26: {  	[smem:$0x3F85] =	sst s1;
	(tag) =	ssettag s2;
	_ =	strace s9  }
0x27: {  	s1 =	sld [smem:$0x3F95]  }
0x28: {  	s2 =	sld [smem:$0x3F96]  }
0x29: {  	s4 =	sld [smem:$0x3F98]  }
0x2a: {  	p0 =	seq.s32 s5, $0x0;
	s5 =	sld [smem:$0x3F99]  }
0x2b: {  	s6 =	sld [smem:$0x3F9A]  }
0x2c: {  	s7 =	sld [smem:$0x3F9B]  }
0x2d: {  	s3 =	simm.s32 $0x108;
	s8 =	sld [smem:$0x3F9C]  }
0x2e: {  	s3 =	simm.s32 @!p0 $0x1082;
	s9 =	sld [smem:$0x3F9D]  }
0x2f: {  	lr =	sadd.s32 s0, s3;
	s0 =	sld [smem:$0x3F94]  }
0x30: {  	s3 =	sld [smem:$0x3F97]  }
0x31: {  	[smem:$0x3FA0] =	sst s10  }
0x32: {  	s10 =	sld [smem:$0x3F9E];
	_ =	sdelay $0x3  }
0x33: {  	p0 =	seq.s32 s10, $0x1;
	s10 =	sld [smem:$0x3FA0];
	_ =	sdelay $0x3  }
0x34: {  	[smem:$0x3FA0] =	sst s10  }
0x35: {  	s10 =	sld [smem:$0x3F9F];
	_ =	sdelay $0x3  }
0x36: {  	p1 =	seq.s32 s10, $0x1;
	s10 =	sld [smem:$0x3FA0];
	_ =	sdelay $0x3  }
0x37: {  	[smem:$0x3FA0] =	sst s10  }
0x38: {  	s10 =	sld [smem:$0x3FA1]  }
0x39: {  	_ = 	snop;
	(pc) =	sbr.ind lr, $3  }
0x3a: {  	_ = 	snop  }
0x3b: {  	_ = 	snop  }
0x3c: {  	p2 =	seq.s32 s10, $0x1;
	s10 =	sld [smem:$0x3FA0]  }
0x3d: {  	_ =	shalt  }
0x3e: {  	_ =	shalt  }
0x3f: {  	_ =	shalt  }
0x40: {  	_ =	shalt  }
0x41: {  	_ =	shalt  }
0x42: {  	_ =	shalt  }
0x43: {  	_ =	shalt  }
0x44: {  	_ =	shalt  }
0x45: {  	_ =	shalt  }
0x46: {  	_ =	shalt  }
0x47: {  	_ =	shalt  }
0x48: {  	_ =	shalt  }
0x49: {  	_ =	shalt  }
0x4a: {  	_ =	shalt  }
0x4b: {  	_ =	shalt  }
0x4c: {  	_ =	shalt  }
0x4d: {  	_ =	shalt  }
0x4e: {  	_ =	shalt  }
0x4f: {  	_ =	shalt  }
0x50: {  	_ =	shalt  }
0x51: {  	_ =	shalt  }
0x52: {  	_ =	shalt  }
0x53: {  	_ =	shalt  }
0x54: {  	_ =	shalt  }
0x55: {  	_ =	shalt  }
0x56: {  	_ =	shalt  }
0x57: {  	_ =	shalt  }
0x58: {  	_ =	shalt  }
0x59: {  	_ =	shalt  }
0x5a: {  	_ =	shalt  }
0x5b: {  	_ =	shalt  }
0x5c: {  	_ =	shalt  }
0x5d: {  	_ =	shalt  }
0x5e: {  	_ =	shalt  }
0x5f: {  	_ =	shalt  }
0x60: {  	_ =	shalt  }
0x61: {  	_ =	shalt  }
0x62: {  	_ =	shalt  }
0x63: {  	_ =	shalt  }
0x64: {  	_ =	shalt  }
0x65: {  	_ =	shalt  }
0x66: {  	_ =	shalt  }
0x67: {  	_ =	shalt  }
0x68: {  	_ =	shalt  }
0x69: {  	_ =	shalt  }
0x6a: {  	_ =	shalt  }
0x6b: {  	_ =	shalt  }
0x6c: {  	_ =	shalt  }
0x6d: {  	_ =	shalt  }
0x6e: {  	_ =	shalt  }
0x6f: {  	_ =	shalt  }
0x70: {  	_ =	shalt  }
0x71: {  	_ =	shalt  }
0x72: {  	_ =	shalt  }
0x73: {  	_ =	shalt  }
0x74: {  	_ =	shalt  }
0x75: {  	_ =	shalt  }
0x76: {  	_ =	shalt  }
0x77: {  	_ =	shalt  }
0x78: {  	_ =	shalt  }
0x79: {  	_ =	shalt  }
0x7a: {  	_ =	shalt  }
0x7b: {  	_ =	shalt  }
0x7c: {  	_ =	shalt  }
0x7d: {  	_ =	shalt  }
0x7e: {  	_ =	shalt  }
0x7f: {  	_ =	shalt  }
0x80: {  	_ =	shalt  }
0x81: {  	_ =	shalt  }
0x82: {  	_ =	shalt  }
0x83: {  	_ =	shalt  }
0x84: {  	_ =	shalt  }
0x85: {  	_ =	shalt  }
0x86: {  	_ =	shalt  }
0x87: {  	_ =	shalt  }
.Lfunc_end0:
.L_simem_size_0:
called_computation_lowered:
.L_overlay_start_0:
0x88: {  	s2 =	sld [smem:$0x3FD9]  }
0x89: {  	s3 =	sld [smem:$0x3FFE];
	_ =	sdelay $0x1  }
0x8a: {  	s1 =	srdreg.scid  }
0x8b: {  	s0 =	sand.u32 $0x1, s1  }
0x8c: {  	s16 =	sshll.u32 s0, $0xA;
	s2 =	sadd.s32 s3, s2  }
0x8d: {  	s2 =	sadd.s32 s2, s16  }
0x8e: {  	[smem:$0x3FAC] =	sst s2  }
0x8f: {  	_ = 	snop  }
0x90: {  	(tm) =	ssettm $0x1  }
0x91: {  	s17 =	sld [smem:$0x3FFB];
	_ =	sdelay $0x3  }
0x92: {  	_ =	strace s17  }
0x93: {  	s2 =	sld [smem:$0x3FFC];
	_ =	sdelay $0x3  }
0x94: {  	_ =	strace s2  }
0x95: {  	s2 =	sld [smem:$0x3FFD];
	_ =	sdelay $0x3  }
0x96: {  	_ =	strace s2  }
0x97: {  	_ =	strace $0x8FFFFFFF  }
0x98: {  	s18 =	sld [smem:$0x3FDB];
	_ =	sdelay $0x1  }
0x99: {  	s19 =	simm.s32 $_scs_section_size  }
0x9a: {  	s4 =	simm.s32 $_size__tile_overlayer_lowered;
	s5 =	simm.s32 $_tile_overlayer_lowered  }
0x9b: {  	s22 =	simm.s32 $0x1BFF;
	s21 =	sshll.u32 s5, $0x1;
	s2 =	sadd.s32 s19, s18  }
0x9c: {  	s6 =	simm.s32 $0x0;
	s20 =	sshll.u32 s4, $0x1;
	s4 =	sadd.s32 s21, s2  }
0x9d: {  	[timem:s6], [sflag:s22] =	dma.local [hbm:s4], s20  }
0x9e: {  	_ =	swait.ge [sflag:s22], s20  }
0x9f: {  	s3 =	ssub.s32 $0x0, s20;
	[sflag:s22] =	ssyncset.done $0x0  }
0xa0: {  	[sflag:s22] =	ssyncadd.s32 s3;
	_ =	sdelay $0x1  }
0xa1: {  	s23 =	simm.s32 $0x1B8B  }
0xa2: {  	_ =	swait.ge [sflag:s23], $0x1  }
0xa3: {  	[sflag:s23] =	ssyncset.done $0x0  }
0xa4: {  	s25 =	simm.s32 $0x1B8E;
	s24 =	sld [smem:$0x3FFE];
	[sflag:s23] =	ssyncadd.s32 $0xFFFFFFFF  }
0xa5: {  	s26 =	simm.s32 $execute0_lowered;
	[smem:$0x3FD2] =	sst s25  }
0xa6: {  	s4 =	sshll.u32 s26, $0x1;
	_ =	strace $0x80000046;
	[dreg:$0x1] =	wrdreg $0xFFFFFFFF  }
0xa7: {  	s28 =	simm.s32 $_size_execute0_lowered;
	s2 =	sadd.s32 s2, s4;
	[dreg:$0x0] =	wrdreg $0x0  }
0xa8: {  	s4 =	sshll.u32 s28, $0x1;
	[dreg:$0x2] =	wrdreg s2  }
0xa9: {  	[dreg:$0x3] =	wrdreg s4  }
0xaa: {  	[dreg:$0x4] =	wrdreg $0xC0  }
0xab: {  	_ =	task [dreg:s6], $0x5FFFF  }
0xac: {  	[dreg:$0x1] =	wrdreg $0xFFFFFFFF  }
0xad: {  	[dreg:$0x0] =	wrdreg $0x60  }
0xae: {  	[dreg:$0x2] =	wrdreg s24  }
0xaf: {  	[dreg:$0x3] =	wrdreg $0x9  }
0xb0: {  	_ =	task.clear_ibuf [dreg:s6], $0x4FFFF;
	_ =	strace $0x90000046  }
0xb1: {  	s29 =	simm.s32 $0x9;
	_ =	strace $0x80000048  }
0xb2: {  	_ =	swait.ge [sflag:s29], $0x1  }
0xb3: {  	[sflag:s29] =	ssyncadd.s32 $0xFFFFFFFF  }
0xb4: {  	_ =	strace $0x90000048  }
0xb5: {  	_ =	sfence  }
0xb6: {  	s30 =	sld [smem:$0x0];
	_ =	sdelay $0x2  }
0xb7: {  	s31 =	sshll.u32 s1, $0xD;
	s1 =	sshrl.u32 s1, $0x2  }
0xb8: {  	s3 =	sand.u32 $0x4000, s31;
	s1 =	sadd.s32 s1, s30  }
0xb9: {  	s0 =	sor.u32 s3, s0;
	s1 =	sshll.u32 s1, $0x11  }
0xba: {  	s0 =	sor.u32 s1, s0  }
0xbb: {  	s0 =	sadd.s32 $0x8F2B, s0  }
0xbc: {  	[sflag:s0] =	ssyncadd.remote.s32 $0x1  }
0xbd: {  	_ =	sfence.sel $0xFFFF  }
0xbe: {  	[dreg:$0x0] =	wrdreg $0xFFFFFFFF;
	(pc) =	sbr.abs _section_cstart, $3  }
0xbf: {  	[dreg:$0x1] =	wrdreg $0xFFFFFFFF  }
0xc0: {  	_ =	task.clear_ibuf [dreg:s6], $0x2FFFF;
	_ =	strace $0x9FFFFFFF  }
0xc1: {  	(tm) =	ssettm $0x7FFFFFFF  }
tec
execute0_lowered:
.L_overlay_start_1:
0x0: {  	(tag) =	ssettag $0x1  }
0x1: {  	s1 =	srdreg.scid  }
0x2: {  	s0 =	stileid.u32;
	s4 =	rddreg [dreg:$0x0]  }
0x3: {  	s2 =	simm.s32 $0x0;
	s8 =	simm.s32 $0xE100;
	s9 =	simm.s32 $0x1  }
0x4: {  	s12 =	simm.s32 $0x0;
	s3 =	sand.u32 $0x1, s1;
	s5 =	sshll.u32 s0, $0x1  }
0x5: {  	s1 =	rddreg [dreg:$0x1];
	s5 =	sor.u32 s3, s5;
	s31 =	ssub.s32 $0x2, s3  }
0x6: {  	[smem:$0x7FF] =	sst s2;
	s10 =	smul.u32 $0xC800, s5;
	s7 =	sshrl.u32 s31, $0x1  }
0x7: {  	_ =	strace $0x80000047;
	s3 =	sadd.s32 $0x3C00, s4;
	s7 =	ssub.s32 s31, s7  }
0x8: {  	s6 =	sshrl.u32 s10, $0x3;
	s11 =	sadd.s32 $0xC800, s10;
	v0 =	vmov s10;
	s10 =	simm.s32 $0x2  }
0x9: {  	s6 =	sadd.s32 s6, s4;
	s4 =	sadd.s32 $0x3F20, s4;
	v1 =	vmov s11;
	s11 =	simm.s32 $0x3  }
0xa: {  	v2 =	vimm.f32 $0.0e+00;
	s5 =	sadd.s32 $0xDA00, s6;
	s6 =	smax.u32 s7, $0x1;
	s7 =	simm.s32 $0xC800  }
.LBB2_1:
0xb: {  	s13 =	simm.s32 $0x40;
	s14 =	simm.s32 $0x0  }
.LBB2_2:
0xc: {  	p0 =	sne.s32 s13, $0x31FC0;
	[tilespmem:s14+$0x0] =	vst v2;
	s14 =	smov.u32 s13;
	s13 =	sadd.s32 $0x40, s13  }
.Ltmp0:
0xd: {  	(pc) =	sbr.rel @p0 .LBB2_2-.Ltmp0, $2  }
0xe: {  	_ =	sdelay $0x2  }
0xf: {  	s14 =	sshra.s32 s14, $0x2  }
0x10: {  	[tilespmem:s14+$0x0] =	vst v2;
	s13 =	simm.s32 $0x0  }
0x11: {  	[tilespmem:s7], [sflag:$0x1] =	stream.linear.gather [hbm4b:s3+s13], $0x1900, $0x38;
	[tilespmem:$0xFA00] =	vst v63  }
0x12: {  	_ = 	snop  }
0x13: {  	[tilespmem:s8], [sflag:$0x2] =	stream.linear.gather [hbm4b:s4+s13], $0x1900, $0x38;
	[tilespmem:$0xFA00] =	vst v63  }
.LBB2_4:
0x14: {  	_ =	swait.ge [sflag:s9], $0x1900  }
0x15: {  	[sflag:s9] =	ssyncset.done $0x0  }
0x16: {  	s14 =	simm.s32 $0xC840;
	[sflag:s9] =	ssyncadd.s32 $0xFFFFE700  }
0x17: {  	v3 =	vld [tilespmem:s14+$0xFFFFFFC0];
	_ =	sdelay $0x3  }
0x18: {  	v4 =	vld [tilespmem:s14+$0x30]  }
0x19: {  	v6 =	vld [tilespmem:s14+$0x10];
	vm0 =	vge.s32 v3, v0;
	vm1 =	vlt.s32 v3, v1  }
0x1a: {  	v5 =	vld [tilespmem:s14+$0x20];
	v3 =	vsub.s32 v3, v0;
	vm1 =	vmand vm0, vm1  }
0x1b: {  	v7 =	vnsel vm1, $0x0, v3  }
0x1c: {  	(xrf1) =	vunique.msk.u32 vm1, v7;
	_ =	sdelay $0x1  }
0x1d: {  	vm2 =	vlt.s32 v4, v1;
	vm3 =	vge.s32 v6, v0  }
0x1e: {  	v9 =	vld [tilespmem:s14+$0xFFFFFFF0];
	vm4 =	vlt.s32 v6, v1;
	vm5 =	vlt.s32 v5, v1;
	vm0 =	vge.s32 v4, v0  }
0x1f: {  	v8 =	vld [tilespmem:s14+$0xFFFFFFD0];
	v6 =	vsub.s32 v6, v0;
	vm2 =	vmand vm0, vm2;
	v3 =	vsub.s32 v4, v0  }
0x20: {  	vm4 =	vmand vm3, vm4;
	v4 =	vld [tilespmem:s14+$0x0];
	vm0 =	vge.s32 v5, v0;
	v11 =	vnsel vm2, $0x0, v3  }
0x21: {  	v5 =	vsub.s32 v5, v0;
	v17 =	vnsel vm4, $0x0, v6;
	v3 =	vld [tilespmem:s14+$0xFFFFFFE0];
	vm3 =	vmand vm0, vm5;
	(xrf1) =	vunique.msk.u32 vm2, v11  }
0x22: {  	v20 =	vnsel vm3, $0x0, v5;
	(xrf1) =	vunique.msk.u32 vm4, v17  }
0x23: {  	vm6 =	vge.s32 v9, v0;
	(xrf1) =	vunique.msk.u32 vm3, v20  }
0x24: {  	v6 =	vsub.s32 v8, v0;
	vm0 =	vge.s32 v8, v0;
	vm5 =	vlt.s32 v8, v1  }
0x25: {  	vm5 =	vmand vm0, vm5;
	v5 =	vsub.s32 v4, v0;
	vm7 =	vlt.s32 v4, v1  }
0x26: {  	vm8 =	vge.s32 v4, v0;
	v10 =	vsub.s32 v3, v0;
	vm0 =	vlt.s32 v3, v1  }
0x27: {  	s14 =	simm.s32 $0xC8C0;
	vm9 =	vge.s32 v3, v0;
	v3 =	vnsel vm5, $0x0, v6;
	vm7 =	vmand vm8, vm7  }
0x28: {  	v8 =	vld [tilespmem:s14+$0xFFFFFFC0];
	vm9 =	vmand vm9, vm0;
	vm0 =	vlt.s32 v9, v1;
	v6 =	vnsel vm7, $0x0, v5  }
0x29: {  	v13 =	vld [tilespmem:s14+$0x30];
	(xrf1) =	vunique.msk.u32 vm5, v3;
	v5 =	vsub.s32 v9, v0;
	v4 =	vnsel vm9, $0x0, v10;
	vm0 =	vmand vm6, vm0;
	_, v9, vm6 =	vpop (xrf1)  }
0x2a: {  	(xrf1) =	vunique.msk.u32 vm7, v6;
	v10 =	vimm.s32 $0x0;
	vm8 =	vmand vm1, vm6;
	vm1 =	vmmov vm9  }
0x2b: {  	v5 =	vnsel vm0, $0x0, v5;
	(xrf1) =	vunique.msk.u32 vm9, v4;
	v10 =	vsel vm1, $0xFFFFFFFF, v10  }
0x2c: {  	(xrf1) =	vunique.msk.u32 vm0, v5  }
0x2d: {  	vm5 =	vmmov vm5;
	[tilespmem:$0x1FFF0] =	vst v10  }
0x2e: {  	vm10 =	vlt.s32 v8, v1;
	vm11 =	vlt.s32 v13, v1;
	vm9 =	vge.s32 v8, v0;
	v15 =	vld [tilespmem:s14+$0x20]  }
0x2f: {  	v8 =	vsub.s32 v8, v0;
	v19 =	vcvt.s32.f32 v9;
	v9 =	vsub.s32 v13, v0;
	v18 =	vld [tilespmem:s14+$0x10];
	_, v10, vm6 =	vpop (xrf1)  }
0x30: {  	v12 =	vld [tilespmem:s14+$0xFFFFFFF0];
	vm6 =	vmand vm2, vm6;
	vm2 =	vmand vm9, vm10;
	v21 =	vcvt.s32.f32 v10;
	_, v16, vm9 =	vpop (xrf1)  }
0x31: {  	v10 =	vld [tilespmem:s14+$0x0];
	vm10 =	vge.s32 v13, v0;
	v8 =	vnsel vm2, $0x0, v8;
	vm9 =	vmand vm4, vm9;
	_, v22, vm12 =	vpop (xrf1)  }
0x32: {  	[tilespmem:v7+s2+$0x0] =	vst.idx.add.f32.msk vm8, v19;
	vm4 =	vmand vm10, vm11;
	v23 =	vcvt.s32.f32 v16;
	vm14 =	vmand vm3, vm12  }
0x33: {  	v16 =	vld [tilespmem:s14+$0xFFFFFFD0];
	v9 =	vnsel vm4, $0x0, v9;
	v22 =	vcvt.s32.f32 v22;
	v13 =	vsub.s32 v15, v0  }
0x34: {  	v14 =	vld [tilespmem:s14+$0xFFFFFFE0];
	vm3 =	vge.s32 v15, v0;
	vm10 =	vlt.s32 v15, v1;
	vm11 =	vge.s32 v18, v0  }
0x35: {  	(xrf1) =	vunique.msk.u32 vm2, v8;
	vm12 =	vlt.s32 v18, v1;
	v15 =	vsub.s32 v12, v0;
	vm3 =	vmand vm3, vm10  }
0x36: {  	vm13 =	vlt.s32 v10, v1;
	[tilespmem:v11+s2+$0x0] =	vst.idx.add.f32.msk vm6, v21;
	vm6 =	vmand vm11, vm12;
	v21 =	vsub.s32 v18, v0  }
0x37: {  	(xrf1) =	vunique.msk.u32 vm4, v9;
	v11 =	vnsel vm3, $0x0, v13;
	_, v13, vm10 =	vpop (xrf1);
	v18 =	vsub.s32 v10, v0;
	vm11 =	vge.s32 v12, v0  }
0x38: {  	vm8 =	vge.s32 v16, v0;
	vm15 =	vlt.s32 v16, v1;
	v7 =	vnsel vm6, $0x0, v21;
	[tilespmem:v17+s2+$0x0] =	vst.idx.add.f32.msk vm9, v23;
	_, v17, vm9 =	vpop (xrf1)  }
0x39: {  	v21 =	vsub.s32 v14, v0;
	vm8 =	vmand vm8, vm15;
	vm15 =	vlt.s32 v14, v1;
	(xrf1) =	vunique.msk.u32 vm6, v7;
	_, v19, vm12 =	vpop (xrf1)  }
0x3a: {  	s15 =	simm.s32 $0x8;
	v17 =	vcvt.s32.f32 v17;
	vm9 =	vmand vm7, vm9;
	[tilespmem:v20+s2+$0x0] =	vst.idx.add.f32.msk vm14, v22;
	(xrf1) =	vunique.msk.u32 vm3, v11;
	_, v20, vm7 =	vpop (xrf1)  }
.LBB2_5:
0x3b: {  	vm14 =	vge.s32 v14, v0  }
0x3c: {  	vm5 =	vmand vm5, vm10;
	vm10 =	vmand vm14, vm15;
	vm15 =	vge.s32 v10, v0;
	v10 =	vld [tilespmem:$0x1FFF0];
	_ =	sdelay $0x3  }
0x3d: {  	vm1 =	vmand vm0, vm7;
	s14 =	sadd.s32 $0x80, s14;
	v13 =	vcvt.s32.f32 v13;
	vm14 =	vlt.s32 v12, v1  }
0x3e: {  	v16 =	vsub.s32 v16, v0;
	vm0 =	vmand vm11, vm14;
	vm11 =	vnez.u8 v10;
	v10 =	vld [tilespmem:s14+$0xFFFFFFC0]  }
0x3f: {  	v22 =	vmovc v8;
	v8 =	vnsel vm8, $0x0, v16;
	vm7 =	vmand vm15, vm13;
	[tilespmem:v3+s2+$0x0] =	vst.idx.add.f32.msk vm5, v13;
	vm11 =	vmand vm11, vm12  }
0x40: {  	(xrf1) =	vunique.msk.u32 vm8, v8;
	v18 =	vnsel vm7, $0x0, v18;
	v13 =	vld [tilespmem:s14+$0x30]  }
0x41: {  	v23 =	vmov v9;
	v16 =	vcvt.s32.f32 v20;
	v9 =	vnsel vm10, $0x0, v21;
	_, v14, vm12 =	vpop (xrf1);
	(xrf1) =	vunique.msk.u32 vm7, v18  }
0x42: {  	v24 =	vmovc v11;
	[tilespmem:v6+s2+$0x0] =	vst.idx.add.f32.msk vm9, v17;
	v11 =	vnsel vm0, $0x0, v15;
	v15 =	vcvt.s32.f32 v19;
	(xrf1) =	vunique.msk.u32 vm10, v9  }
0x43: {  	v3 =	vmovc v8;
	v8 =	vimm.s32 $0x0;
	vm5 =	vmmov vm8;
	[tilespmem:v5+s2+$0x0] =	vst.idx.add.f32.msk vm1, v16;
	(xrf1) =	vunique.msk.u32 vm0, v11  }
0x44: {  	v5 =	vmovc v11;
	vm9 =	vmand vm2, vm12;
	vm2 =	vmmov vm10;
	vm1 =	vge.s32 v10, v0;
	v11 =	vld [tilespmem:s14+$0x20]  }
0x45: {  	v17 =	vcvt.s32.f32 v14;
	vm10 =	vlt.s32 v13, v1;
	v8 =	vsel vm2, $0xFFFFFFFF, v8;
	_, v12, vm2 =	vpop (xrf1);
	[tilespmem:v4+s2+$0x0] =	vst.idx.add.f32.msk vm11, v15  }
0x46: {  	[tilespmem:$0x1FFF0] =	vst v8;
	vm8 =	vmand vm4, vm2;
	vm2 =	vlt.s32 v10, v1;
	v8 =	vsub.s32 v10, v0;
	v15 =	vld [tilespmem:s14+$0x10]  }
0x47: {  	v6 =	vmovc v18;
	v4 =	vmovc v9;
	v18 =	vcvt.s32.f32 v12;
	v10 =	vld [tilespmem:s14+$0x0];
	vm4 =	vge.s32 v13, v0;
	vm2 =	vmand vm1, vm2  }
0x48: {  	v12 =	vld [tilespmem:s14+$0xFFFFFFF0];
	v9 =	vsub.s32 v13, v0;
	_, v16, vm1 =	vpop (xrf1);
	vm4 =	vmand vm4, vm10;
	v8 =	vnsel vm2, $0x0, v8  }
0x49: {  	v14 =	vld [tilespmem:s14+$0xFFFFFFE0];
	vm1 =	vmand vm6, vm1;
	_, v19, vm6 =	vpop (xrf1);
	v9 =	vnsel vm4, $0x0, v9;
	v20 =	vcvt.s32.f32 v16  }
0x4a: {  	v16 =	vld [tilespmem:s14+$0xFFFFFFD0];
	vm14 =	vmand vm3, vm6;
	v25 =	vcvt.s32.f32 v19;
	vm3 =	vge.s32 v11, v0  }
0x4b: {  	s15 =	sadd.s32 $0x8, s15;
	(xrf1) =	vunique.msk.u32 vm2, v8;
	vm6 =	vlt.s32 v11, v1;
	v11 =	vsub.s32 v11, v0;
	vm10 =	vge.s32 v15, v0  }
0x4c: {  	p0 =	slt.u32 s15, $0x188;
	[tilespmem:v22+s2+$0x0] =	vst.idx.add.f32.msk vm9, v17;
	vm11 =	vlt.s32 v15, v1;
	vm3 =	vmand vm3, vm6;
	vm13 =	vlt.s32 v10, v1  }
.Ltmp1:
0x4d: {  	[tilespmem:v23+s2+$0x0] =	vst.idx.add.f32.msk vm8, v18;
	vm6 =	vmand vm10, vm11;
	v23 =	vsub.s32 v15, v0;
	v11 =	vnsel vm3, $0x0, v11;
	(pc) =	sbr.rel @p0 .LBB2_5-.Ltmp1, $4  }
0x4e: {  	(xrf1) =	vunique.msk.u32 vm4, v9;
	_, v13, vm10 =	vpop (xrf1);
	v15 =	vsub.s32 v12, v0;
	v18 =	vsub.s32 v10, v0;
	v21 =	vsub.s32 v14, v0  }
0x4f: {  	vm8 =	vge.s32 v16, v0;
	vm9 =	vlt.s32 v16, v1;
	[tilespmem:v7+s2+$0x0] =	vst.idx.add.f32.msk vm1, v20;
	v7 =	vnsel vm6, $0x0, v23;
	_, v17, vm1 =	vpop (xrf1)  }
0x50: {  	vm11 =	vge.s32 v12, v0;
	vm15 =	vlt.s32 v14, v1;
	vm8 =	vmand vm8, vm9;
	(xrf1) =	vunique.msk.u32 vm6, v7;
	_, v19, vm12 =	vpop (xrf1)  }
0x51: {  	[tilespmem:v24+s2+$0x0] =	vst.idx.add.f32.msk vm14, v25;
	(xrf1) =	vunique.msk.u32 vm3, v11;
	v17 =	vcvt.s32.f32 v17;
	vm9 =	vmand vm7, vm1;
	_, v20, vm7 =	vpop (xrf1)  }
0x52: {  	v16 =	vsub.s32 v16, v0;
	vm1 =	vge.s32 v10, v0  }
0x53: {  	vm14 =	vmand vm1, vm13;
	vm1 =	vge.s32 v14, v0;
	v10 =	vnsel vm8, $0x0, v16  }
0x54: {  	vm13 =	vmand vm1, vm15;
	vm1 =	vlt.s32 v12, v1;
	(xrf1) =	vunique.msk.u32 vm8, v10;
	v12 =	vnsel vm14, $0x0, v18  }
0x55: {  	v14 =	vnsel vm13, $0x0, v21;
	vm11 =	vmand vm11, vm1;
	(xrf1) =	vunique.msk.u32 vm14, v12  }
0x56: {  	v15 =	vnsel vm11, $0x0, v15;
	(xrf1) =	vunique.msk.u32 vm13, v14  }
0x57: {  	(xrf1) =	vunique.msk.u32 vm11, v15;
	_ =	sdelay $0x1  }
0x58: {  	v18 =	vld [tilespmem:$0x1FFF0];
	_ =	sdelay $0x3  }
0x59: {  	vm1 =	vmand vm5, vm10  }
0x5a: {  	vm0 =	vmand vm0, vm7;
	_, v16, vm5 =	vpop (xrf1);
	vm7 =	vnez.u8 v18  }
0x5b: {  	v13 =	vcvt.s32.f32 v13;
	vm7 =	vmand vm7, vm12;
	_, v18, vm10 =	vpop (xrf1)  }
0x5c: {  	vm4 =	vmand vm4, vm10;
	_, v21, vm10 =	vpop (xrf1)  }
0x5d: {  	vm2 =	vmand vm2, vm5;
	_, v22, vm5 =	vpop (xrf1)  }
0x5e: {  	v20 =	vcvt.s32.f32 v20;
	[tilespmem:v6+s2+$0x0] =	vst.idx.add.f32.msk vm9, v17;
	vm6 =	vmand vm6, vm10;
	_, v6, vm9 =	vpop (xrf1)  }
0x5f: {  	v17 =	vcvt.s32.f32 v19;
	[tilespmem:v3+s2+$0x0] =	vst.idx.add.f32.msk vm1, v13;
	vm1 =	vmand vm3, vm5;
	vm5 =	vmmov vm8;
	_, v3, vm3 =	vpop (xrf1)  }
0x60: {  	[tilespmem:v5+s2+$0x0] =	vst.idx.add.f32.msk vm0, v20;
	v5 =	vcvt.s32.f32 v18;
	vm5 =	vmand vm5, vm9;
	_, v13, vm0 =	vpop (xrf1)  }
0x61: {  	[tilespmem:v4+s2+$0x0] =	vst.idx.add.f32.msk vm7, v17;
	v4 =	vcvt.s32.f32 v16;
	vm3 =	vmand vm14, vm3;
	_, v16, vm7 =	vpop (xrf1)  }
0x62: {  	vm8 =	vmmov vm13;
	v17 =	vcvt.s32.f32 v21;
	[tilespmem:v9+s2+$0x0] =	vst.idx.add.f32.msk vm4, v5;
	vm4 =	vmand vm11, vm7  }
0x63: {  	s14 =	sshll.u32 s13, $0x1;
	[tilespmem:v8+s2+$0x0] =	vst.idx.add.f32.msk vm2, v4;
	v5 =	vcvt.s32.f32 v22;
	vm0 =	vmand vm8, vm0  }
0x64: {  	s14 =	smin.u32 s14, $0x2E;
	v4 =	vcvt.s32.f32 v6;
	[tilespmem:v7+s2+$0x0] =	vst.idx.add.f32.msk vm6, v17  }
0x65: {  	s14 =	smul.u32 $0x1900, s14;
	v3 =	vcvt.s32.f32 v3;
	[tilespmem:v11+s2+$0x0] =	vst.idx.add.f32.msk vm1, v5  }
0x66: {  	v5 =	vcvt.s32.f32 v16;
	[tilespmem:v10+s2+$0x0] =	vst.idx.add.f32.msk vm5, v4  }
0x67: {  	s14 =	sshrl.u32 s14, $0x3;
	[tilespmem:v12+s2+$0x0] =	vst.idx.add.f32.msk vm3, v3;
	v3 =	vcvt.s32.f32 v13  }
0x68: {  	s14 =	sadd.s32 s3, s14;
	[tilespmem:v15+s2+$0x0] =	vst.idx.add.f32.msk vm4, v5  }
0x69: {  	s15 =	sadd.s32 $0x640, s14;
	[tilespmem:v14+s2+$0x0] =	vst.idx.add.f32.msk vm0, v3  }
0x6a: {  	[tilespmem:s7], [sflag:$0x1] =	stream.linear.gather [hbm4b:s15+s2], $0x1900, $0x38;
	[tilespmem:$0xFA00] =	vst v63  }
0x6b: {  	_ =	swait.ge [sflag:s10], $0x1900  }
0x6c: {  	[sflag:s10] =	ssyncset.done $0x0  }
0x6d: {  	s31 =	simm.s32 $0xE140;
	[sflag:s10] =	ssyncadd.s32 $0xFFFFE700  }
0x6e: {  	v3 =	vld [tilespmem:s31+$0xFFFFFFC0];
	_ =	sdelay $0x3  }
0x6f: {  	v4 =	vld [tilespmem:s31+$0x30]  }
0x70: {  	v6 =	vld [tilespmem:s31+$0x10];
	vm0 =	vge.s32 v3, v0;
	vm1 =	vlt.s32 v3, v1  }
0x71: {  	v5 =	vld [tilespmem:s31+$0x20];
	v3 =	vsub.s32 v3, v0;
	vm1 =	vmand vm0, vm1  }
0x72: {  	v7 =	vnsel vm1, $0x0, v3  }
0x73: {  	(xrf1) =	vunique.msk.u32 vm1, v7;
	_ =	sdelay $0x1  }
0x74: {  	vm2 =	vlt.s32 v4, v1;
	vm3 =	vge.s32 v6, v0  }
0x75: {  	v9 =	vld [tilespmem:s31+$0xFFFFFFF0];
	vm4 =	vlt.s32 v6, v1;
	vm5 =	vlt.s32 v5, v1;
	vm0 =	vge.s32 v4, v0  }
0x76: {  	v8 =	vld [tilespmem:s31+$0xFFFFFFD0];
	v6 =	vsub.s32 v6, v0;
	vm2 =	vmand vm0, vm2;
	v3 =	vsub.s32 v4, v0  }
0x77: {  	vm4 =	vmand vm3, vm4;
	v4 =	vld [tilespmem:s31+$0x0];
	vm0 =	vge.s32 v5, v0;
	v11 =	vnsel vm2, $0x0, v3  }
0x78: {  	v5 =	vsub.s32 v5, v0;
	v18 =	vnsel vm4, $0x0, v6;
	v3 =	vld [tilespmem:s31+$0xFFFFFFE0];
	vm3 =	vmand vm0, vm5;
	(xrf1) =	vunique.msk.u32 vm2, v11  }
0x79: {  	v20 =	vnsel vm3, $0x0, v5;
	(xrf1) =	vunique.msk.u32 vm4, v18  }
0x7a: {  	vm6 =	vge.s32 v9, v0;
	(xrf1) =	vunique.msk.u32 vm3, v20  }
0x7b: {  	v6 =	vsub.s32 v8, v0;
	vm0 =	vge.s32 v8, v0;
	vm5 =	vlt.s32 v8, v1  }
0x7c: {  	vm5 =	vmand vm0, vm5;
	v5 =	vsub.s32 v4, v0;
	vm7 =	vlt.s32 v4, v1  }
0x7d: {  	vm8 =	vge.s32 v4, v0;
	v10 =	vsub.s32 v3, v0;
	vm0 =	vlt.s32 v3, v1  }
0x7e: {  	s15 =	simm.s32 $0xE1C0;
	vm9 =	vge.s32 v3, v0;
	v3 =	vnsel vm5, $0x0, v6;
	vm7 =	vmand vm8, vm7  }
0x7f: {  	v13 =	vld [tilespmem:s15+$0x30];
	vm9 =	vmand vm9, vm0;
	vm0 =	vlt.s32 v9, v1;
	v6 =	vnsel vm7, $0x0, v5  }
0x80: {  	v8 =	vld [tilespmem:s15+$0xFFFFFFC0];
	(xrf1) =	vunique.msk.u32 vm5, v3;
	v5 =	vsub.s32 v9, v0;
	v4 =	vnsel vm9, $0x0, v10;
	vm0 =	vmand vm6, vm0;
	_, v9, vm6 =	vpop (xrf1)  }
0x81: {  	(xrf1) =	vunique.msk.u32 vm7, v6;
	v10 =	vimm.s32 $0x0;
	vm8 =	vmand vm1, vm6;
	vm1 =	vmmov vm9  }
0x82: {  	v5 =	vnsel vm0, $0x0, v5;
	(xrf1) =	vunique.msk.u32 vm9, v4;
	v10 =	vsel vm1, $0xFFFFFFFF, v10  }
0x83: {  	(xrf1) =	vunique.msk.u32 vm0, v5  }
0x84: {  	vm11 =	vlt.s32 v13, v1;
	[tilespmem:$0x1FFE0] =	vst v10  }
0x85: {  	vm10 =	vlt.s32 v8, v1;
	vm5 =	vmmov vm5;
	vm9 =	vge.s32 v8, v0;
	v15 =	vld [tilespmem:s15+$0x20]  }
0x86: {  	v8 =	vsub.s32 v8, v0;
	v19 =	vcvt.s32.f32 v9;
	v9 =	vsub.s32 v13, v0;
	v17 =	vld [tilespmem:s15+$0x10];
	_, v10, vm6 =	vpop (xrf1)  }
0x87: {  	v12 =	vld [tilespmem:s15+$0xFFFFFFF0];
	vm6 =	vmand vm2, vm6;
	vm2 =	vmand vm9, vm10;
	v21 =	vcvt.s32.f32 v10;
	_, v16, vm9 =	vpop (xrf1)  }
0x88: {  	v10 =	vld [tilespmem:s15+$0x0];
	vm10 =	vge.s32 v13, v0;
	v8 =	vnsel vm2, $0x0, v8;
	vm12 =	vmand vm4, vm9;
	_, v22, vm9 =	vpop (xrf1)  }
0x89: {  	[tilespmem:v7+s2+$0x0] =	vst.idx.add.f32.msk vm8, v19;
	vm4 =	vmand vm10, vm11;
	v23 =	vcvt.s32.f32 v16;
	vm14 =	vmand vm3, vm9  }
0x8a: {  	v16 =	vld [tilespmem:s15+$0xFFFFFFD0];
	v9 =	vnsel vm4, $0x0, v9;
	v22 =	vcvt.s32.f32 v22;
	v13 =	vsub.s32 v15, v0  }
0x8b: {  	v14 =	vld [tilespmem:s15+$0xFFFFFFE0];
	vm3 =	vge.s32 v15, v0;
	vm9 =	vlt.s32 v15, v1;
	vm10 =	vge.s32 v17, v0  }
0x8c: {  	(xrf1) =	vunique.msk.u32 vm2, v8;
	vm11 =	vlt.s32 v17, v1;
	v15 =	vsub.s32 v12, v0;
	vm3 =	vmand vm3, vm9  }
0x8d: {  	vm13 =	vlt.s32 v10, v1;
	[tilespmem:v11+s2+$0x0] =	vst.idx.add.f32.msk vm6, v21;
	vm6 =	vmand vm10, vm11;
	v21 =	vsub.s32 v17, v0  }
0x8e: {  	(xrf1) =	vunique.msk.u32 vm4, v9;
	v11 =	vnsel vm3, $0x0, v13;
	_, v13, vm9 =	vpop (xrf1);
	v17 =	vsub.s32 v10, v0;
	vm11 =	vge.s32 v12, v0  }
0x8f: {  	vm8 =	vge.s32 v16, v0;
	vm15 =	vlt.s32 v16, v1;
	v7 =	vnsel vm6, $0x0, v21;
	[tilespmem:v18+s2+$0x0] =	vst.idx.add.f32.msk vm12, v23;
	_, v18, vm10 =	vpop (xrf1)  }
0x90: {  	v21 =	vsub.s32 v14, v0;
	vm8 =	vmand vm8, vm15;
	(xrf1) =	vunique.msk.u32 vm6, v7;
	v19 =	vcvt.s32.f32 v18;
	_, v18, vm12 =	vpop (xrf1)  }
0x91: {  	s16 =	simm.s32 $0x8;
	vm15 =	vlt.s32 v14, v1;
	vm10 =	vmand vm7, vm10;
	[tilespmem:v20+s2+$0x0] =	vst.idx.add.f32.msk vm14, v22;
	(xrf1) =	vunique.msk.u32 vm3, v11;
	_, v20, vm7 =	vpop (xrf1)  }
.LBB2_7:
0x92: {  	vm14 =	vge.s32 v14, v0  }
0x93: {  	vm5 =	vmand vm5, vm9;
	vm14 =	vmand vm14, vm15;
	vm15 =	vge.s32 v10, v0;
	v10 =	vld [tilespmem:$0x1FFE0];
	_ =	sdelay $0x3  }
0x94: {  	vm9 =	vlt.s32 v12, v1;
	vm1 =	vmand vm0, vm7;
	s15 =	sadd.s32 $0x80, s15;
	v13 =	vcvt.s32.f32 v13  }
0x95: {  	v16 =	vsub.s32 v16, v0;
	vm0 =	vmand vm11, vm9;
	vm9 =	vnez.u8 v10;
	v10 =	vld [tilespmem:s15+$0xFFFFFFC0]  }
0x96: {  	v22 =	vmovc v8;
	v8 =	vnsel vm8, $0x0, v16;
	vm7 =	vmand vm15, vm13;
	[tilespmem:v3+s2+$0x0] =	vst.idx.add.f32.msk vm5, v13;
	vm11 =	vmand vm9, vm12  }
0x97: {  	(xrf1) =	vunique.msk.u32 vm8, v8;
	v17 =	vnsel vm7, $0x0, v17;
	v13 =	vld [tilespmem:s15+$0x30]  }
0x98: {  	v23 =	vmov v9;
	v16 =	vcvt.s32.f32 v20;
	v9 =	vnsel vm14, $0x0, v21;
	_, v14, vm9 =	vpop (xrf1);
	(xrf1) =	vunique.msk.u32 vm7, v17  }
0x99: {  	v24 =	vmovc v11;
	[tilespmem:v6+s2+$0x0] =	vst.idx.add.f32.msk vm10, v19;
	v11 =	vnsel vm0, $0x0, v15;
	v15 =	vcvt.s32.f32 v18;
	(xrf1) =	vunique.msk.u32 vm14, v9  }
0x9a: {  	v3 =	vmovc v8;
	v8 =	vimm.s32 $0x0;
	vm5 =	vmmov vm8;
	[tilespmem:v5+s2+$0x0] =	vst.idx.add.f32.msk vm1, v16;
	(xrf1) =	vunique.msk.u32 vm0, v11  }
0x9b: {  	v6 =	vmovc v17;
	v5 =	vmovc v11;
	vm9 =	vmand vm2, vm9;
	vm2 =	vmmov vm14;
	vm1 =	vge.s32 v10, v0;
	v11 =	vld [tilespmem:s15+$0x20]  }
0x9c: {  	v17 =	vcvt.s32.f32 v14;
	vm10 =	vlt.s32 v13, v1;
	v8 =	vsel vm2, $0xFFFFFFFF, v8;
	_, v12, vm2 =	vpop (xrf1);
	[tilespmem:v4+s2+$0x0] =	vst.idx.add.f32.msk vm11, v15  }
0x9d: {  	[tilespmem:$0x1FFE0] =	vst v8;
	vm8 =	vmand vm4, vm2;
	vm2 =	vlt.s32 v10, v1;
	v8 =	vsub.s32 v10, v0;
	v15 =	vld [tilespmem:s15+$0x10]  }
0x9e: {  	v4 =	vmovc v9;
	v18 =	vcvt.s32.f32 v12;
	v10 =	vld [tilespmem:s15+$0x0];
	vm4 =	vge.s32 v13, v0;
	vm2 =	vmand vm1, vm2  }
0x9f: {  	v12 =	vld [tilespmem:s15+$0xFFFFFFF0];
	v9 =	vsub.s32 v13, v0;
	_, v16, vm1 =	vpop (xrf1);
	vm4 =	vmand vm4, vm10;
	v8 =	vnsel vm2, $0x0, v8  }
0xa0: {  	v14 =	vld [tilespmem:s15+$0xFFFFFFE0];
	vm1 =	vmand vm6, vm1;
	_, v19, vm6 =	vpop (xrf1);
	v9 =	vnsel vm4, $0x0, v9;
	v20 =	vcvt.s32.f32 v16  }
0xa1: {  	vm14 =	vmand vm3, vm6;
	v25 =	vcvt.s32.f32 v19;
	vm3 =	vge.s32 v11, v0  }
0xa2: {  	s16 =	sadd.s32 $0x8, s16;
	v16 =	vld [tilespmem:s15+$0xFFFFFFD0];
	(xrf1) =	vunique.msk.u32 vm2, v8;
	vm6 =	vlt.s32 v11, v1;
	v11 =	vsub.s32 v11, v0;
	vm10 =	vge.s32 v15, v0  }
0xa3: {  	p0 =	slt.u32 s16, $0x188;
	[tilespmem:v22+s2+$0x0] =	vst.idx.add.f32.msk vm9, v17;
	vm11 =	vlt.s32 v15, v1;
	vm3 =	vmand vm3, vm6;
	v19 =	vsub.s32 v15, v0  }
.Ltmp2:
0xa4: {  	(xrf1) =	vunique.msk.u32 vm4, v9;
	v15 =	vsub.s32 v12, v0;
	v17 =	vsub.s32 v10, v0;
	vm13 =	vlt.s32 v10, v1;
	(pc) =	sbr.rel @p0 .LBB2_7-.Ltmp2, $4  }
0xa5: {  	_, v13, vm9 =	vpop (xrf1);
	[tilespmem:v23+s2+$0x0] =	vst.idx.add.f32.msk vm8, v18;
	vm6 =	vmand vm10, vm11;
	v11 =	vnsel vm3, $0x0, v11;
	v21 =	vsub.s32 v14, v0  }
0xa6: {  	vm11 =	vge.s32 v12, v0;
	vm15 =	vlt.s32 v14, v1;
	[tilespmem:v7+s2+$0x0] =	vst.idx.add.f32.msk vm1, v20;
	v7 =	vnsel vm6, $0x0, v19;
	_, v18, vm1 =	vpop (xrf1)  }
0xa7: {  	vm8 =	vge.s32 v16, v0;
	vm10 =	vlt.s32 v16, v1;
	(xrf1) =	vunique.msk.u32 vm6, v7;
	v19 =	vcvt.s32.f32 v18;
	_, v18, vm12 =	vpop (xrf1)  }
0xa8: {  	vm8 =	vmand vm8, vm10;
	[tilespmem:v24+s2+$0x0] =	vst.idx.add.f32.msk vm14, v25;
	(xrf1) =	vunique.msk.u32 vm3, v11;
	vm10 =	vmand vm7, vm1;
	_, v20, vm7 =	vpop (xrf1)  }
0xa9: {  	v16 =	vsub.s32 v16, v0;
	vm1 =	vge.s32 v10, v0  }
0xaa: {  	vm14 =	vmand vm1, vm13;
	vm13 =	vge.s32 v14, v0;
	v48 =	vnsel vm8, $0x0, v16  }
0xab: {  	vm13 =	vmand vm13, vm15;
	vm15 =	vlt.s32 v12, v1;
	(xrf1) =	vunique.msk.u32 vm8, v48;
	v49 =	vnsel vm14, $0x0, v17  }
0xac: {  	v50 =	vnsel vm13, $0x0, v21;
	vm11 =	vmand vm11, vm15;
	(xrf1) =	vunique.msk.u32 vm14, v49  }
0xad: {  	v15 =	vnsel vm11, $0x0, v15;
	(xrf1) =	vunique.msk.u32 vm13, v50  }
0xae: {  	(xrf1) =	vunique.msk.u32 vm11, v15;
	_ =	sdelay $0x1  }
0xaf: {  	v52 =	vld [tilespmem:$0x1FFE0];
	_ =	sdelay $0x3  }
0xb0: {  	vm1 =	vmand vm5, vm9  }
0xb1: {  	vm0 =	vmand vm0, vm7;
	vm9 =	vnez.u8 v52;
	_, v51, vm5 =	vpop (xrf1)  }
0xb2: {  	vm7 =	vmand vm9, vm12;
	_, v53, vm12 =	vpop (xrf1)  }
0xb3: {  	vm2 =	vmand vm2, vm5;
	_, v54, vm15 =	vpop (xrf1)  }
0xb4: {  	v13 =	vcvt.s32.f32 v13;
	vm4 =	vmand vm4, vm12;
	_, v22, vm12 =	vpop (xrf1)  }
0xb5: {  	[tilespmem:v6+s2+$0x0] =	vst.idx.add.f32.msk vm10, v19;
	v55 =	vcvt.s32.f32 v20;
	vm6 =	vmand vm6, vm15;
	_, v56, vm9 =	vpop (xrf1)  }
0xb6: {  	v18 =	vcvt.s32.f32 v18;
	vm10 =	vmmov vm8;
	[tilespmem:v3+s2+$0x0] =	vst.idx.add.f32.msk vm1, v13;
	vm1 =	vmand vm3, vm12;
	_, v3, vm15 =	vpop (xrf1)  }
0xb7: {  	[tilespmem:v5+s2+$0x0] =	vst.idx.add.f32.msk vm0, v55;
	v58 =	vcvt.s32.f32 v51;
	vm5 =	vmand vm10, vm9;
	_, v6, vm0 =	vpop (xrf1)  }
0xb8: {  	v57 =	vcvt.s32.f32 v53;
	[tilespmem:v4+s2+$0x0] =	vst.idx.add.f32.msk vm7, v18;
	vm3 =	vmand vm14, vm15;
	_, v59, vm12 =	vpop (xrf1)  }
0xb9: {  	v60 =	vcvt.s32.f32 v54;
	[tilespmem:v8+s2+$0x0] =	vst.idx.add.f32.msk vm2, v58;
	vm14 =	vmmov vm13;
	vm15 =	vmand vm11, vm12  }
0xba: {  	v61 =	vcvt.s32.f32 v22;
	[tilespmem:v9+s2+$0x0] =	vst.idx.add.f32.msk vm4, v57;
	vm0 =	vmand vm14, vm0  }
0xbb: {  	s13 =	sadd.s32 $0x1, s13;
	v62 =	vcvt.s32.f32 v56;
	[tilespmem:v7+s2+$0x0] =	vst.idx.add.f32.msk vm6, v60  }
0xbc: {  	p0 =	sne.s32 s13, $0x19;
	v3 =	vcvt.s32.f32 v3;
	[tilespmem:v11+s2+$0x0] =	vst.idx.add.f32.msk vm1, v61  }
.Ltmp3:
0xbd: {  	v63 =	vcvt.s32.f32 v59;
	[tilespmem:v48+s2+$0x0] =	vst.idx.add.f32.msk vm5, v62;
	(pc) =	sbr.rel @p0 .LBB2_4-.Ltmp3, $4  }
0xbe: {  	[tilespmem:v49+s2+$0x0] =	vst.idx.add.f32.msk vm3, v3;
	v3 =	vcvt.s32.f32 v6  }
0xbf: {  	[tilespmem:v15+s2+$0x0] =	vst.idx.add.f32.msk vm15, v63  }
0xc0: {  	s14 =	sadd.s32 $0x960, s14;
	[tilespmem:v50+s2+$0x0] =	vst.idx.add.f32.msk vm0, v3  }
0xc1: {  	[tilespmem:s8], [sflag:$0x2] =	stream.linear.gather [hbm4b:s14+s2], $0x1900, $0x38;
	[tilespmem:$0xFA00] =	vst v63  }
0xc2: {  	_ =	swait.ge [sflag:s9], $0x1900  }
0xc3: {  	[sflag:s9] =	ssyncset.done $0x0  }
0xc4: {  	[sflag:s9] =	ssyncadd.s32 $0xFFFFE700  }
0xc5: {  	s12 =	sadd.s32 $0x1, s12;
	_ =	swait.ge [sflag:s10], $0x1900  }
0xc6: {  	p0 =	sne.s32 s12, s6;
	[sflag:s10] =	ssyncset.done $0x0  }
.Ltmp4:
0xc7: {  	[sflag:s10] =	ssyncadd.s32 $0xFFFFE700;
	(pc) =	sbr.rel @p0 .LBB2_1-.Ltmp4, $4  }
0xc8: {  	[hbm4b:s5+s2] =	stream.linear.scatter [tilespmem:s2], [sflag:$0x3], $0xC800, $0x38;
	[tilespmem:$0xFA00] =	vst v63  }
0xc9: {  	_ =	swait.ge [sflag:s11], $0xC800  }
0xca: {  	[sflag:s11] =	ssyncset.done $0x0  }
0xcb: {  	[sflag:s11] =	ssyncadd.s32 $0xFFFF3800  }
0xcc: {  	_ =	sfence.sel $0x180000  }
0xcd: {  	[bflag:$0x0] =	sbarrier.arrive $0xFFFF  }
0xce: {  	p0 =	sne.s32 s0, $0x0;
	_ =	strace $0x90000047  }
0xcf: {  	s0 =	sadd.s32 @!p0 $0x100000, s1;
	[bflag:$0x2] =	sbarrier.arrive $0xFFFF  }
0xd0: {  	[sflag:s0] =	ssyncadd.tile.s32 @!p0 $0x1;
	_ =	shalt  }
.Lfunc_end2:
_tile_overlayer_lowered:
.L_overlay_start_2:
0xd1: {  	(tag) =	ssettag $0x2  }
0xd2: {  	s0 =	rddreg [dreg:$0x0];
	s2 =	stileid.u32  }
0xd3: {  	s1 =	rddreg [dreg:$0x1];
	p0 =	sne.s32 s2, $0x0  }
0xd4: {  	s3 =	rddreg [dreg:$0x2];
	[bflag:$0x3] =	sbarrier.arrive $0xFFFF;
	s2 =	simm.s32 @!p0 $0x1C03  }
0xd5: {  	[timem:s3], [sflag:s2] =	dma.local @!p0 [hbm:s0], s1  }
0xd6: {  	s0 =	simm.s32 @!p0 $0x3  }
0xd7: {  	_ =	swait.ge @!p0 [sflag:s0], s1  }
0xd8: {  	s1 =	ssub.s32 @!p0 $0x0, s1;
	[sflag:s0] =	ssyncset.done @!p0 $0x0  }
0xd9: {  	[sflag:s0] =	ssyncadd.s32 @!p0 s1  }
0xda: {  	[bflag:$0x3] =	sbarrier.arrive $0xFFFF  }
0xdb: {  	_ =	shalt  }

</sc_bundles>
